<compile_context>
chip_gen: v7x
topology: tpu7x:2x2x1
jax: 0.10.2.dev20260603
libtpu: 0.0.44.dev20260713+nightly
codegen_flags: <defaults>
</compile_context>

<pallas_src>
import functools

import jax
import jax.numpy as jnp
from jax import lax
from jax.experimental import pallas as pl
from jax.experimental.pallas import tpu as pltpu
from jax.experimental.pallas import tpu_sc as plsc

B, H = 4096, 50
DL, DT = 64, 32
D = DL + DT
NLOC, NTIME = 4, 3
NC, NS = 2, 16
NW = NC * NS
C = 128
NBLK = B // C
NB = 2


def _body(xw, tw, wl0, wl1, wl2, wl3, wt0, wt1, wt2, out,
          xi0, xi1, ti0, ti1, r00, r01, r02, r03, r10, r11, r12, r13,
          s00, s01, s02, s10, s11, s12, o0, o1,
          gsem0, gsem1, osem0, osem1, isem0, isem1):
    wid = lax.axis_index("s") * NC + lax.axis_index("c")

    xid = [xi0, xi1]
    tid = [ti0, ti1]
    rl = [[r00, r01, r02, r03], [r10, r11, r12, r13]]
    rt = [[s00, s01, s02], [s10, s11, s12]]
    ostage = [o0, o1]
    gsem = [gsem0, gsem1]
    osem = [osem0, osem1]
    isem = [isem0, isem1]
    wls = [wl0, wl1, wl2, wl3]
    wts = [wt0, wt1, wt2]

    def fire_idx(h, b):
        pltpu.async_copy(xw.at[h, wid], xid[b], isem[b])
        pltpu.async_copy(tw.at[h, wid], tid[b], isem[b])

    def fire_gathers(b):
        pltpu.make_async_copy(xw.at[0, 0], xid[b], isem[b]).wait()
        pltpu.make_async_copy(tw.at[0, 0], tid[b], isem[b]).wait()
        for l in range(NLOC):
            pltpu.async_copy(wls[l].at[xid[b].at[l]], rl[b][l], gsem[b])
        for l in range(NTIME):
            pltpu.async_copy(wts[l].at[tid[b].at[l]], rt[b][l], gsem[b])

    def drain_gathers(b):
        for l in range(NLOC):
            pltpu.make_async_copy(wls[l].at[pl.ds(0, C)], rl[b][l],
                                  gsem[b]).wait()
        for l in range(NTIME):
            pltpu.make_async_copy(wts[l].at[pl.ds(0, C)], rt[b][l],
                                  gsem[b]).wait()

    def drain_out(b):
        pltpu.make_async_copy(ostage[b].at[:, :, pl.ds(0, C)],
                              out.at[0, :, 0], osem[b]).wait()

    lanes = lax.iota(jnp.int32, 16)
    dvs = [lanes + 16 * j for j in range(D // 16)]
    trs = [dv >> 3 for dv in dvs]
    srs = [dv & 7 for dv in dvs]

    def compute(b):
        r0, r1, r2, r3 = rl[b]
        s0, s1, s2 = rt[b]
        ob = ostage[b]

        @plsc.parallel_loop(0, C, unroll=4)
        def add_row(i):
            pcol = lanes * 0 + i
            for j in range(DL // 16):
                sl = pl.ds(j * 16, 16)
                v = (r0[i, sl] + r1[i, sl]) + (r2[i, sl] + r3[i, sl])
                plsc.store_scatter(ob, [trs[j], srs[j], pcol], v)
            for j in range(DT // 16):
                sl = pl.ds(j * 16, 16)
                v = (s0[i, sl] + s1[i, sl]) + s2[i, sl]
                jj = DL // 16 + j
                plsc.store_scatter(ob, [trs[jj], srs[jj], pcol], v)

    for b in range(NB):
        fire_idx(b, b)
    for b in range(NB):
        fire_gathers(b)

    def step(i, _):
        for b in range(NB):
            h = i * NB + b
            drain_gathers(b)

            @pl.when(h + NB < H)
            def _i():
                fire_idx(h + NB, b)

            @pl.when(i > 0)
            def _w():
                drain_out(b)

            compute(b)
            pltpu.async_copy(ostage[b].at[:, :, pl.ds(0, C)],
                             out.at[h, :, wid], osem[b])

            @pl.when(h + NB < H)
            def _f():
                fire_gathers(b)
        return _

    lax.fori_loop(0, H // NB, step, None)
    for b in range(NB):
        drain_out(b)


@jax.jit
def _emb(xw, tw, wl0, wl1, wl2, wl3, wt0, wt1, wt2):
    mesh = plsc.VectorSubcoreMesh(core_axis_name="c", subcore_axis_name="s")
    scratch = (
        [pltpu.VMEM((NLOC, C), jnp.int32) for _ in range(NB)]
        + [pltpu.VMEM((NTIME, C), jnp.int32) for _ in range(NB)]
        + [pltpu.VMEM((C, DL), jnp.float32) for _ in range(NB * NLOC)]
        + [pltpu.VMEM((C, DT), jnp.float32) for _ in range(NB * NTIME)]
        + [pltpu.VMEM((D // 8, 8, C + 1), jnp.float32) for _ in range(NB)]
        + [pltpu.SemaphoreType.DMA for _ in range(3 * NB)]
    )
    return pl.kernel(
        _body,
        out_type=jax.ShapeDtypeStruct((H, D // 8, NBLK, 8, C), jnp.float32),
        mesh=mesh,
        scratch_types=scratch,
        compiler_params=pltpu.CompilerParams(use_tc_tiling_on_sc=False,
                                             needs_layout_passes=False),
    )(xw, tw, wl0, wl1, wl2, wl3, wt0, wt1, wt2)


def kernel(x, t, W_loc0, W_loc1, W_loc2, W_loc3, W_time0, W_time1, W_time2):
    xw = (x.astype(jnp.int32).transpose(1, 0, 2)
          .reshape(H, NBLK, C, NLOC).transpose(0, 1, 3, 2))
    tw = (t.astype(jnp.int32).transpose(1, 0, 2)
          .reshape(H, NBLK, C, NTIME).transpose(0, 1, 3, 2))
    out5 = _emb(xw, tw, W_loc0, W_loc1, W_loc2, W_loc3,
                W_time0, W_time1, W_time2)
    return out5.transpose(2, 4, 0, 1, 3).reshape(B, H, D)

# --- scband reference (transcript-rebuilt; emitter-appended) ---
"""Pipeline reference for scband-lookup-sum-embedding-19997367730229 (READ-ONLY COPY).

The authoritative reference and input builder live on the scoring server;
editing this copy changes nothing except your own understanding.
"""

import jax, jax.numpy as jnp
import numpy as np

NUM_LOC = [100000, 100000, 100000, 100000]
DIM_LOC = 64
NUM_TIME = [1000, 1000, 1000]
DIM_TIME = 32
WEIGHT_FACTOR = 2
BATCH, HIST = 4096, 50


def setup_inputs(seed: int = 0) -> dict:
    key = jax.random.key(seed)
    ks = jax.random.split(key, 2 + len(NUM_LOC) + len(NUM_TIME))
    x = jax.random.randint(ks[0], (BATCH, HIST, len(NUM_LOC)), 0, NUM_LOC[0])
    t = jax.random.randint(ks[1], (BATCH, HIST, len(NUM_TIME)), 0, NUM_TIME[0])
    # nn.Embedding init is N(0,1); loc tables are scaled by logspace level weights at init
    loc_w = np.logspace(0, len(NUM_LOC) - 1, len(NUM_LOC), base=WEIGHT_FACTOR)
    loc_w = loc_w / loc_w.sum()
    inp = {"x": x, "t": t}
    for i, n in enumerate(NUM_LOC):
        inp[f"W_loc{i}"] = jax.random.normal(ks[2 + i], (n, DIM_LOC), dtype=jnp.float32) * float(loc_w[i])
    for i, n in enumerate(NUM_TIME):
        inp[f"W_time{i}"] = jax.random.normal(ks[2 + len(NUM_LOC) + i], (n, DIM_TIME), dtype=jnp.float32)
    return inp


def reference(x, t, W_loc0, W_loc1, W_loc2, W_loc3, W_time0, W_time1, W_time2):
    W_loc = [W_loc0, W_loc1, W_loc2, W_loc3]
    W_time = [W_time0, W_time1, W_time2]
    # loc_level is None: sum embeddings across all location levels
    x_embedded = jnp.stack([jnp.take(W_loc[level], x[..., level], axis=0) for level in range(len(W_loc))]).sum(0)
    t_embedded = jnp.stack([jnp.take(W_time[level], t[..., level], axis=0) for level in range(len(W_time))]).sum(0)
    return jnp.concatenate([x_embedded, t_embedded], axis=-1)

if __name__ == "__main__":
    import jax
    _d = setup_inputs()
    print(jax.jit(kernel)(*tuple(_d.values())))

</pallas_src>

<mosaic_0001>
#map = affine_map<(d0, d1) -> (0, 0, 0, 0)>
#map1 = affine_map<(d0, d1) -> (0, 0)>
#map2 = affine_map<(d0, d1) -> (0, 0, 0, 0, 0)>
module attributes {stable_mosaic.version = 14 : i64} {
  func.func @_body(%arg0: i32, %arg1: i32, %arg2: memref<50x32x4x128xi32, #tpu.memory_space<hbm>>, %arg3: memref<50x32x3x128xi32, #tpu.memory_space<hbm>>, %arg4: memref<100000x64xf32, #tpu.memory_space<hbm>>, %arg5: memref<100000x64xf32, #tpu.memory_space<hbm>>, %arg6: memref<100000x64xf32, #tpu.memory_space<hbm>>, %arg7: memref<100000x64xf32, #tpu.memory_space<hbm>>, %arg8: memref<1000x32xf32, #tpu.memory_space<hbm>>, %arg9: memref<1000x32xf32, #tpu.memory_space<hbm>>, %arg10: memref<1000x32xf32, #tpu.memory_space<hbm>>, %arg11: memref<50x12x32x8x128xf32, #tpu.memory_space<hbm>>, %arg12: memref<4x128xi32, #tpu.memory_space<vmem>>, %arg13: memref<4x128xi32, #tpu.memory_space<vmem>>, %arg14: memref<3x128xi32, #tpu.memory_space<vmem>>, %arg15: memref<3x128xi32, #tpu.memory_space<vmem>>, %arg16: memref<128x64xf32, #tpu.memory_space<vmem>>, %arg17: memref<128x64xf32, #tpu.memory_space<vmem>>, %arg18: memref<128x64xf32, #tpu.memory_space<vmem>>, %arg19: memref<128x64xf32, #tpu.memory_space<vmem>>, %arg20: memref<128x64xf32, #tpu.memory_space<vmem>>, %arg21: memref<128x64xf32, #tpu.memory_space<vmem>>, %arg22: memref<128x64xf32, #tpu.memory_space<vmem>>, %arg23: memref<128x64xf32, #tpu.memory_space<vmem>>, %arg24: memref<128x32xf32, #tpu.memory_space<vmem>>, %arg25: memref<128x32xf32, #tpu.memory_space<vmem>>, %arg26: memref<128x32xf32, #tpu.memory_space<vmem>>, %arg27: memref<128x32xf32, #tpu.memory_space<vmem>>, %arg28: memref<128x32xf32, #tpu.memory_space<vmem>>, %arg29: memref<128x32xf32, #tpu.memory_space<vmem>>, %arg30: memref<12x8x129xf32, #tpu.memory_space<vmem>>, %arg31: memref<12x8x129xf32, #tpu.memory_space<vmem>>, %arg32: memref<!tpu.dma_semaphore, #tpu.memory_space<semaphore_mem>>, %arg33: memref<!tpu.dma_semaphore, #tpu.memory_space<semaphore_mem>>, %arg34: memref<!tpu.dma_semaphore, #tpu.memory_space<semaphore_mem>>, %arg35: memref<!tpu.dma_semaphore, #tpu.memory_space<semaphore_mem>>, %arg36: memref<!tpu.dma_semaphore, #tpu.memory_space<semaphore_mem>>, %arg37: memref<!tpu.dma_semaphore, #tpu.memory_space<semaphore_mem>>) attributes {dimension_semantics = [#tpu.dimension_semantics<core_parallel>, #tpu.dimension_semantics<subcore_parallel>], iteration_bounds = array<i64: 2, 16>, scalar_prefetch = 0 : i64, scratch_operands = 26 : i64, tpu.core_type = #tpu.core_type<sc_vector_subcore>, window_params = [{transform_indices = #map}, {transform_indices = #map}, {transform_indices = #map1}, {transform_indices = #map1}, {transform_indices = #map1}, {transform_indices = #map1}, {transform_indices = #map1}, {transform_indices = #map1}, {transform_indices = #map1}, {transform_indices = #map2}]} {
    %mul3A = arith.constant 2 : i32
    %mul3A_0 = arith.muli %arg1, %mul3A : i32
    %add3A = arith.addi %mul3A_0, %arg0 : i32
    %iota3A = tpu.iota {dimensions = array<i32: 0>} : vector<16xi32>
    %add3A_1 = arith.constant 0 : i32
    %add3A_2 = vector.broadcast %add3A_1 : i32 to vector<16xi32>
    %add3A_3 = arith.addi %iota3A, %add3A_2 : vector<16xi32>
    %add3A_4 = arith.constant 16 : i32
    %add3A_5 = vector.broadcast %add3A_4 : i32 to vector<16xi32>
    %add3A_6 = arith.addi %iota3A, %add3A_5 : vector<16xi32>
    %add3A_7 = arith.constant 32 : i32
    %add3A_8 = vector.broadcast %add3A_7 : i32 to vector<16xi32>
    %add3A_9 = arith.addi %iota3A, %add3A_8 : vector<16xi32>
    %add3A_10 = arith.constant 48 : i32
    %add3A_11 = vector.broadcast %add3A_10 : i32 to vector<16xi32>
    %add3A_12 = arith.addi %iota3A, %add3A_11 : vector<16xi32>
    %add3A_13 = arith.constant 64 : i32
    %add3A_14 = vector.broadcast %add3A_13 : i32 to vector<16xi32>
    %add3A_15 = arith.addi %iota3A, %add3A_14 : vector<16xi32>
    %add3A_16 = arith.constant 80 : i32
    %add3A_17 = vector.broadcast %add3A_16 : i32 to vector<16xi32>
    %add3A_18 = arith.addi %iota3A, %add3A_17 : vector<16xi32>
    %shift_right_arithmetic3A = arith.constant 3 : i32
    %shift_right_arithmetic3A_19 = vector.broadcast %shift_right_arithmetic3A : i32 to vector<16xi32>
    %shift_right_arithmetic3A_20 = arith.shrsi %add3A_3, %shift_right_arithmetic3A_19 : vector<16xi32>
    %shift_right_arithmetic3A_21 = arith.constant 3 : i32
    %shift_right_arithmetic3A_22 = vector.broadcast %shift_right_arithmetic3A_21 : i32 to vector<16xi32>
    %shift_right_arithmetic3A_23 = arith.shrsi %add3A_6, %shift_right_arithmetic3A_22 : vector<16xi32>
    %shift_right_arithmetic3A_24 = arith.constant 3 : i32
    %shift_right_arithmetic3A_25 = vector.broadcast %shift_right_arithmetic3A_24 : i32 to vector<16xi32>
    %shift_right_arithmetic3A_26 = arith.shrsi %add3A_9, %shift_right_arithmetic3A_25 : vector<16xi32>
    %shift_right_arithmetic3A_27 = arith.constant 3 : i32
    %shift_right_arithmetic3A_28 = vector.broadcast %shift_right_arithmetic3A_27 : i32 to vector<16xi32>
    %shift_right_arithmetic3A_29 = arith.shrsi %add3A_12, %shift_right_arithmetic3A_28 : vector<16xi32>
    %shift_right_arithmetic3A_30 = arith.constant 3 : i32
    %shift_right_arithmetic3A_31 = vector.broadcast %shift_right_arithmetic3A_30 : i32 to vector<16xi32>
    %shift_right_arithmetic3A_32 = arith.shrsi %add3A_15, %shift_right_arithmetic3A_31 : vector<16xi32>
    %shift_right_arithmetic3A_33 = arith.constant 3 : i32
    %shift_right_arithmetic3A_34 = vector.broadcast %shift_right_arithmetic3A_33 : i32 to vector<16xi32>
    %shift_right_arithmetic3A_35 = arith.shrsi %add3A_18, %shift_right_arithmetic3A_34 : vector<16xi32>
    %and3A = arith.constant 7 : i32
    %and3A_36 = vector.broadcast %and3A : i32 to vector<16xi32>
    %and3A_37 = arith.andi %add3A_3, %and3A_36 : vector<16xi32>
    %and3A_38 = arith.constant 7 : i32
    %and3A_39 = vector.broadcast %and3A_38 : i32 to vector<16xi32>
    %and3A_40 = arith.andi %add3A_6, %and3A_39 : vector<16xi32>
    %and3A_41 = arith.constant 7 : i32
    %and3A_42 = vector.broadcast %and3A_41 : i32 to vector<16xi32>
    %and3A_43 = arith.andi %add3A_9, %and3A_42 : vector<16xi32>
    %and3A_44 = arith.constant 7 : i32
    %and3A_45 = vector.broadcast %and3A_44 : i32 to vector<16xi32>
    %and3A_46 = arith.andi %add3A_12, %and3A_45 : vector<16xi32>
    %and3A_47 = arith.constant 7 : i32
    %and3A_48 = vector.broadcast %and3A_47 : i32 to vector<16xi32>
    %and3A_49 = arith.andi %add3A_15, %and3A_48 : vector<16xi32>
    %and3A_50 = arith.constant 7 : i32
    %and3A_51 = vector.broadcast %and3A_50 : i32 to vector<16xi32>
    %and3A_52 = arith.andi %add3A_18, %and3A_51 : vector<16xi32>
    %dma_start3A = arith.constant 0 : i32
    %dma_start3A_53 = arith.constant 0 : i32
    %dma_start3A_54 = arith.constant 0 : i32
    %dma_start3A_55 = tpu.memref_slice %arg2[%dma_start3A, %add3A, %dma_start3A_53, %dma_start3A_54] : memref<50x32x4x128xi32, #tpu.memory_space<hbm>> -> memref<1x1x4x128xi32, #tpu.memory_space<hbm>>
    %dma_start3A_56 = tpu.memref_squeeze %dma_start3A_55 : memref<1x1x4x128xi32, #tpu.memory_space<hbm>> -> memref<4x128xi32, #tpu.memory_space<hbm>>
    %dma_start3A_57 = arith.constant 0 : i32
    %dma_start3A_58 = arith.constant 0 : i32
    %dma_start3A_59 = tpu.memref_slice %arg2[%dma_start3A, %add3A, %dma_start3A_57, %dma_start3A_58] : memref<50x32x4x128xi32, #tpu.memory_space<hbm>> -> memref<1x1x4x128xi32, #tpu.memory_space<hbm>>
    %dma_start3A_60 = tpu.memref_squeeze %dma_start3A_59 : memref<1x1x4x128xi32, #tpu.memory_space<hbm>> -> memref<4x128xi32, #tpu.memory_space<hbm>>
    tpu.enqueue_dma source(%dma_start3A_60 : memref<4x128xi32, #tpu.memory_space<hbm>>) target(%arg12 : memref<4x128xi32, #tpu.memory_space<vmem>>) target_semaphore(%arg36 : memref<!tpu.dma_semaphore, #tpu.memory_space<semaphore_mem>>)
    %dma_start3A_61 = arith.constant 0 : i32
    %dma_start3A_62 = arith.constant 0 : i32
    %dma_start3A_63 = arith.constant 0 : i32
    %dma_start3A_64 = tpu.memref_slice %arg3[%dma_start3A_61, %add3A, %dma_start3A_62, %dma_start3A_63] : memref<50x32x3x128xi32, #tpu.memory_space<hbm>> -> memref<1x1x3x128xi32, #tpu.memory_space<hbm>>
    %dma_start3A_65 = tpu.memref_squeeze %dma_start3A_64 : memref<1x1x3x128xi32, #tpu.memory_space<hbm>> -> memref<3x128xi32, #tpu.memory_space<hbm>>
    %dma_start3A_66 = arith.constant 0 : i32
    %dma_start3A_67 = arith.constant 0 : i32
    %dma_start3A_68 = tpu.memref_slice %arg3[%dma_start3A_61, %add3A, %dma_start3A_66, %dma_start3A_67] : memref<50x32x3x128xi32, #tpu.memory_space<hbm>> -> memref<1x1x3x128xi32, #tpu.memory_space<hbm>>
    %dma_start3A_69 = tpu.memref_squeeze %dma_start3A_68 : memref<1x1x3x128xi32, #tpu.memory_space<hbm>> -> memref<3x128xi32, #tpu.memory_space<hbm>>
    tpu.enqueue_dma source(%dma_start3A_69 : memref<3x128xi32, #tpu.memory_space<hbm>>) target(%arg14 : memref<3x128xi32, #tpu.memory_space<vmem>>) target_semaphore(%arg36 : memref<!tpu.dma_semaphore, #tpu.memory_space<semaphore_mem>>)
    %dma_start3A_70 = arith.constant 1 : i32
    %dma_start3A_71 = arith.constant 0 : i32
    %dma_start3A_72 = arith.constant 0 : i32
    %dma_start3A_73 = tpu.memref_slice %arg2[%dma_start3A_70, %add3A, %dma_start3A_71, %dma_start3A_72] : memref<50x32x4x128xi32, #tpu.memory_space<hbm>> -> memref<1x1x4x128xi32, #tpu.memory_space<hbm>>
    %dma_start3A_74 = tpu.memref_squeeze %dma_start3A_73 : memref<1x1x4x128xi32, #tpu.memory_space<hbm>> -> memref<4x128xi32, #tpu.memory_space<hbm>>
    %dma_start3A_75 = arith.constant 0 : i32
    %dma_start3A_76 = arith.constant 0 : i32
    %dma_start3A_77 = tpu.memref_slice %arg2[%dma_start3A_70, %add3A, %dma_start3A_75, %dma_start3A_76] : memref<50x32x4x128xi32, #tpu.memory_space<hbm>> -> memref<1x1x4x128xi32, #tpu.memory_space<hbm>>
    %dma_start3A_78 = tpu.memref_squeeze %dma_start3A_77 : memref<1x1x4x128xi32, #tpu.memory_space<hbm>> -> memref<4x128xi32, #tpu.memory_space<hbm>>
    tpu.enqueue_dma source(%dma_start3A_78 : memref<4x128xi32, #tpu.memory_space<hbm>>) target(%arg13 : memref<4x128xi32, #tpu.memory_space<vmem>>) target_semaphore(%arg37 : memref<!tpu.dma_semaphore, #tpu.memory_space<semaphore_mem>>)
    %dma_start3A_79 = arith.constant 1 : i32
    %dma_start3A_80 = arith.constant 0 : i32
    %dma_start3A_81 = arith.constant 0 : i32
    %dma_start3A_82 = tpu.memref_slice %arg3[%dma_start3A_79, %add3A, %dma_start3A_80, %dma_start3A_81] : memref<50x32x3x128xi32, #tpu.memory_space<hbm>> -> memref<1x1x3x128xi32, #tpu.memory_space<hbm>>
    %dma_start3A_83 = tpu.memref_squeeze %dma_start3A_82 : memref<1x1x3x128xi32, #tpu.memory_space<hbm>> -> memref<3x128xi32, #tpu.memory_space<hbm>>
    %dma_start3A_84 = arith.constant 0 : i32
    %dma_start3A_85 = arith.constant 0 : i32
    %dma_start3A_86 = tpu.memref_slice %arg3[%dma_start3A_79, %add3A, %dma_start3A_84, %dma_start3A_85] : memref<50x32x3x128xi32, #tpu.memory_space<hbm>> -> memref<1x1x3x128xi32, #tpu.memory_space<hbm>>
    %dma_start3A_87 = tpu.memref_squeeze %dma_start3A_86 : memref<1x1x3x128xi32, #tpu.memory_space<hbm>> -> memref<3x128xi32, #tpu.memory_space<hbm>>
    tpu.enqueue_dma source(%dma_start3A_87 : memref<3x128xi32, #tpu.memory_space<hbm>>) target(%arg15 : memref<3x128xi32, #tpu.memory_space<vmem>>) target_semaphore(%arg37 : memref<!tpu.dma_semaphore, #tpu.memory_space<semaphore_mem>>)
    %dma_wait3A = arith.constant 0 : i32
    %dma_wait3A_88 = arith.constant 0 : i32
    %dma_wait3A_89 = arith.constant 0 : i32
    %dma_wait3A_90 = arith.constant 0 : i32
    %dma_wait3A_91 = tpu.memref_slice %arg2[%dma_wait3A, %dma_wait3A_88, %dma_wait3A_89, %dma_wait3A_90] : memref<50x32x4x128xi32, #tpu.memory_space<hbm>> -> memref<1x1x4x128xi32, #tpu.memory_space<hbm>>
    %dma_wait3A_92 = tpu.memref_squeeze %dma_wait3A_91 : memref<1x1x4x128xi32, #tpu.memory_space<hbm>> -> memref<4x128xi32, #tpu.memory_space<hbm>>
    %dma_wait3A_93 = arith.constant 0 : i32
    %dma_wait3A_94 = arith.constant 0 : i32
    %dma_wait3A_95 = tpu.memref_slice %arg2[%dma_wait3A, %dma_wait3A_88, %dma_wait3A_93, %dma_wait3A_94] : memref<50x32x4x128xi32, #tpu.memory_space<hbm>> -> memref<1x1x4x128xi32, #tpu.memory_space<hbm>>
    %dma_wait3A_96 = tpu.memref_squeeze %dma_wait3A_95 : memref<1x1x4x128xi32, #tpu.memory_space<hbm>> -> memref<4x128xi32, #tpu.memory_space<hbm>>
    tpu.wait_dma2 semaphore(%arg36 : memref<!tpu.dma_semaphore, #tpu.memory_space<semaphore_mem>>) src(%dma_wait3A_96 : memref<4x128xi32, #tpu.memory_space<hbm>>) dst(%arg12 : memref<4x128xi32, #tpu.memory_space<vmem>>)
    %dma_wait3A_97 = arith.constant 0 : i32
    %dma_wait3A_98 = arith.constant 0 : i32
    %dma_wait3A_99 = arith.constant 0 : i32
    %dma_wait3A_100 = arith.constant 0 : i32
    %dma_wait3A_101 = tpu.memref_slice %arg3[%dma_wait3A_97, %dma_wait3A_98, %dma_wait3A_99, %dma_wait3A_100] : memref<50x32x3x128xi32, #tpu.memory_space<hbm>> -> memref<1x1x3x128xi32, #tpu.memory_space<hbm>>
    %dma_wait3A_102 = tpu.memref_squeeze %dma_wait3A_101 : memref<1x1x3x128xi32, #tpu.memory_space<hbm>> -> memref<3x128xi32, #tpu.memory_space<hbm>>
    %dma_wait3A_103 = arith.constant 0 : i32
    %dma_wait3A_104 = arith.constant 0 : i32
    %dma_wait3A_105 = tpu.memref_slice %arg3[%dma_wait3A_97, %dma_wait3A_98, %dma_wait3A_103, %dma_wait3A_104] : memref<50x32x3x128xi32, #tpu.memory_space<hbm>> -> memref<1x1x3x128xi32, #tpu.memory_space<hbm>>
    %dma_wait3A_106 = tpu.memref_squeeze %dma_wait3A_105 : memref<1x1x3x128xi32, #tpu.memory_space<hbm>> -> memref<3x128xi32, #tpu.memory_space<hbm>>
    tpu.wait_dma2 semaphore(%arg36 : memref<!tpu.dma_semaphore, #tpu.memory_space<semaphore_mem>>) src(%dma_wait3A_106 : memref<3x128xi32, #tpu.memory_space<hbm>>) dst(%arg14 : memref<3x128xi32, #tpu.memory_space<vmem>>)
    %dma_start3A_107 = arith.constant 0 : i32
    %dma_start3A_108 = arith.constant 0 : i32
    %dma_start3A_109 = tpu.memref_slice %arg12[%dma_start3A_107, %dma_start3A_108] : memref<4x128xi32, #tpu.memory_space<vmem>> -> memref<1x128xi32, #tpu.memory_space<vmem>>
    %dma_start3A_110 = tpu.memref_squeeze %dma_start3A_109 : memref<1x128xi32, #tpu.memory_space<vmem>> -> memref<128xi32, #tpu.memory_space<vmem>>
    %dma_start3A_111 = arith.constant 0 : i32
    %dma_start3A_112 = arith.constant 0 : i32
    %dma_start3A_113 = tpu.memref_slice %arg4[%dma_start3A_111, %dma_start3A_112] : memref<100000x64xf32, #tpu.memory_space<hbm>> -> memref<100000x64xf32, #tpu.memory_space<hbm>>
    tpu.enqueue_indirect_dma source(%dma_start3A_113 : memref<100000x64xf32, #tpu.memory_space<hbm>>) target(%arg16 : memref<128x64xf32, #tpu.memory_space<vmem>>) offsets(%dma_start3A_110 : memref<128xi32, #tpu.memory_space<vmem>>) semaphore(%arg32 : memref<!tpu.dma_semaphore, #tpu.memory_space<semaphore_mem>>)
    %dma_start3A_114 = arith.constant 1 : i32
    %dma_start3A_115 = arith.constant 0 : i32
    %dma_start3A_116 = tpu.memref_slice %arg12[%dma_start3A_114, %dma_start3A_115] : memref<4x128xi32, #tpu.memory_space<vmem>> -> memref<1x128xi32, #tpu.memory_space<vmem>>
    %dma_start3A_117 = tpu.memref_squeeze %dma_start3A_116 : memref<1x128xi32, #tpu.memory_space<vmem>> -> memref<128xi32, #tpu.memory_space<vmem>>
    %dma_start3A_118 = arith.constant 0 : i32
    %dma_start3A_119 = arith.constant 0 : i32
    %dma_start3A_120 = tpu.memref_slice %arg5[%dma_start3A_118, %dma_start3A_119] : memref<100000x64xf32, #tpu.memory_space<hbm>> -> memref<100000x64xf32, #tpu.memory_space<hbm>>
    tpu.enqueue_indirect_dma source(%dma_start3A_120 : memref<100000x64xf32, #tpu.memory_space<hbm>>) target(%arg17 : memref<128x64xf32, #tpu.memory_space<vmem>>) offsets(%dma_start3A_117 : memref<128xi32, #tpu.memory_space<vmem>>) semaphore(%arg32 : memref<!tpu.dma_semaphore, #tpu.memory_space<semaphore_mem>>)
    %dma_start3A_121 = arith.constant 2 : i32
    %dma_start3A_122 = arith.constant 0 : i32
    %dma_start3A_123 = tpu.memref_slice %arg12[%dma_start3A_121, %dma_start3A_122] : memref<4x128xi32, #tpu.memory_space<vmem>> -> memref<1x128xi32, #tpu.memory_space<vmem>>
    %dma_start3A_124 = tpu.memref_squeeze %dma_start3A_123 : memref<1x128xi32, #tpu.memory_space<vmem>> -> memref<128xi32, #tpu.memory_space<vmem>>
    %dma_start3A_125 = arith.constant 0 : i32
    %dma_start3A_126 = arith.constant 0 : i32
    %dma_start3A_127 = tpu.memref_slice %arg6[%dma_start3A_125, %dma_start3A_126] : memref<100000x64xf32, #tpu.memory_space<hbm>> -> memref<100000x64xf32, #tpu.memory_space<hbm>>
    tpu.enqueue_indirect_dma source(%dma_start3A_127 : memref<100000x64xf32, #tpu.memory_space<hbm>>) target(%arg18 : memref<128x64xf32, #tpu.memory_space<vmem>>) offsets(%dma_start3A_124 : memref<128xi32, #tpu.memory_space<vmem>>) semaphore(%arg32 : memref<!tpu.dma_semaphore, #tpu.memory_space<semaphore_mem>>)
    %dma_start3A_128 = arith.constant 3 : i32
    %dma_start3A_129 = arith.constant 0 : i32
    %dma_start3A_130 = tpu.memref_slice %arg12[%dma_start3A_128, %dma_start3A_129] : memref<4x128xi32, #tpu.memory_space<vmem>> -> memref<1x128xi32, #tpu.memory_space<vmem>>
    %dma_start3A_131 = tpu.memref_squeeze %dma_start3A_130 : memref<1x128xi32, #tpu.memory_space<vmem>> -> memref<128xi32, #tpu.memory_space<vmem>>
    %dma_start3A_132 = arith.constant 0 : i32
    %dma_start3A_133 = arith.constant 0 : i32
    %dma_start3A_134 = tpu.memref_slice %arg7[%dma_start3A_132, %dma_start3A_133] : memref<100000x64xf32, #tpu.memory_space<hbm>> -> memref<100000x64xf32, #tpu.memory_space<hbm>>
    tpu.enqueue_indirect_dma source(%dma_start3A_134 : memref<100000x64xf32, #tpu.memory_space<hbm>>) target(%arg19 : memref<128x64xf32, #tpu.memory_space<vmem>>) offsets(%dma_start3A_131 : memref<128xi32, #tpu.memory_space<vmem>>) semaphore(%arg32 : memref<!tpu.dma_semaphore, #tpu.memory_space<semaphore_mem>>)
    %dma_start3A_135 = arith.constant 0 : i32
    %dma_start3A_136 = arith.constant 0 : i32
    %dma_start3A_137 = tpu.memref_slice %arg14[%dma_start3A_135, %dma_start3A_136] : memref<3x128xi32, #tpu.memory_space<vmem>> -> memref<1x128xi32, #tpu.memory_space<vmem>>
    %dma_start3A_138 = tpu.memref_squeeze %dma_start3A_137 : memref<1x128xi32, #tpu.memory_space<vmem>> -> memref<128xi32, #tpu.memory_space<vmem>>
    %dma_start3A_139 = arith.constant 0 : i32
    %dma_start3A_140 = arith.constant 0 : i32
    %dma_start3A_141 = tpu.memref_slice %arg8[%dma_start3A_139, %dma_start3A_140] : memref<1000x32xf32, #tpu.memory_space<hbm>> -> memref<1000x32xf32, #tpu.memory_space<hbm>>
    tpu.enqueue_indirect_dma source(%dma_start3A_141 : memref<1000x32xf32, #tpu.memory_space<hbm>>) target(%arg24 : memref<128x32xf32, #tpu.memory_space<vmem>>) offsets(%dma_start3A_138 : memref<128xi32, #tpu.memory_space<vmem>>) semaphore(%arg32 : memref<!tpu.dma_semaphore, #tpu.memory_space<semaphore_mem>>)
    %dma_start3A_142 = arith.constant 1 : i32
    %dma_start3A_143 = arith.constant 0 : i32
    %dma_start3A_144 = tpu.memref_slice %arg14[%dma_start3A_142, %dma_start3A_143] : memref<3x128xi32, #tpu.memory_space<vmem>> -> memref<1x128xi32, #tpu.memory_space<vmem>>
    %dma_start3A_145 = tpu.memref_squeeze %dma_start3A_144 : memref<1x128xi32, #tpu.memory_space<vmem>> -> memref<128xi32, #tpu.memory_space<vmem>>
    %dma_start3A_146 = arith.constant 0 : i32
    %dma_start3A_147 = arith.constant 0 : i32
    %dma_start3A_148 = tpu.memref_slice %arg9[%dma_start3A_146, %dma_start3A_147] : memref<1000x32xf32, #tpu.memory_space<hbm>> -> memref<1000x32xf32, #tpu.memory_space<hbm>>
    tpu.enqueue_indirect_dma source(%dma_start3A_148 : memref<1000x32xf32, #tpu.memory_space<hbm>>) target(%arg25 : memref<128x32xf32, #tpu.memory_space<vmem>>) offsets(%dma_start3A_145 : memref<128xi32, #tpu.memory_space<vmem>>) semaphore(%arg32 : memref<!tpu.dma_semaphore, #tpu.memory_space<semaphore_mem>>)
    %dma_start3A_149 = arith.constant 2 : i32
    %dma_start3A_150 = arith.constant 0 : i32
    %dma_start3A_151 = tpu.memref_slice %arg14[%dma_start3A_149, %dma_start3A_150] : memref<3x128xi32, #tpu.memory_space<vmem>> -> memref<1x128xi32, #tpu.memory_space<vmem>>
    %dma_start3A_152 = tpu.memref_squeeze %dma_start3A_151 : memref<1x128xi32, #tpu.memory_space<vmem>> -> memref<128xi32, #tpu.memory_space<vmem>>
    %dma_start3A_153 = arith.constant 0 : i32
    %dma_start3A_154 = arith.constant 0 : i32
    %dma_start3A_155 = tpu.memref_slice %arg10[%dma_start3A_153, %dma_start3A_154] : memref<1000x32xf32, #tpu.memory_space<hbm>> -> memref<1000x32xf32, #tpu.memory_space<hbm>>
    tpu.enqueue_indirect_dma source(%dma_start3A_155 : memref<1000x32xf32, #tpu.memory_space<hbm>>) target(%arg26 : memref<128x32xf32, #tpu.memory_space<vmem>>) offsets(%dma_start3A_152 : memref<128xi32, #tpu.memory_space<vmem>>) semaphore(%arg32 : memref<!tpu.dma_semaphore, #tpu.memory_space<semaphore_mem>>)
    %dma_wait3A_156 = arith.constant 0 : i32
    %dma_wait3A_157 = arith.constant 0 : i32
    %dma_wait3A_158 = arith.constant 0 : i32
    %dma_wait3A_159 = arith.constant 0 : i32
    %dma_wait3A_160 = tpu.memref_slice %arg2[%dma_wait3A_156, %dma_wait3A_157, %dma_wait3A_158, %dma_wait3A_159] : memref<50x32x4x128xi32, #tpu.memory_space<hbm>> -> memref<1x1x4x128xi32, #tpu.memory_space<hbm>>
    %dma_wait3A_161 = tpu.memref_squeeze %dma_wait3A_160 : memref<1x1x4x128xi32, #tpu.memory_space<hbm>> -> memref<4x128xi32, #tpu.memory_space<hbm>>
    %dma_wait3A_162 = arith.constant 0 : i32
    %dma_wait3A_163 = arith.constant 0 : i32
    %dma_wait3A_164 = tpu.memref_slice %arg2[%dma_wait3A_156, %dma_wait3A_157, %dma_wait3A_162, %dma_wait3A_163] : memref<50x32x4x128xi32, #tpu.memory_space<hbm>> -> memref<1x1x4x128xi32, #tpu.memory_space<hbm>>
    %dma_wait3A_165 = tpu.memref_squeeze %dma_wait3A_164 : memref<1x1x4x128xi32, #tpu.memory_space<hbm>> -> memref<4x128xi32, #tpu.memory_space<hbm>>
    tpu.wait_dma2 semaphore(%arg37 : memref<!tpu.dma_semaphore, #tpu.memory_space<semaphore_mem>>) src(%dma_wait3A_165 : memref<4x128xi32, #tpu.memory_space<hbm>>) dst(%arg13 : memref<4x128xi32, #tpu.memory_space<vmem>>)
    %dma_wait3A_166 = arith.constant 0 : i32
    %dma_wait3A_167 = arith.constant 0 : i32
    %dma_wait3A_168 = arith.constant 0 : i32
    %dma_wait3A_169 = arith.constant 0 : i32
    %dma_wait3A_170 = tpu.memref_slice %arg3[%dma_wait3A_166, %dma_wait3A_167, %dma_wait3A_168, %dma_wait3A_169] : memref<50x32x3x128xi32, #tpu.memory_space<hbm>> -> memref<1x1x3x128xi32, #tpu.memory_space<hbm>>
    %dma_wait3A_171 = tpu.memref_squeeze %dma_wait3A_170 : memref<1x1x3x128xi32, #tpu.memory_space<hbm>> -> memref<3x128xi32, #tpu.memory_space<hbm>>
    %dma_wait3A_172 = arith.constant 0 : i32
    %dma_wait3A_173 = arith.constant 0 : i32
    %dma_wait3A_174 = tpu.memref_slice %arg3[%dma_wait3A_166, %dma_wait3A_167, %dma_wait3A_172, %dma_wait3A_173] : memref<50x32x3x128xi32, #tpu.memory_space<hbm>> -> memref<1x1x3x128xi32, #tpu.memory_space<hbm>>
    %dma_wait3A_175 = tpu.memref_squeeze %dma_wait3A_174 : memref<1x1x3x128xi32, #tpu.memory_space<hbm>> -> memref<3x128xi32, #tpu.memory_space<hbm>>
    tpu.wait_dma2 semaphore(%arg37 : memref<!tpu.dma_semaphore, #tpu.memory_space<semaphore_mem>>) src(%dma_wait3A_175 : memref<3x128xi32, #tpu.memory_space<hbm>>) dst(%arg15 : memref<3x128xi32, #tpu.memory_space<vmem>>)
    %dma_start3A_176 = arith.constant 0 : i32
    %dma_start3A_177 = arith.constant 0 : i32
    %dma_start3A_178 = tpu.memref_slice %arg13[%dma_start3A_176, %dma_start3A_177] : memref<4x128xi32, #tpu.memory_space<vmem>> -> memref<1x128xi32, #tpu.memory_space<vmem>>
    %dma_start3A_179 = tpu.memref_squeeze %dma_start3A_178 : memref<1x128xi32, #tpu.memory_space<vmem>> -> memref<128xi32, #tpu.memory_space<vmem>>
    %dma_start3A_180 = arith.constant 0 : i32
    %dma_start3A_181 = arith.constant 0 : i32
    %dma_start3A_182 = tpu.memref_slice %arg4[%dma_start3A_180, %dma_start3A_181] : memref<100000x64xf32, #tpu.memory_space<hbm>> -> memref<100000x64xf32, #tpu.memory_space<hbm>>
    tpu.enqueue_indirect_dma source(%dma_start3A_182 : memref<100000x64xf32, #tpu.memory_space<hbm>>) target(%arg20 : memref<128x64xf32, #tpu.memory_space<vmem>>) offsets(%dma_start3A_179 : memref<128xi32, #tpu.memory_space<vmem>>) semaphore(%arg33 : memref<!tpu.dma_semaphore, #tpu.memory_space<semaphore_mem>>)
    %dma_start3A_183 = arith.constant 1 : i32
    %dma_start3A_184 = arith.constant 0 : i32
    %dma_start3A_185 = tpu.memref_slice %arg13[%dma_start3A_183, %dma_start3A_184] : memref<4x128xi32, #tpu.memory_space<vmem>> -> memref<1x128xi32, #tpu.memory_space<vmem>>
    %dma_start3A_186 = tpu.memref_squeeze %dma_start3A_185 : memref<1x128xi32, #tpu.memory_space<vmem>> -> memref<128xi32, #tpu.memory_space<vmem>>
    %dma_start3A_187 = arith.constant 0 : i32
    %dma_start3A_188 = arith.constant 0 : i32
    %dma_start3A_189 = tpu.memref_slice %arg5[%dma_start3A_187, %dma_start3A_188] : memref<100000x64xf32, #tpu.memory_space<hbm>> -> memref<100000x64xf32, #tpu.memory_space<hbm>>
    tpu.enqueue_indirect_dma source(%dma_start3A_189 : memref<100000x64xf32, #tpu.memory_space<hbm>>) target(%arg21 : memref<128x64xf32, #tpu.memory_space<vmem>>) offsets(%dma_start3A_186 : memref<128xi32, #tpu.memory_space<vmem>>) semaphore(%arg33 : memref<!tpu.dma_semaphore, #tpu.memory_space<semaphore_mem>>)
    %dma_start3A_190 = arith.constant 2 : i32
    %dma_start3A_191 = arith.constant 0 : i32
    %dma_start3A_192 = tpu.memref_slice %arg13[%dma_start3A_190, %dma_start3A_191] : memref<4x128xi32, #tpu.memory_space<vmem>> -> memref<1x128xi32, #tpu.memory_space<vmem>>
    %dma_start3A_193 = tpu.memref_squeeze %dma_start3A_192 : memref<1x128xi32, #tpu.memory_space<vmem>> -> memref<128xi32, #tpu.memory_space<vmem>>
    %dma_start3A_194 = arith.constant 0 : i32
    %dma_start3A_195 = arith.constant 0 : i32
    %dma_start3A_196 = tpu.memref_slice %arg6[%dma_start3A_194, %dma_start3A_195] : memref<100000x64xf32, #tpu.memory_space<hbm>> -> memref<100000x64xf32, #tpu.memory_space<hbm>>
    tpu.enqueue_indirect_dma source(%dma_start3A_196 : memref<100000x64xf32, #tpu.memory_space<hbm>>) target(%arg22 : memref<128x64xf32, #tpu.memory_space<vmem>>) offsets(%dma_start3A_193 : memref<128xi32, #tpu.memory_space<vmem>>) semaphore(%arg33 : memref<!tpu.dma_semaphore, #tpu.memory_space<semaphore_mem>>)
    %dma_start3A_197 = arith.constant 3 : i32
    %dma_start3A_198 = arith.constant 0 : i32
    %dma_start3A_199 = tpu.memref_slice %arg13[%dma_start3A_197, %dma_start3A_198] : memref<4x128xi32, #tpu.memory_space<vmem>> -> memref<1x128xi32, #tpu.memory_space<vmem>>
    %dma_start3A_200 = tpu.memref_squeeze %dma_start3A_199 : memref<1x128xi32, #tpu.memory_space<vmem>> -> memref<128xi32, #tpu.memory_space<vmem>>
    %dma_start3A_201 = arith.constant 0 : i32
    %dma_start3A_202 = arith.constant 0 : i32
    %dma_start3A_203 = tpu.memref_slice %arg7[%dma_start3A_201, %dma_start3A_202] : memref<100000x64xf32, #tpu.memory_space<hbm>> -> memref<100000x64xf32, #tpu.memory_space<hbm>>
    tpu.enqueue_indirect_dma source(%dma_start3A_203 : memref<100000x64xf32, #tpu.memory_space<hbm>>) target(%arg23 : memref<128x64xf32, #tpu.memory_space<vmem>>) offsets(%dma_start3A_200 : memref<128xi32, #tpu.memory_space<vmem>>) semaphore(%arg33 : memref<!tpu.dma_semaphore, #tpu.memory_space<semaphore_mem>>)
    %dma_start3A_204 = arith.constant 0 : i32
    %dma_start3A_205 = arith.constant 0 : i32
    %dma_start3A_206 = tpu.memref_slice %arg15[%dma_start3A_204, %dma_start3A_205] : memref<3x128xi32, #tpu.memory_space<vmem>> -> memref<1x128xi32, #tpu.memory_space<vmem>>
    %dma_start3A_207 = tpu.memref_squeeze %dma_start3A_206 : memref<1x128xi32, #tpu.memory_space<vmem>> -> memref<128xi32, #tpu.memory_space<vmem>>
    %dma_start3A_208 = arith.constant 0 : i32
    %dma_start3A_209 = arith.constant 0 : i32
    %dma_start3A_210 = tpu.memref_slice %arg8[%dma_start3A_208, %dma_start3A_209] : memref<1000x32xf32, #tpu.memory_space<hbm>> -> memref<1000x32xf32, #tpu.memory_space<hbm>>
    tpu.enqueue_indirect_dma source(%dma_start3A_210 : memref<1000x32xf32, #tpu.memory_space<hbm>>) target(%arg27 : memref<128x32xf32, #tpu.memory_space<vmem>>) offsets(%dma_start3A_207 : memref<128xi32, #tpu.memory_space<vmem>>) semaphore(%arg33 : memref<!tpu.dma_semaphore, #tpu.memory_space<semaphore_mem>>)
    %dma_start3A_211 = arith.constant 1 : i32
    %dma_start3A_212 = arith.constant 0 : i32
    %dma_start3A_213 = tpu.memref_slice %arg15[%dma_start3A_211, %dma_start3A_212] : memref<3x128xi32, #tpu.memory_space<vmem>> -> memref<1x128xi32, #tpu.memory_space<vmem>>
    %dma_start3A_214 = tpu.memref_squeeze %dma_start3A_213 : memref<1x128xi32, #tpu.memory_space<vmem>> -> memref<128xi32, #tpu.memory_space<vmem>>
    %dma_start3A_215 = arith.constant 0 : i32
    %dma_start3A_216 = arith.constant 0 : i32
    %dma_start3A_217 = tpu.memref_slice %arg9[%dma_start3A_215, %dma_start3A_216] : memref<1000x32xf32, #tpu.memory_space<hbm>> -> memref<1000x32xf32, #tpu.memory_space<hbm>>
    tpu.enqueue_indirect_dma source(%dma_start3A_217 : memref<1000x32xf32, #tpu.memory_space<hbm>>) target(%arg28 : memref<128x32xf32, #tpu.memory_space<vmem>>) offsets(%dma_start3A_214 : memref<128xi32, #tpu.memory_space<vmem>>) semaphore(%arg33 : memref<!tpu.dma_semaphore, #tpu.memory_space<semaphore_mem>>)
    %dma_start3A_218 = arith.constant 2 : i32
    %dma_start3A_219 = arith.constant 0 : i32
    %dma_start3A_220 = tpu.memref_slice %arg15[%dma_start3A_218, %dma_start3A_219] : memref<3x128xi32, #tpu.memory_space<vmem>> -> memref<1x128xi32, #tpu.memory_space<vmem>>
    %dma_start3A_221 = tpu.memref_squeeze %dma_start3A_220 : memref<1x128xi32, #tpu.memory_space<vmem>> -> memref<128xi32, #tpu.memory_space<vmem>>
    %dma_start3A_222 = arith.constant 0 : i32
    %dma_start3A_223 = arith.constant 0 : i32
    %dma_start3A_224 = tpu.memref_slice %arg10[%dma_start3A_222, %dma_start3A_223] : memref<1000x32xf32, #tpu.memory_space<hbm>> -> memref<1000x32xf32, #tpu.memory_space<hbm>>
    tpu.enqueue_indirect_dma source(%dma_start3A_224 : memref<1000x32xf32, #tpu.memory_space<hbm>>) target(%arg29 : memref<128x32xf32, #tpu.memory_space<vmem>>) offsets(%dma_start3A_221 : memref<128xi32, #tpu.memory_space<vmem>>) semaphore(%arg33 : memref<!tpu.dma_semaphore, #tpu.memory_space<semaphore_mem>>)
    %scan3A = arith.constant 0 : i32
    %scan3A_225 = arith.constant 25 : i32
    %scan3A_226 = arith.addi %scan3A, %scan3A_225 : i32
    %scan3A_227 = arith.constant 1 : i32
    scf.for %scan3A_269 = %scan3A to %scan3A_226 step %scan3A_227  : i32 {
      %mul3A_270 = arith.constant 2 : i32
      %mul3A_271 = arith.muli %scan3A_269, %mul3A_270 : i32
      %add3A_272 = arith.constant 0 : i32
      %add3A_273 = arith.addi %mul3A_271, %add3A_272 : i32
      %dma_wait3A_274 = arith.constant 0 : i32
      %dma_wait3A_275 = arith.constant 0 : i32
      %dma_wait3A_276 = tpu.memref_slice %arg4[%dma_wait3A_274, %dma_wait3A_275] : memref<100000x64xf32, #tpu.memory_space<hbm>> -> memref<128x64xf32, #tpu.memory_space<hbm>>
      %dma_wait3A_277 = arith.constant 0 : i32
      %dma_wait3A_278 = arith.constant 0 : i32
      %dma_wait3A_279 = tpu.memref_slice %arg4[%dma_wait3A_277, %dma_wait3A_278] : memref<100000x64xf32, #tpu.memory_space<hbm>> -> memref<128x64xf32, #tpu.memory_space<hbm>>
      tpu.wait_dma2 semaphore(%arg32 : memref<!tpu.dma_semaphore, #tpu.memory_space<semaphore_mem>>) src(%dma_wait3A_279 : memref<128x64xf32, #tpu.memory_space<hbm>>) dst(%arg16 : memref<128x64xf32, #tpu.memory_space<vmem>>)
      %dma_wait3A_280 = arith.constant 0 : i32
      %dma_wait3A_281 = arith.constant 0 : i32
      %dma_wait3A_282 = tpu.memref_slice %arg5[%dma_wait3A_280, %dma_wait3A_281] : memref<100000x64xf32, #tpu.memory_space<hbm>> -> memref<128x64xf32, #tpu.memory_space<hbm>>
      %dma_wait3A_283 = arith.constant 0 : i32
      %dma_wait3A_284 = arith.constant 0 : i32
      %dma_wait3A_285 = tpu.memref_slice %arg5[%dma_wait3A_283, %dma_wait3A_284] : memref<100000x64xf32, #tpu.memory_space<hbm>> -> memref<128x64xf32, #tpu.memory_space<hbm>>
      tpu.wait_dma2 semaphore(%arg32 : memref<!tpu.dma_semaphore, #tpu.memory_space<semaphore_mem>>) src(%dma_wait3A_285 : memref<128x64xf32, #tpu.memory_space<hbm>>) dst(%arg17 : memref<128x64xf32, #tpu.memory_space<vmem>>)
      %dma_wait3A_286 = arith.constant 0 : i32
      %dma_wait3A_287 = arith.constant 0 : i32
      %dma_wait3A_288 = tpu.memref_slice %arg6[%dma_wait3A_286, %dma_wait3A_287] : memref<100000x64xf32, #tpu.memory_space<hbm>> -> memref<128x64xf32, #tpu.memory_space<hbm>>
      %dma_wait3A_289 = arith.constant 0 : i32
      %dma_wait3A_290 = arith.constant 0 : i32
      %dma_wait3A_291 = tpu.memref_slice %arg6[%dma_wait3A_289, %dma_wait3A_290] : memref<100000x64xf32, #tpu.memory_space<hbm>> -> memref<128x64xf32, #tpu.memory_space<hbm>>
      tpu.wait_dma2 semaphore(%arg32 : memref<!tpu.dma_semaphore, #tpu.memory_space<semaphore_mem>>) src(%dma_wait3A_291 : memref<128x64xf32, #tpu.memory_space<hbm>>) dst(%arg18 : memref<128x64xf32, #tpu.memory_space<vmem>>)
      %dma_wait3A_292 = arith.constant 0 : i32
      %dma_wait3A_293 = arith.constant 0 : i32
      %dma_wait3A_294 = tpu.memref_slice %arg7[%dma_wait3A_292, %dma_wait3A_293] : memref<100000x64xf32, #tpu.memory_space<hbm>> -> memref<128x64xf32, #tpu.memory_space<hbm>>
      %dma_wait3A_295 = arith.constant 0 : i32
      %dma_wait3A_296 = arith.constant 0 : i32
      %dma_wait3A_297 = tpu.memref_slice %arg7[%dma_wait3A_295, %dma_wait3A_296] : memref<100000x64xf32, #tpu.memory_space<hbm>> -> memref<128x64xf32, #tpu.memory_space<hbm>>
      tpu.wait_dma2 semaphore(%arg32 : memref<!tpu.dma_semaphore, #tpu.memory_space<semaphore_mem>>) src(%dma_wait3A_297 : memref<128x64xf32, #tpu.memory_space<hbm>>) dst(%arg19 : memref<128x64xf32, #tpu.memory_space<vmem>>)
      %dma_wait3A_298 = arith.constant 0 : i32
      %dma_wait3A_299 = arith.constant 0 : i32
      %dma_wait3A_300 = tpu.memref_slice %arg8[%dma_wait3A_298, %dma_wait3A_299] : memref<1000x32xf32, #tpu.memory_space<hbm>> -> memref<128x32xf32, #tpu.memory_space<hbm>>
      %dma_wait3A_301 = arith.constant 0 : i32
      %dma_wait3A_302 = arith.constant 0 : i32
      %dma_wait3A_303 = tpu.memref_slice %arg8[%dma_wait3A_301, %dma_wait3A_302] : memref<1000x32xf32, #tpu.memory_space<hbm>> -> memref<128x32xf32, #tpu.memory_space<hbm>>
      tpu.wait_dma2 semaphore(%arg32 : memref<!tpu.dma_semaphore, #tpu.memory_space<semaphore_mem>>) src(%dma_wait3A_303 : memref<128x32xf32, #tpu.memory_space<hbm>>) dst(%arg24 : memref<128x32xf32, #tpu.memory_space<vmem>>)
      %dma_wait3A_304 = arith.constant 0 : i32
      %dma_wait3A_305 = arith.constant 0 : i32
      %dma_wait3A_306 = tpu.memref_slice %arg9[%dma_wait3A_304, %dma_wait3A_305] : memref<1000x32xf32, #tpu.memory_space<hbm>> -> memref<128x32xf32, #tpu.memory_space<hbm>>
      %dma_wait3A_307 = arith.constant 0 : i32
      %dma_wait3A_308 = arith.constant 0 : i32
      %dma_wait3A_309 = tpu.memref_slice %arg9[%dma_wait3A_307, %dma_wait3A_308] : memref<1000x32xf32, #tpu.memory_space<hbm>> -> memref<128x32xf32, #tpu.memory_space<hbm>>
      tpu.wait_dma2 semaphore(%arg32 : memref<!tpu.dma_semaphore, #tpu.memory_space<semaphore_mem>>) src(%dma_wait3A_309 : memref<128x32xf32, #tpu.memory_space<hbm>>) dst(%arg25 : memref<128x32xf32, #tpu.memory_space<vmem>>)
      %dma_wait3A_310 = arith.constant 0 : i32
      %dma_wait3A_311 = arith.constant 0 : i32
      %dma_wait3A_312 = tpu.memref_slice %arg10[%dma_wait3A_310, %dma_wait3A_311] : memref<1000x32xf32, #tpu.memory_space<hbm>> -> memref<128x32xf32, #tpu.memory_space<hbm>>
      %dma_wait3A_313 = arith.constant 0 : i32
      %dma_wait3A_314 = arith.constant 0 : i32
      %dma_wait3A_315 = tpu.memref_slice %arg10[%dma_wait3A_313, %dma_wait3A_314] : memref<1000x32xf32, #tpu.memory_space<hbm>> -> memref<128x32xf32, #tpu.memory_space<hbm>>
      tpu.wait_dma2 semaphore(%arg32 : memref<!tpu.dma_semaphore, #tpu.memory_space<semaphore_mem>>) src(%dma_wait3A_315 : memref<128x32xf32, #tpu.memory_space<hbm>>) dst(%arg26 : memref<128x32xf32, #tpu.memory_space<vmem>>)
      %add3A_316 = arith.constant 2 : i32
      %add3A_317 = arith.addi %add3A_273, %add3A_316 : i32
      %lt3A = arith.constant 50 : i32
      %lt3A_318 = arith.cmpi slt, %add3A_317, %lt3A : i32
      %convert_element_type3A = arith.extui %lt3A_318 : i1 to i32
      %cond3A = arith.constant 0 : i32
      %cond3A_319 = arith.cmpi ne, %convert_element_type3A, %cond3A : i32
      scf.if %cond3A_319 {
        %add3A_437 = arith.constant 2 : i32
        %add3A_438 = arith.addi %add3A_273, %add3A_437 : i32
        %dma_start3A_439 = arith.constant 0 : i32
        %dma_start3A_440 = arith.constant 0 : i32
        %dma_start3A_441 = tpu.memref_slice %arg2[%add3A_438, %add3A, %dma_start3A_439, %dma_start3A_440] : memref<50x32x4x128xi32, #tpu.memory_space<hbm>> -> memref<1x1x4x128xi32, #tpu.memory_space<hbm>>
        %dma_start3A_442 = tpu.memref_squeeze %dma_start3A_441 : memref<1x1x4x128xi32, #tpu.memory_space<hbm>> -> memref<4x128xi32, #tpu.memory_space<hbm>>
        %dma_start3A_443 = arith.constant 0 : i32
        %dma_start3A_444 = arith.constant 0 : i32
        %dma_start3A_445 = tpu.memref_slice %arg2[%add3A_438, %add3A, %dma_start3A_443, %dma_start3A_444] : memref<50x32x4x128xi32, #tpu.memory_space<hbm>> -> memref<1x1x4x128xi32, #tpu.memory_space<hbm>>
        %dma_start3A_446 = tpu.memref_squeeze %dma_start3A_445 : memref<1x1x4x128xi32, #tpu.memory_space<hbm>> -> memref<4x128xi32, #tpu.memory_space<hbm>>
        tpu.enqueue_dma source(%dma_start3A_446 : memref<4x128xi32, #tpu.memory_space<hbm>>) target(%arg12 : memref<4x128xi32, #tpu.memory_space<vmem>>) target_semaphore(%arg36 : memref<!tpu.dma_semaphore, #tpu.memory_space<semaphore_mem>>)
        %dma_start3A_447 = arith.constant 0 : i32
        %dma_start3A_448 = arith.constant 0 : i32
        %dma_start3A_449 = tpu.memref_slice %arg3[%add3A_438, %add3A, %dma_start3A_447, %dma_start3A_448] : memref<50x32x3x128xi32, #tpu.memory_space<hbm>> -> memref<1x1x3x128xi32, #tpu.memory_space<hbm>>
        %dma_start3A_450 = tpu.memref_squeeze %dma_start3A_449 : memref<1x1x3x128xi32, #tpu.memory_space<hbm>> -> memref<3x128xi32, #tpu.memory_space<hbm>>
        %dma_start3A_451 = arith.constant 0 : i32
        %dma_start3A_452 = arith.constant 0 : i32
        %dma_start3A_453 = tpu.memref_slice %arg3[%add3A_438, %add3A, %dma_start3A_451, %dma_start3A_452] : memref<50x32x3x128xi32, #tpu.memory_space<hbm>> -> memref<1x1x3x128xi32, #tpu.memory_space<hbm>>
        %dma_start3A_454 = tpu.memref_squeeze %dma_start3A_453 : memref<1x1x3x128xi32, #tpu.memory_space<hbm>> -> memref<3x128xi32, #tpu.memory_space<hbm>>
        tpu.enqueue_dma source(%dma_start3A_454 : memref<3x128xi32, #tpu.memory_space<hbm>>) target(%arg14 : memref<3x128xi32, #tpu.memory_space<vmem>>) target_semaphore(%arg36 : memref<!tpu.dma_semaphore, #tpu.memory_space<semaphore_mem>>)
      } else {
      }
      %gt3A = arith.constant 0 : i32
      %gt3A_320 = arith.cmpi sgt, %scan3A_269, %gt3A : i32
      %convert_element_type3A_321 = arith.extui %gt3A_320 : i1 to i32
      %cond3A_322 = arith.constant 0 : i32
      %cond3A_323 = arith.cmpi ne, %convert_element_type3A_321, %cond3A_322 : i32
      scf.if %cond3A_323 {
        %dma_wait3A_437 = arith.constant 0 : i32
        %dma_wait3A_438 = arith.constant 0 : i32
        %dma_wait3A_439 = arith.constant 0 : i32
        %dma_wait3A_440 = arith.constant 0 : i32
        %dma_wait3A_441 = arith.constant 0 : i32
        %dma_wait3A_442 = tpu.memref_slice %arg30[%dma_wait3A_439, %dma_wait3A_440, %dma_wait3A_441] : memref<12x8x129xf32, #tpu.memory_space<vmem>> -> memref<12x8x128xf32, #tpu.memory_space<vmem>>
        %dma_wait3A_443 = arith.constant 0 : i32
        %dma_wait3A_444 = arith.constant 0 : i32
        %dma_wait3A_445 = arith.constant 0 : i32
        %dma_wait3A_446 = tpu.memref_slice %arg11[%dma_wait3A_437, %dma_wait3A_443, %dma_wait3A_438, %dma_wait3A_444, %dma_wait3A_445] : memref<50x12x32x8x128xf32, #tpu.memory_space<hbm>> -> memref<1x12x1x8x128xf32, #tpu.memory_space<hbm>>
        %dma_wait3A_447 = tpu.memref_squeeze %dma_wait3A_446 : memref<1x12x1x8x128xf32, #tpu.memory_space<hbm>> -> memref<12x8x128xf32, #tpu.memory_space<hbm>>
        %dma_wait3A_448 = arith.constant 0 : i32
        %dma_wait3A_449 = arith.constant 0 : i32
        %dma_wait3A_450 = arith.constant 0 : i32
        %dma_wait3A_451 = tpu.memref_slice %arg11[%dma_wait3A_437, %dma_wait3A_448, %dma_wait3A_438, %dma_wait3A_449, %dma_wait3A_450] : memref<50x12x32x8x128xf32, #tpu.memory_space<hbm>> -> memref<1x12x1x8x128xf32, #tpu.memory_space<hbm>>
        %dma_wait3A_452 = tpu.memref_squeeze %dma_wait3A_451 : memref<1x12x1x8x128xf32, #tpu.memory_space<hbm>> -> memref<12x8x128xf32, #tpu.memory_space<hbm>>
        %dma_wait3A_453 = arith.constant 0 : i32
        %dma_wait3A_454 = arith.constant 0 : i32
        %dma_wait3A_455 = arith.constant 0 : i32
        %dma_wait3A_456 = tpu.memref_slice %arg30[%dma_wait3A_453, %dma_wait3A_454, %dma_wait3A_455] : memref<12x8x129xf32, #tpu.memory_space<vmem>> -> memref<12x8x128xf32, #tpu.memory_space<vmem>>
        tpu.wait_dma2 semaphore(%arg34 : memref<!tpu.dma_semaphore, #tpu.memory_space<semaphore_mem>>) src(%dma_wait3A_456 : memref<12x8x128xf32, #tpu.memory_space<vmem>>) dst(%dma_wait3A_452 : memref<12x8x128xf32, #tpu.memory_space<hbm>>)
      } else {
      }
      %parallel_loop3A = arith.constant 0 : i32
      %parallel_loop3A_324 = arith.constant 128 : i32
      %parallel_loop3A_325 = arith.constant 1 : i32
      scf.for %parallel_loop3A_437 = %parallel_loop3A to %parallel_loop3A_324 step %parallel_loop3A_325  : i32 {
        %parallel_loop3A_438 = arith.constant 0 : i32
        %parallel_loop3A_439 = vector.broadcast %parallel_loop3A_438 : i32 to vector<16xi32>
        %parallel_loop3A_440 = arith.muli %iota3A, %parallel_loop3A_439 : vector<16xi32>
        %parallel_loop3A_441 = vector.broadcast %parallel_loop3A_437 : i32 to vector<16xi32>
        %parallel_loop3A_442 = arith.addi %parallel_loop3A_440, %parallel_loop3A_441 : vector<16xi32>
        %parallel_loop3A_443 = arith.index_cast %parallel_loop3A_437 : i32 to index
        %parallel_loop3A_444 = arith.constant 0 : index
        %parallel_loop3A_445 = tpu.vector_load %arg16[%parallel_loop3A_443, %parallel_loop3A_444] {strides = array<i32>} : memref<128x64xf32, #tpu.memory_space<vmem>>, vector<16xf32>,
        %parallel_loop3A_446 = arith.index_cast %parallel_loop3A_437 : i32 to index
        %parallel_loop3A_447 = arith.constant 0 : index
        %parallel_loop3A_448 = tpu.vector_load %arg17[%parallel_loop3A_446, %parallel_loop3A_447] {strides = array<i32>} : memref<128x64xf32, #tpu.memory_space<vmem>>, vector<16xf32>,
        %parallel_loop3A_449 = arith.addf %parallel_loop3A_445, %parallel_loop3A_448 : vector<16xf32>
        %parallel_loop3A_450 = arith.index_cast %parallel_loop3A_437 : i32 to index
        %parallel_loop3A_451 = arith.constant 0 : index
        %parallel_loop3A_452 = tpu.vector_load %arg18[%parallel_loop3A_450, %parallel_loop3A_451] {strides = array<i32>} : memref<128x64xf32, #tpu.memory_space<vmem>>, vector<16xf32>,
        %parallel_loop3A_453 = arith.index_cast %parallel_loop3A_437 : i32 to index
        %parallel_loop3A_454 = arith.constant 0 : index
        %parallel_loop3A_455 = tpu.vector_load %arg19[%parallel_loop3A_453, %parallel_loop3A_454] {strides = array<i32>} : memref<128x64xf32, #tpu.memory_space<vmem>>, vector<16xf32>,
        %parallel_loop3A_456 = arith.addf %parallel_loop3A_452, %parallel_loop3A_455 : vector<16xf32>
        %parallel_loop3A_457 = arith.addf %parallel_loop3A_449, %parallel_loop3A_456 : vector<16xf32>
        tpu.vector_store_idx %arg30[%shift_right_arithmetic3A_20, %and3A_37, %parallel_loop3A_442], %parallel_loop3A_457 : memref<12x8x129xf32, #tpu.memory_space<vmem>>[vector<16xi32>, vector<16xi32>, vector<16xi32>], vector<16xf32>,
        %parallel_loop3A_458 = arith.index_cast %parallel_loop3A_437 : i32 to index
        %parallel_loop3A_459 = arith.constant 16 : index
        %parallel_loop3A_460 = tpu.vector_load %arg16[%parallel_loop3A_458, %parallel_loop3A_459] {strides = array<i32>} : memref<128x64xf32, #tpu.memory_space<vmem>>, vector<16xf32>,
        %parallel_loop3A_461 = arith.index_cast %parallel_loop3A_437 : i32 to index
        %parallel_loop3A_462 = arith.constant 16 : index
        %parallel_loop3A_463 = tpu.vector_load %arg17[%parallel_loop3A_461, %parallel_loop3A_462] {strides = array<i32>} : memref<128x64xf32, #tpu.memory_space<vmem>>, vector<16xf32>,
        %parallel_loop3A_464 = arith.addf %parallel_loop3A_460, %parallel_loop3A_463 : vector<16xf32>
        %parallel_loop3A_465 = arith.index_cast %parallel_loop3A_437 : i32 to index
        %parallel_loop3A_466 = arith.constant 16 : index
        %parallel_loop3A_467 = tpu.vector_load %arg18[%parallel_loop3A_465, %parallel_loop3A_466] {strides = array<i32>} : memref<128x64xf32, #tpu.memory_space<vmem>>, vector<16xf32>,
        %parallel_loop3A_468 = arith.index_cast %parallel_loop3A_437 : i32 to index
        %parallel_loop3A_469 = arith.constant 16 : index
        %parallel_loop3A_470 = tpu.vector_load %arg19[%parallel_loop3A_468, %parallel_loop3A_469] {strides = array<i32>} : memref<128x64xf32, #tpu.memory_space<vmem>>, vector<16xf32>,
        %parallel_loop3A_471 = arith.addf %parallel_loop3A_467, %parallel_loop3A_470 : vector<16xf32>
        %parallel_loop3A_472 = arith.addf %parallel_loop3A_464, %parallel_loop3A_471 : vector<16xf32>
        tpu.vector_store_idx %arg30[%shift_right_arithmetic3A_23, %and3A_40, %parallel_loop3A_442], %parallel_loop3A_472 : memref<12x8x129xf32, #tpu.memory_space<vmem>>[vector<16xi32>, vector<16xi32>, vector<16xi32>], vector<16xf32>,
        %parallel_loop3A_473 = arith.index_cast %parallel_loop3A_437 : i32 to index
        %parallel_loop3A_474 = arith.constant 32 : index
        %parallel_loop3A_475 = tpu.vector_load %arg16[%parallel_loop3A_473, %parallel_loop3A_474] {strides = array<i32>} : memref<128x64xf32, #tpu.memory_space<vmem>>, vector<16xf32>,
        %parallel_loop3A_476 = arith.index_cast %parallel_loop3A_437 : i32 to index
        %parallel_loop3A_477 = arith.constant 32 : index
        %parallel_loop3A_478 = tpu.vector_load %arg17[%parallel_loop3A_476, %parallel_loop3A_477] {strides = array<i32>} : memref<128x64xf32, #tpu.memory_space<vmem>>, vector<16xf32>,
        %parallel_loop3A_479 = arith.addf %parallel_loop3A_475, %parallel_loop3A_478 : vector<16xf32>
        %parallel_loop3A_480 = arith.index_cast %parallel_loop3A_437 : i32 to index
        %parallel_loop3A_481 = arith.constant 32 : index
        %parallel_loop3A_482 = tpu.vector_load %arg18[%parallel_loop3A_480, %parallel_loop3A_481] {strides = array<i32>} : memref<128x64xf32, #tpu.memory_space<vmem>>, vector<16xf32>,
        %parallel_loop3A_483 = arith.index_cast %parallel_loop3A_437 : i32 to index
        %parallel_loop3A_484 = arith.constant 32 : index
        %parallel_loop3A_485 = tpu.vector_load %arg19[%parallel_loop3A_483, %parallel_loop3A_484] {strides = array<i32>} : memref<128x64xf32, #tpu.memory_space<vmem>>, vector<16xf32>,
        %parallel_loop3A_486 = arith.addf %parallel_loop3A_482, %parallel_loop3A_485 : vector<16xf32>
        %parallel_loop3A_487 = arith.addf %parallel_loop3A_479, %parallel_loop3A_486 : vector<16xf32>
        tpu.vector_store_idx %arg30[%shift_right_arithmetic3A_26, %and3A_43, %parallel_loop3A_442], %parallel_loop3A_487 : memref<12x8x129xf32, #tpu.memory_space<vmem>>[vector<16xi32>, vector<16xi32>, vector<16xi32>], vector<16xf32>,
        %parallel_loop3A_488 = arith.index_cast %parallel_loop3A_437 : i32 to index
        %parallel_loop3A_489 = arith.constant 48 : index
        %parallel_loop3A_490 = tpu.vector_load %arg16[%parallel_loop3A_488, %parallel_loop3A_489] {strides = array<i32>} : memref<128x64xf32, #tpu.memory_space<vmem>>, vector<16xf32>,
        %parallel_loop3A_491 = arith.index_cast %parallel_loop3A_437 : i32 to index
        %parallel_loop3A_492 = arith.constant 48 : index
        %parallel_loop3A_493 = tpu.vector_load %arg17[%parallel_loop3A_491, %parallel_loop3A_492] {strides = array<i32>} : memref<128x64xf32, #tpu.memory_space<vmem>>, vector<16xf32>,
        %parallel_loop3A_494 = arith.addf %parallel_loop3A_490, %parallel_loop3A_493 : vector<16xf32>
        %parallel_loop3A_495 = arith.index_cast %parallel_loop3A_437 : i32 to index
        %parallel_loop3A_496 = arith.constant 48 : index
        %parallel_loop3A_497 = tpu.vector_load %arg18[%parallel_loop3A_495, %parallel_loop3A_496] {strides = array<i32>} : memref<128x64xf32, #tpu.memory_space<vmem>>, vector<16xf32>,
        %parallel_loop3A_498 = arith.index_cast %parallel_loop3A_437 : i32 to index
        %parallel_loop3A_499 = arith.constant 48 : index
        %parallel_loop3A_500 = tpu.vector_load %arg19[%parallel_loop3A_498, %parallel_loop3A_499] {strides = array<i32>} : memref<128x64xf32, #tpu.memory_space<vmem>>, vector<16xf32>,
        %parallel_loop3A_501 = arith.addf %parallel_loop3A_497, %parallel_loop3A_500 : vector<16xf32>
        %parallel_loop3A_502 = arith.addf %parallel_loop3A_494, %parallel_loop3A_501 : vector<16xf32>
        tpu.vector_store_idx %arg30[%shift_right_arithmetic3A_29, %and3A_46, %parallel_loop3A_442], %parallel_loop3A_502 : memref<12x8x129xf32, #tpu.memory_space<vmem>>[vector<16xi32>, vector<16xi32>, vector<16xi32>], vector<16xf32>,
        %parallel_loop3A_503 = arith.index_cast %parallel_loop3A_437 : i32 to index
        %parallel_loop3A_504 = arith.constant 0 : index
        %parallel_loop3A_505 = tpu.vector_load %arg24[%parallel_loop3A_503, %parallel_loop3A_504] {strides = array<i32>} : memref<128x32xf32, #tpu.memory_space<vmem>>, vector<16xf32>,
        %parallel_loop3A_506 = arith.index_cast %parallel_loop3A_437 : i32 to index
        %parallel_loop3A_507 = arith.constant 0 : index
        %parallel_loop3A_508 = tpu.vector_load %arg25[%parallel_loop3A_506, %parallel_loop3A_507] {strides = array<i32>} : memref<128x32xf32, #tpu.memory_space<vmem>>, vector<16xf32>,
        %parallel_loop3A_509 = arith.addf %parallel_loop3A_505, %parallel_loop3A_508 : vector<16xf32>
        %parallel_loop3A_510 = arith.index_cast %parallel_loop3A_437 : i32 to index
        %parallel_loop3A_511 = arith.constant 0 : index
        %parallel_loop3A_512 = tpu.vector_load %arg26[%parallel_loop3A_510, %parallel_loop3A_511] {strides = array<i32>} : memref<128x32xf32, #tpu.memory_space<vmem>>, vector<16xf32>,
        %parallel_loop3A_513 = arith.addf %parallel_loop3A_509, %parallel_loop3A_512 : vector<16xf32>
        tpu.vector_store_idx %arg30[%shift_right_arithmetic3A_32, %and3A_49, %parallel_loop3A_442], %parallel_loop3A_513 : memref<12x8x129xf32, #tpu.memory_space<vmem>>[vector<16xi32>, vector<16xi32>, vector<16xi32>], vector<16xf32>,
        %parallel_loop3A_514 = arith.index_cast %parallel_loop3A_437 : i32 to index
        %parallel_loop3A_515 = arith.constant 16 : index
        %parallel_loop3A_516 = tpu.vector_load %arg24[%parallel_loop3A_514, %parallel_loop3A_515] {strides = array<i32>} : memref<128x32xf32, #tpu.memory_space<vmem>>, vector<16xf32>,
        %parallel_loop3A_517 = arith.index_cast %parallel_loop3A_437 : i32 to index
        %parallel_loop3A_518 = arith.constant 16 : index
        %parallel_loop3A_519 = tpu.vector_load %arg25[%parallel_loop3A_517, %parallel_loop3A_518] {strides = array<i32>} : memref<128x32xf32, #tpu.memory_space<vmem>>, vector<16xf32>,
        %parallel_loop3A_520 = arith.addf %parallel_loop3A_516, %parallel_loop3A_519 : vector<16xf32>
        %parallel_loop3A_521 = arith.index_cast %parallel_loop3A_437 : i32 to index
        %parallel_loop3A_522 = arith.constant 16 : index
        %parallel_loop3A_523 = tpu.vector_load %arg26[%parallel_loop3A_521, %parallel_loop3A_522] {strides = array<i32>} : memref<128x32xf32, #tpu.memory_space<vmem>>, vector<16xf32>,
        %parallel_loop3A_524 = arith.addf %parallel_loop3A_520, %parallel_loop3A_523 : vector<16xf32>
        tpu.vector_store_idx %arg30[%shift_right_arithmetic3A_35, %and3A_52, %parallel_loop3A_442], %parallel_loop3A_524 : memref<12x8x129xf32, #tpu.memory_space<vmem>>[vector<16xi32>, vector<16xi32>, vector<16xi32>], vector<16xf32>,
      } {sc.loop_unroll_factor = 4 : i64, sc.parallel_access}
      %dma_start3A_326 = arith.constant 0 : i32
      %dma_start3A_327 = arith.constant 0 : i32
      %dma_start3A_328 = arith.constant 0 : i32
      %dma_start3A_329 = tpu.memref_slice %arg30[%dma_start3A_326, %dma_start3A_327, %dma_start3A_328] : memref<12x8x129xf32, #tpu.memory_space<vmem>> -> memref<12x8x128xf32, #tpu.memory_space<vmem>>
      %dma_start3A_330 = arith.constant 0 : i32
      %dma_start3A_331 = arith.constant 0 : i32
      %dma_start3A_332 = arith.constant 0 : i32
      %dma_start3A_333 = tpu.memref_slice %arg11[%add3A_273, %dma_start3A_330, %add3A, %dma_start3A_331, %dma_start3A_332] : memref<50x12x32x8x128xf32, #tpu.memory_space<hbm>> -> memref<1x12x1x8x128xf32, #tpu.memory_space<hbm>>
      %dma_start3A_334 = tpu.memref_squeeze %dma_start3A_333 : memref<1x12x1x8x128xf32, #tpu.memory_space<hbm>> -> memref<12x8x128xf32, #tpu.memory_space<hbm>>
      %dma_start3A_335 = arith.constant 0 : i32
      %dma_start3A_336 = arith.constant 0 : i32
      %dma_start3A_337 = arith.constant 0 : i32
      %dma_start3A_338 = tpu.memref_slice %arg11[%add3A_273, %dma_start3A_335, %add3A, %dma_start3A_336, %dma_start3A_337] : memref<50x12x32x8x128xf32, #tpu.memory_space<hbm>> -> memref<1x12x1x8x128xf32, #tpu.memory_space<hbm>>
      %dma_start3A_339 = tpu.memref_squeeze %dma_start3A_338 : memref<1x12x1x8x128xf32, #tpu.memory_space<hbm>> -> memref<12x8x128xf32, #tpu.memory_space<hbm>>
      %dma_start3A_340 = arith.constant 0 : i32
      %dma_start3A_341 = arith.constant 0 : i32
      %dma_start3A_342 = arith.constant 0 : i32
      %dma_start3A_343 = tpu.memref_slice %arg30[%dma_start3A_340, %dma_start3A_341, %dma_start3A_342] : memref<12x8x129xf32, #tpu.memory_space<vmem>> -> memref<12x8x128xf32, #tpu.memory_space<vmem>>
      tpu.enqueue_dma source(%dma_start3A_343 : memref<12x8x128xf32, #tpu.memory_space<vmem>>) target(%dma_start3A_339 : memref<12x8x128xf32, #tpu.memory_space<hbm>>) target_semaphore(%arg34 : memref<!tpu.dma_semaphore, #tpu.memory_space<semaphore_mem>>)
      %add3A_344 = arith.constant 2 : i32
      %add3A_345 = arith.addi %add3A_273, %add3A_344 : i32
      %lt3A_346 = arith.constant 50 : i32
      %lt3A_347 = arith.cmpi slt, %add3A_345, %lt3A_346 : i32
      %convert_element_type3A_348 = arith.extui %lt3A_347 : i1 to i32
      %cond3A_349 = arith.constant 0 : i32
      %cond3A_350 = arith.cmpi ne, %convert_element_type3A_348, %cond3A_349 : i32
      scf.if %cond3A_350 {
        %dma_wait3A_437 = arith.constant 0 : i32
        %dma_wait3A_438 = arith.constant 0 : i32
        %dma_wait3A_439 = arith.constant 0 : i32
        %dma_wait3A_440 = arith.constant 0 : i32
        %dma_wait3A_441 = tpu.memref_slice %arg2[%dma_wait3A_437, %dma_wait3A_438, %dma_wait3A_439, %dma_wait3A_440] : memref<50x32x4x128xi32, #tpu.memory_space<hbm>> -> memref<1x1x4x128xi32, #tpu.memory_space<hbm>>
        %dma_wait3A_442 = tpu.memref_squeeze %dma_wait3A_441 : memref<1x1x4x128xi32, #tpu.memory_space<hbm>> -> memref<4x128xi32, #tpu.memory_space<hbm>>
        %dma_wait3A_443 = arith.constant 0 : i32
        %dma_wait3A_444 = arith.constant 0 : i32
        %dma_wait3A_445 = tpu.memref_slice %arg2[%dma_wait3A_437, %dma_wait3A_438, %dma_wait3A_443, %dma_wait3A_444] : memref<50x32x4x128xi32, #tpu.memory_space<hbm>> -> memref<1x1x4x128xi32, #tpu.memory_space<hbm>>
        %dma_wait3A_446 = tpu.memref_squeeze %dma_wait3A_445 : memref<1x1x4x128xi32, #tpu.memory_space<hbm>> -> memref<4x128xi32, #tpu.memory_space<hbm>>
        tpu.wait_dma2 semaphore(%arg36 : memref<!tpu.dma_semaphore, #tpu.memory_space<semaphore_mem>>) src(%dma_wait3A_446 : memref<4x128xi32, #tpu.memory_space<hbm>>) dst(%arg12 : memref<4x128xi32, #tpu.memory_space<vmem>>)
        %dma_wait3A_447 = arith.constant 0 : i32
        %dma_wait3A_448 = arith.constant 0 : i32
        %dma_wait3A_449 = arith.constant 0 : i32
        %dma_wait3A_450 = arith.constant 0 : i32
        %dma_wait3A_451 = tpu.memref_slice %arg3[%dma_wait3A_447, %dma_wait3A_448, %dma_wait3A_449, %dma_wait3A_450] : memref<50x32x3x128xi32, #tpu.memory_space<hbm>> -> memref<1x1x3x128xi32, #tpu.memory_space<hbm>>
        %dma_wait3A_452 = tpu.memref_squeeze %dma_wait3A_451 : memref<1x1x3x128xi32, #tpu.memory_space<hbm>> -> memref<3x128xi32, #tpu.memory_space<hbm>>
        %dma_wait3A_453 = arith.constant 0 : i32
        %dma_wait3A_454 = arith.constant 0 : i32
        %dma_wait3A_455 = tpu.memref_slice %arg3[%dma_wait3A_447, %dma_wait3A_448, %dma_wait3A_453, %dma_wait3A_454] : memref<50x32x3x128xi32, #tpu.memory_space<hbm>> -> memref<1x1x3x128xi32, #tpu.memory_space<hbm>>
        %dma_wait3A_456 = tpu.memref_squeeze %dma_wait3A_455 : memref<1x1x3x128xi32, #tpu.memory_space<hbm>> -> memref<3x128xi32, #tpu.memory_space<hbm>>
        tpu.wait_dma2 semaphore(%arg36 : memref<!tpu.dma_semaphore, #tpu.memory_space<semaphore_mem>>) src(%dma_wait3A_456 : memref<3x128xi32, #tpu.memory_space<hbm>>) dst(%arg14 : memref<3x128xi32, #tpu.memory_space<vmem>>)
        %dma_start3A_457 = arith.constant 0 : i32
        %dma_start3A_458 = arith.constant 0 : i32
        %dma_start3A_459 = tpu.memref_slice %arg12[%dma_start3A_457, %dma_start3A_458] : memref<4x128xi32, #tpu.memory_space<vmem>> -> memref<1x128xi32, #tpu.memory_space<vmem>>
        %dma_start3A_460 = tpu.memref_squeeze %dma_start3A_459 : memref<1x128xi32, #tpu.memory_space<vmem>> -> memref<128xi32, #tpu.memory_space<vmem>>
        %dma_start3A_461 = arith.constant 0 : i32
        %dma_start3A_462 = arith.constant 0 : i32
        %dma_start3A_463 = tpu.memref_slice %arg4[%dma_start3A_461, %dma_start3A_462] : memref<100000x64xf32, #tpu.memory_space<hbm>> -> memref<100000x64xf32, #tpu.memory_space<hbm>>
        tpu.enqueue_indirect_dma source(%dma_start3A_463 : memref<100000x64xf32, #tpu.memory_space<hbm>>) target(%arg16 : memref<128x64xf32, #tpu.memory_space<vmem>>) offsets(%dma_start3A_460 : memref<128xi32, #tpu.memory_space<vmem>>) semaphore(%arg32 : memref<!tpu.dma_semaphore, #tpu.memory_space<semaphore_mem>>)
        %dma_start3A_464 = arith.constant 1 : i32
        %dma_start3A_465 = arith.constant 0 : i32
        %dma_start3A_466 = tpu.memref_slice %arg12[%dma_start3A_464, %dma_start3A_465] : memref<4x128xi32, #tpu.memory_space<vmem>> -> memref<1x128xi32, #tpu.memory_space<vmem>>
        %dma_start3A_467 = tpu.memref_squeeze %dma_start3A_466 : memref<1x128xi32, #tpu.memory_space<vmem>> -> memref<128xi32, #tpu.memory_space<vmem>>
        %dma_start3A_468 = arith.constant 0 : i32
        %dma_start3A_469 = arith.constant 0 : i32
        %dma_start3A_470 = tpu.memref_slice %arg5[%dma_start3A_468, %dma_start3A_469] : memref<100000x64xf32, #tpu.memory_space<hbm>> -> memref<100000x64xf32, #tpu.memory_space<hbm>>
        tpu.enqueue_indirect_dma source(%dma_start3A_470 : memref<100000x64xf32, #tpu.memory_space<hbm>>) target(%arg17 : memref<128x64xf32, #tpu.memory_space<vmem>>) offsets(%dma_start3A_467 : memref<128xi32, #tpu.memory_space<vmem>>) semaphore(%arg32 : memref<!tpu.dma_semaphore, #tpu.memory_space<semaphore_mem>>)
        %dma_start3A_471 = arith.constant 2 : i32
        %dma_start3A_472 = arith.constant 0 : i32
        %dma_start3A_473 = tpu.memref_slice %arg12[%dma_start3A_471, %dma_start3A_472] : memref<4x128xi32, #tpu.memory_space<vmem>> -> memref<1x128xi32, #tpu.memory_space<vmem>>
        %dma_start3A_474 = tpu.memref_squeeze %dma_start3A_473 : memref<1x128xi32, #tpu.memory_space<vmem>> -> memref<128xi32, #tpu.memory_space<vmem>>
        %dma_start3A_475 = arith.constant 0 : i32
        %dma_start3A_476 = arith.constant 0 : i32
        %dma_start3A_477 = tpu.memref_slice %arg6[%dma_start3A_475, %dma_start3A_476] : memref<100000x64xf32, #tpu.memory_space<hbm>> -> memref<100000x64xf32, #tpu.memory_space<hbm>>
        tpu.enqueue_indirect_dma source(%dma_start3A_477 : memref<100000x64xf32, #tpu.memory_space<hbm>>) target(%arg18 : memref<128x64xf32, #tpu.memory_space<vmem>>) offsets(%dma_start3A_474 : memref<128xi32, #tpu.memory_space<vmem>>) semaphore(%arg32 : memref<!tpu.dma_semaphore, #tpu.memory_space<semaphore_mem>>)
        %dma_start3A_478 = arith.constant 3 : i32
        %dma_start3A_479 = arith.constant 0 : i32
        %dma_start3A_480 = tpu.memref_slice %arg12[%dma_start3A_478, %dma_start3A_479] : memref<4x128xi32, #tpu.memory_space<vmem>> -> memref<1x128xi32, #tpu.memory_space<vmem>>
        %dma_start3A_481 = tpu.memref_squeeze %dma_start3A_480 : memref<1x128xi32, #tpu.memory_space<vmem>> -> memref<128xi32, #tpu.memory_space<vmem>>
        %dma_start3A_482 = arith.constant 0 : i32
        %dma_start3A_483 = arith.constant 0 : i32
        %dma_start3A_484 = tpu.memref_slice %arg7[%dma_start3A_482, %dma_start3A_483] : memref<100000x64xf32, #tpu.memory_space<hbm>> -> memref<100000x64xf32, #tpu.memory_space<hbm>>
        tpu.enqueue_indirect_dma source(%dma_start3A_484 : memref<100000x64xf32, #tpu.memory_space<hbm>>) target(%arg19 : memref<128x64xf32, #tpu.memory_space<vmem>>) offsets(%dma_start3A_481 : memref<128xi32, #tpu.memory_space<vmem>>) semaphore(%arg32 : memref<!tpu.dma_semaphore, #tpu.memory_space<semaphore_mem>>)
        %dma_start3A_485 = arith.constant 0 : i32
        %dma_start3A_486 = arith.constant 0 : i32
        %dma_start3A_487 = tpu.memref_slice %arg14[%dma_start3A_485, %dma_start3A_486] : memref<3x128xi32, #tpu.memory_space<vmem>> -> memref<1x128xi32, #tpu.memory_space<vmem>>
        %dma_start3A_488 = tpu.memref_squeeze %dma_start3A_487 : memref<1x128xi32, #tpu.memory_space<vmem>> -> memref<128xi32, #tpu.memory_space<vmem>>
        %dma_start3A_489 = arith.constant 0 : i32
        %dma_start3A_490 = arith.constant 0 : i32
        %dma_start3A_491 = tpu.memref_slice %arg8[%dma_start3A_489, %dma_start3A_490] : memref<1000x32xf32, #tpu.memory_space<hbm>> -> memref<1000x32xf32, #tpu.memory_space<hbm>>
        tpu.enqueue_indirect_dma source(%dma_start3A_491 : memref<1000x32xf32, #tpu.memory_space<hbm>>) target(%arg24 : memref<128x32xf32, #tpu.memory_space<vmem>>) offsets(%dma_start3A_488 : memref<128xi32, #tpu.memory_space<vmem>>) semaphore(%arg32 : memref<!tpu.dma_semaphore, #tpu.memory_space<semaphore_mem>>)
        %dma_start3A_492 = arith.constant 1 : i32
        %dma_start3A_493 = arith.constant 0 : i32
        %dma_start3A_494 = tpu.memref_slice %arg14[%dma_start3A_492, %dma_start3A_493] : memref<3x128xi32, #tpu.memory_space<vmem>> -> memref<1x128xi32, #tpu.memory_space<vmem>>
        %dma_start3A_495 = tpu.memref_squeeze %dma_start3A_494 : memref<1x128xi32, #tpu.memory_space<vmem>> -> memref<128xi32, #tpu.memory_space<vmem>>
        %dma_start3A_496 = arith.constant 0 : i32
        %dma_start3A_497 = arith.constant 0 : i32
        %dma_start3A_498 = tpu.memref_slice %arg9[%dma_start3A_496, %dma_start3A_497] : memref<1000x32xf32, #tpu.memory_space<hbm>> -> memref<1000x32xf32, #tpu.memory_space<hbm>>
        tpu.enqueue_indirect_dma source(%dma_start3A_498 : memref<1000x32xf32, #tpu.memory_space<hbm>>) target(%arg25 : memref<128x32xf32, #tpu.memory_space<vmem>>) offsets(%dma_start3A_495 : memref<128xi32, #tpu.memory_space<vmem>>) semaphore(%arg32 : memref<!tpu.dma_semaphore, #tpu.memory_space<semaphore_mem>>)
        %dma_start3A_499 = arith.constant 2 : i32
        %dma_start3A_500 = arith.constant 0 : i32
        %dma_start3A_501 = tpu.memref_slice %arg14[%dma_start3A_499, %dma_start3A_500] : memref<3x128xi32, #tpu.memory_space<vmem>> -> memref<1x128xi32, #tpu.memory_space<vmem>>
        %dma_start3A_502 = tpu.memref_squeeze %dma_start3A_501 : memref<1x128xi32, #tpu.memory_space<vmem>> -> memref<128xi32, #tpu.memory_space<vmem>>
        %dma_start3A_503 = arith.constant 0 : i32
        %dma_start3A_504 = arith.constant 0 : i32
        %dma_start3A_505 = tpu.memref_slice %arg10[%dma_start3A_503, %dma_start3A_504] : memref<1000x32xf32, #tpu.memory_space<hbm>> -> memref<1000x32xf32, #tpu.memory_space<hbm>>
        tpu.enqueue_indirect_dma source(%dma_start3A_505 : memref<1000x32xf32, #tpu.memory_space<hbm>>) target(%arg26 : memref<128x32xf32, #tpu.memory_space<vmem>>) offsets(%dma_start3A_502 : memref<128xi32, #tpu.memory_space<vmem>>) semaphore(%arg32 : memref<!tpu.dma_semaphore, #tpu.memory_space<semaphore_mem>>)
      } else {
      }
      %mul3A_351 = arith.constant 2 : i32
      %mul3A_352 = arith.muli %scan3A_269, %mul3A_351 : i32
      %add3A_353 = arith.constant 1 : i32
      %add3A_354 = arith.addi %mul3A_352, %add3A_353 : i32
      %dma_wait3A_355 = arith.constant 0 : i32
      %dma_wait3A_356 = arith.constant 0 : i32
      %dma_wait3A_357 = tpu.memref_slice %arg4[%dma_wait3A_355, %dma_wait3A_356] : memref<100000x64xf32, #tpu.memory_space<hbm>> -> memref<128x64xf32, #tpu.memory_space<hbm>>
      %dma_wait3A_358 = arith.constant 0 : i32
      %dma_wait3A_359 = arith.constant 0 : i32
      %dma_wait3A_360 = tpu.memref_slice %arg4[%dma_wait3A_358, %dma_wait3A_359] : memref<100000x64xf32, #tpu.memory_space<hbm>> -> memref<128x64xf32, #tpu.memory_space<hbm>>
      tpu.wait_dma2 semaphore(%arg33 : memref<!tpu.dma_semaphore, #tpu.memory_space<semaphore_mem>>) src(%dma_wait3A_360 : memref<128x64xf32, #tpu.memory_space<hbm>>) dst(%arg20 : memref<128x64xf32, #tpu.memory_space<vmem>>)
      %dma_wait3A_361 = arith.constant 0 : i32
      %dma_wait3A_362 = arith.constant 0 : i32
      %dma_wait3A_363 = tpu.memref_slice %arg5[%dma_wait3A_361, %dma_wait3A_362] : memref<100000x64xf32, #tpu.memory_space<hbm>> -> memref<128x64xf32, #tpu.memory_space<hbm>>
      %dma_wait3A_364 = arith.constant 0 : i32
      %dma_wait3A_365 = arith.constant 0 : i32
      %dma_wait3A_366 = tpu.memref_slice %arg5[%dma_wait3A_364, %dma_wait3A_365] : memref<100000x64xf32, #tpu.memory_space<hbm>> -> memref<128x64xf32, #tpu.memory_space<hbm>>
      tpu.wait_dma2 semaphore(%arg33 : memref<!tpu.dma_semaphore, #tpu.memory_space<semaphore_mem>>) src(%dma_wait3A_366 : memref<128x64xf32, #tpu.memory_space<hbm>>) dst(%arg21 : memref<128x64xf32, #tpu.memory_space<vmem>>)
      %dma_wait3A_367 = arith.constant 0 : i32
      %dma_wait3A_368 = arith.constant 0 : i32
      %dma_wait3A_369 = tpu.memref_slice %arg6[%dma_wait3A_367, %dma_wait3A_368] : memref<100000x64xf32, #tpu.memory_space<hbm>> -> memref<128x64xf32, #tpu.memory_space<hbm>>
      %dma_wait3A_370 = arith.constant 0 : i32
      %dma_wait3A_371 = arith.constant 0 : i32
      %dma_wait3A_372 = tpu.memref_slice %arg6[%dma_wait3A_370, %dma_wait3A_371] : memref<100000x64xf32, #tpu.memory_space<hbm>> -> memref<128x64xf32, #tpu.memory_space<hbm>>
      tpu.wait_dma2 semaphore(%arg33 : memref<!tpu.dma_semaphore, #tpu.memory_space<semaphore_mem>>) src(%dma_wait3A_372 : memref<128x64xf32, #tpu.memory_space<hbm>>) dst(%arg22 : memref<128x64xf32, #tpu.memory_space<vmem>>)
      %dma_wait3A_373 = arith.constant 0 : i32
      %dma_wait3A_374 = arith.constant 0 : i32
      %dma_wait3A_375 = tpu.memref_slice %arg7[%dma_wait3A_373, %dma_wait3A_374] : memref<100000x64xf32, #tpu.memory_space<hbm>> -> memref<128x64xf32, #tpu.memory_space<hbm>>
      %dma_wait3A_376 = arith.constant 0 : i32
      %dma_wait3A_377 = arith.constant 0 : i32
      %dma_wait3A_378 = tpu.memref_slice %arg7[%dma_wait3A_376, %dma_wait3A_377] : memref<100000x64xf32, #tpu.memory_space<hbm>> -> memref<128x64xf32, #tpu.memory_space<hbm>>
      tpu.wait_dma2 semaphore(%arg33 : memref<!tpu.dma_semaphore, #tpu.memory_space<semaphore_mem>>) src(%dma_wait3A_378 : memref<128x64xf32, #tpu.memory_space<hbm>>) dst(%arg23 : memref<128x64xf32, #tpu.memory_space<vmem>>)
      %dma_wait3A_379 = arith.constant 0 : i32
      %dma_wait3A_380 = arith.constant 0 : i32
      %dma_wait3A_381 = tpu.memref_slice %arg8[%dma_wait3A_379, %dma_wait3A_380] : memref<1000x32xf32, #tpu.memory_space<hbm>> -> memref<128x32xf32, #tpu.memory_space<hbm>>
      %dma_wait3A_382 = arith.constant 0 : i32
      %dma_wait3A_383 = arith.constant 0 : i32
      %dma_wait3A_384 = tpu.memref_slice %arg8[%dma_wait3A_382, %dma_wait3A_383] : memref<1000x32xf32, #tpu.memory_space<hbm>> -> memref<128x32xf32, #tpu.memory_space<hbm>>
      tpu.wait_dma2 semaphore(%arg33 : memref<!tpu.dma_semaphore, #tpu.memory_space<semaphore_mem>>) src(%dma_wait3A_384 : memref<128x32xf32, #tpu.memory_space<hbm>>) dst(%arg27 : memref<128x32xf32, #tpu.memory_space<vmem>>)
      %dma_wait3A_385 = arith.constant 0 : i32
      %dma_wait3A_386 = arith.constant 0 : i32
      %dma_wait3A_387 = tpu.memref_slice %arg9[%dma_wait3A_385, %dma_wait3A_386] : memref<1000x32xf32, #tpu.memory_space<hbm>> -> memref<128x32xf32, #tpu.memory_space<hbm>>
      %dma_wait3A_388 = arith.constant 0 : i32
      %dma_wait3A_389 = arith.constant 0 : i32
      %dma_wait3A_390 = tpu.memref_slice %arg9[%dma_wait3A_388, %dma_wait3A_389] : memref<1000x32xf32, #tpu.memory_space<hbm>> -> memref<128x32xf32, #tpu.memory_space<hbm>>
      tpu.wait_dma2 semaphore(%arg33 : memref<!tpu.dma_semaphore, #tpu.memory_space<semaphore_mem>>) src(%dma_wait3A_390 : memref<128x32xf32, #tpu.memory_space<hbm>>) dst(%arg28 : memref<128x32xf32, #tpu.memory_space<vmem>>)
      %dma_wait3A_391 = arith.constant 0 : i32
      %dma_wait3A_392 = arith.constant 0 : i32
      %dma_wait3A_393 = tpu.memref_slice %arg10[%dma_wait3A_391, %dma_wait3A_392] : memref<1000x32xf32, #tpu.memory_space<hbm>> -> memref<128x32xf32, #tpu.memory_space<hbm>>
      %dma_wait3A_394 = arith.constant 0 : i32
      %dma_wait3A_395 = arith.constant 0 : i32
      %dma_wait3A_396 = tpu.memref_slice %arg10[%dma_wait3A_394, %dma_wait3A_395] : memref<1000x32xf32, #tpu.memory_space<hbm>> -> memref<128x32xf32, #tpu.memory_space<hbm>>
      tpu.wait_dma2 semaphore(%arg33 : memref<!tpu.dma_semaphore, #tpu.memory_space<semaphore_mem>>) src(%dma_wait3A_396 : memref<128x32xf32, #tpu.memory_space<hbm>>) dst(%arg29 : memref<128x32xf32, #tpu.memory_space<vmem>>)
      %add3A_397 = arith.constant 2 : i32
      %add3A_398 = arith.addi %add3A_354, %add3A_397 : i32
      %lt3A_399 = arith.constant 50 : i32
      %lt3A_400 = arith.cmpi slt, %add3A_398, %lt3A_399 : i32
      %convert_element_type3A_401 = arith.extui %lt3A_400 : i1 to i32
      %cond3A_402 = arith.constant 0 : i32
      %cond3A_403 = arith.cmpi ne, %convert_element_type3A_401, %cond3A_402 : i32
      scf.if %cond3A_403 {
        %add3A_437 = arith.constant 2 : i32
        %add3A_438 = arith.addi %add3A_354, %add3A_437 : i32
        %dma_start3A_439 = arith.constant 0 : i32
        %dma_start3A_440 = arith.constant 0 : i32
        %dma_start3A_441 = tpu.memref_slice %arg2[%add3A_438, %add3A, %dma_start3A_439, %dma_start3A_440] : memref<50x32x4x128xi32, #tpu.memory_space<hbm>> -> memref<1x1x4x128xi32, #tpu.memory_space<hbm>>
        %dma_start3A_442 = tpu.memref_squeeze %dma_start3A_441 : memref<1x1x4x128xi32, #tpu.memory_space<hbm>> -> memref<4x128xi32, #tpu.memory_space<hbm>>
        %dma_start3A_443 = arith.constant 0 : i32
        %dma_start3A_444 = arith.constant 0 : i32
        %dma_start3A_445 = tpu.memref_slice %arg2[%add3A_438, %add3A, %dma_start3A_443, %dma_start3A_444] : memref<50x32x4x128xi32, #tpu.memory_space<hbm>> -> memref<1x1x4x128xi32, #tpu.memory_space<hbm>>
        %dma_start3A_446 = tpu.memref_squeeze %dma_start3A_445 : memref<1x1x4x128xi32, #tpu.memory_space<hbm>> -> memref<4x128xi32, #tpu.memory_space<hbm>>
        tpu.enqueue_dma source(%dma_start3A_446 : memref<4x128xi32, #tpu.memory_space<hbm>>) target(%arg13 : memref<4x128xi32, #tpu.memory_space<vmem>>) target_semaphore(%arg37 : memref<!tpu.dma_semaphore, #tpu.memory_space<semaphore_mem>>)
        %dma_start3A_447 = arith.constant 0 : i32
        %dma_start3A_448 = arith.constant 0 : i32
        %dma_start3A_449 = tpu.memref_slice %arg3[%add3A_438, %add3A, %dma_start3A_447, %dma_start3A_448] : memref<50x32x3x128xi32, #tpu.memory_space<hbm>> -> memref<1x1x3x128xi32, #tpu.memory_space<hbm>>
        %dma_start3A_450 = tpu.memref_squeeze %dma_start3A_449 : memref<1x1x3x128xi32, #tpu.memory_space<hbm>> -> memref<3x128xi32, #tpu.memory_space<hbm>>
        %dma_start3A_451 = arith.constant 0 : i32
        %dma_start3A_452 = arith.constant 0 : i32
        %dma_start3A_453 = tpu.memref_slice %arg3[%add3A_438, %add3A, %dma_start3A_451, %dma_start3A_452] : memref<50x32x3x128xi32, #tpu.memory_space<hbm>> -> memref<1x1x3x128xi32, #tpu.memory_space<hbm>>
        %dma_start3A_454 = tpu.memref_squeeze %dma_start3A_453 : memref<1x1x3x128xi32, #tpu.memory_space<hbm>> -> memref<3x128xi32, #tpu.memory_space<hbm>>
        tpu.enqueue_dma source(%dma_start3A_454 : memref<3x128xi32, #tpu.memory_space<hbm>>) target(%arg15 : memref<3x128xi32, #tpu.memory_space<vmem>>) target_semaphore(%arg37 : memref<!tpu.dma_semaphore, #tpu.memory_space<semaphore_mem>>)
      } else {
      }
      %gt3A_404 = arith.constant 0 : i32
      %gt3A_405 = arith.cmpi sgt, %scan3A_269, %gt3A_404 : i32
      %convert_element_type3A_406 = arith.extui %gt3A_405 : i1 to i32
      %cond3A_407 = arith.constant 0 : i32
      %cond3A_408 = arith.cmpi ne, %convert_element_type3A_406, %cond3A_407 : i32
      scf.if %cond3A_408 {
        %dma_wait3A_437 = arith.constant 0 : i32
        %dma_wait3A_438 = arith.constant 0 : i32
        %dma_wait3A_439 = arith.constant 0 : i32
        %dma_wait3A_440 = arith.constant 0 : i32
        %dma_wait3A_441 = arith.constant 0 : i32
        %dma_wait3A_442 = tpu.memref_slice %arg31[%dma_wait3A_439, %dma_wait3A_440, %dma_wait3A_441] : memref<12x8x129xf32, #tpu.memory_space<vmem>> -> memref<12x8x128xf32, #tpu.memory_space<vmem>>
        %dma_wait3A_443 = arith.constant 0 : i32
        %dma_wait3A_444 = arith.constant 0 : i32
        %dma_wait3A_445 = arith.constant 0 : i32
        %dma_wait3A_446 = tpu.memref_slice %arg11[%dma_wait3A_437, %dma_wait3A_443, %dma_wait3A_438, %dma_wait3A_444, %dma_wait3A_445] : memref<50x12x32x8x128xf32, #tpu.memory_space<hbm>> -> memref<1x12x1x8x128xf32, #tpu.memory_space<hbm>>
        %dma_wait3A_447 = tpu.memref_squeeze %dma_wait3A_446 : memref<1x12x1x8x128xf32, #tpu.memory_space<hbm>> -> memref<12x8x128xf32, #tpu.memory_space<hbm>>
        %dma_wait3A_448 = arith.constant 0 : i32
        %dma_wait3A_449 = arith.constant 0 : i32
        %dma_wait3A_450 = arith.constant 0 : i32
        %dma_wait3A_451 = tpu.memref_slice %arg11[%dma_wait3A_437, %dma_wait3A_448, %dma_wait3A_438, %dma_wait3A_449, %dma_wait3A_450] : memref<50x12x32x8x128xf32, #tpu.memory_space<hbm>> -> memref<1x12x1x8x128xf32, #tpu.memory_space<hbm>>
        %dma_wait3A_452 = tpu.memref_squeeze %dma_wait3A_451 : memref<1x12x1x8x128xf32, #tpu.memory_space<hbm>> -> memref<12x8x128xf32, #tpu.memory_space<hbm>>
        %dma_wait3A_453 = arith.constant 0 : i32
        %dma_wait3A_454 = arith.constant 0 : i32
        %dma_wait3A_455 = arith.constant 0 : i32
        %dma_wait3A_456 = tpu.memref_slice %arg31[%dma_wait3A_453, %dma_wait3A_454, %dma_wait3A_455] : memref<12x8x129xf32, #tpu.memory_space<vmem>> -> memref<12x8x128xf32, #tpu.memory_space<vmem>>
        tpu.wait_dma2 semaphore(%arg35 : memref<!tpu.dma_semaphore, #tpu.memory_space<semaphore_mem>>) src(%dma_wait3A_456 : memref<12x8x128xf32, #tpu.memory_space<vmem>>) dst(%dma_wait3A_452 : memref<12x8x128xf32, #tpu.memory_space<hbm>>)
      } else {
      }
      %parallel_loop3A_409 = arith.constant 0 : i32
      %parallel_loop3A_410 = arith.constant 128 : i32
      %parallel_loop3A_411 = arith.constant 1 : i32
      scf.for %parallel_loop3A_437 = %parallel_loop3A_409 to %parallel_loop3A_410 step %parallel_loop3A_411  : i32 {
        %parallel_loop3A_438 = arith.constant 0 : i32
        %parallel_loop3A_439 = vector.broadcast %parallel_loop3A_438 : i32 to vector<16xi32>
        %parallel_loop3A_440 = arith.muli %iota3A, %parallel_loop3A_439 : vector<16xi32>
        %parallel_loop3A_441 = vector.broadcast %parallel_loop3A_437 : i32 to vector<16xi32>
        %parallel_loop3A_442 = arith.addi %parallel_loop3A_440, %parallel_loop3A_441 : vector<16xi32>
        %parallel_loop3A_443 = arith.index_cast %parallel_loop3A_437 : i32 to index
        %parallel_loop3A_444 = arith.constant 0 : index
        %parallel_loop3A_445 = tpu.vector_load %arg20[%parallel_loop3A_443, %parallel_loop3A_444] {strides = array<i32>} : memref<128x64xf32, #tpu.memory_space<vmem>>, vector<16xf32>,
        %parallel_loop3A_446 = arith.index_cast %parallel_loop3A_437 : i32 to index
        %parallel_loop3A_447 = arith.constant 0 : index
        %parallel_loop3A_448 = tpu.vector_load %arg21[%parallel_loop3A_446, %parallel_loop3A_447] {strides = array<i32>} : memref<128x64xf32, #tpu.memory_space<vmem>>, vector<16xf32>,
        %parallel_loop3A_449 = arith.addf %parallel_loop3A_445, %parallel_loop3A_448 : vector<16xf32>
        %parallel_loop3A_450 = arith.index_cast %parallel_loop3A_437 : i32 to index
        %parallel_loop3A_451 = arith.constant 0 : index
        %parallel_loop3A_452 = tpu.vector_load %arg22[%parallel_loop3A_450, %parallel_loop3A_451] {strides = array<i32>} : memref<128x64xf32, #tpu.memory_space<vmem>>, vector<16xf32>,
        %parallel_loop3A_453 = arith.index_cast %parallel_loop3A_437 : i32 to index
        %parallel_loop3A_454 = arith.constant 0 : index
        %parallel_loop3A_455 = tpu.vector_load %arg23[%parallel_loop3A_453, %parallel_loop3A_454] {strides = array<i32>} : memref<128x64xf32, #tpu.memory_space<vmem>>, vector<16xf32>,
        %parallel_loop3A_456 = arith.addf %parallel_loop3A_452, %parallel_loop3A_455 : vector<16xf32>
        %parallel_loop3A_457 = arith.addf %parallel_loop3A_449, %parallel_loop3A_456 : vector<16xf32>
        tpu.vector_store_idx %arg31[%shift_right_arithmetic3A_20, %and3A_37, %parallel_loop3A_442], %parallel_loop3A_457 : memref<12x8x129xf32, #tpu.memory_space<vmem>>[vector<16xi32>, vector<16xi32>, vector<16xi32>], vector<16xf32>,
        %parallel_loop3A_458 = arith.index_cast %parallel_loop3A_437 : i32 to index
        %parallel_loop3A_459 = arith.constant 16 : index
        %parallel_loop3A_460 = tpu.vector_load %arg20[%parallel_loop3A_458, %parallel_loop3A_459] {strides = array<i32>} : memref<128x64xf32, #tpu.memory_space<vmem>>, vector<16xf32>,
        %parallel_loop3A_461 = arith.index_cast %parallel_loop3A_437 : i32 to index
        %parallel_loop3A_462 = arith.constant 16 : index
        %parallel_loop3A_463 = tpu.vector_load %arg21[%parallel_loop3A_461, %parallel_loop3A_462] {strides = array<i32>} : memref<128x64xf32, #tpu.memory_space<vmem>>, vector<16xf32>,
        %parallel_loop3A_464 = arith.addf %parallel_loop3A_460, %parallel_loop3A_463 : vector<16xf32>
        %parallel_loop3A_465 = arith.index_cast %parallel_loop3A_437 : i32 to index
        %parallel_loop3A_466 = arith.constant 16 : index
        %parallel_loop3A_467 = tpu.vector_load %arg22[%parallel_loop3A_465, %parallel_loop3A_466] {strides = array<i32>} : memref<128x64xf32, #tpu.memory_space<vmem>>, vector<16xf32>,
        %parallel_loop3A_468 = arith.index_cast %parallel_loop3A_437 : i32 to index
        %parallel_loop3A_469 = arith.constant 16 : index
        %parallel_loop3A_470 = tpu.vector_load %arg23[%parallel_loop3A_468, %parallel_loop3A_469] {strides = array<i32>} : memref<128x64xf32, #tpu.memory_space<vmem>>, vector<16xf32>,
        %parallel_loop3A_471 = arith.addf %parallel_loop3A_467, %parallel_loop3A_470 : vector<16xf32>
        %parallel_loop3A_472 = arith.addf %parallel_loop3A_464, %parallel_loop3A_471 : vector<16xf32>
        tpu.vector_store_idx %arg31[%shift_right_arithmetic3A_23, %and3A_40, %parallel_loop3A_442], %parallel_loop3A_472 : memref<12x8x129xf32, #tpu.memory_space<vmem>>[vector<16xi32>, vector<16xi32>, vector<16xi32>], vector<16xf32>,
        %parallel_loop3A_473 = arith.index_cast %parallel_loop3A_437 : i32 to index
        %parallel_loop3A_474 = arith.constant 32 : index
        %parallel_loop3A_475 = tpu.vector_load %arg20[%parallel_loop3A_473, %parallel_loop3A_474] {strides = array<i32>} : memref<128x64xf32, #tpu.memory_space<vmem>>, vector<16xf32>,
        %parallel_loop3A_476 = arith.index_cast %parallel_loop3A_437 : i32 to index
        %parallel_loop3A_477 = arith.constant 32 : index
        %parallel_loop3A_478 = tpu.vector_load %arg21[%parallel_loop3A_476, %parallel_loop3A_477] {strides = array<i32>} : memref<128x64xf32, #tpu.memory_space<vmem>>, vector<16xf32>,
        %parallel_loop3A_479 = arith.addf %parallel_loop3A_475, %parallel_loop3A_478 : vector<16xf32>
        %parallel_loop3A_480 = arith.index_cast %parallel_loop3A_437 : i32 to index
        %parallel_loop3A_481 = arith.constant 32 : index
        %parallel_loop3A_482 = tpu.vector_load %arg22[%parallel_loop3A_480, %parallel_loop3A_481] {strides = array<i32>} : memref<128x64xf32, #tpu.memory_space<vmem>>, vector<16xf32>,
        %parallel_loop3A_483 = arith.index_cast %parallel_loop3A_437 : i32 to index
        %parallel_loop3A_484 = arith.constant 32 : index
        %parallel_loop3A_485 = tpu.vector_load %arg23[%parallel_loop3A_483, %parallel_loop3A_484] {strides = array<i32>} : memref<128x64xf32, #tpu.memory_space<vmem>>, vector<16xf32>,
        %parallel_loop3A_486 = arith.addf %parallel_loop3A_482, %parallel_loop3A_485 : vector<16xf32>
        %parallel_loop3A_487 = arith.addf %parallel_loop3A_479, %parallel_loop3A_486 : vector<16xf32>
        tpu.vector_store_idx %arg31[%shift_right_arithmetic3A_26, %and3A_43, %parallel_loop3A_442], %parallel_loop3A_487 : memref<12x8x129xf32, #tpu.memory_space<vmem>>[vector<16xi32>, vector<16xi32>, vector<16xi32>], vector<16xf32>,
        %parallel_loop3A_488 = arith.index_cast %parallel_loop3A_437 : i32 to index
        %parallel_loop3A_489 = arith.constant 48 : index
        %parallel_loop3A_490 = tpu.vector_load %arg20[%parallel_loop3A_488, %parallel_loop3A_489] {strides = array<i32>} : memref<128x64xf32, #tpu.memory_space<vmem>>, vector<16xf32>,
        %parallel_loop3A_491 = arith.index_cast %parallel_loop3A_437 : i32 to index
        %parallel_loop3A_492 = arith.constant 48 : index
        %parallel_loop3A_493 = tpu.vector_load %arg21[%parallel_loop3A_491, %parallel_loop3A_492] {strides = array<i32>} : memref<128x64xf32, #tpu.memory_space<vmem>>, vector<16xf32>,
        %parallel_loop3A_494 = arith.addf %parallel_loop3A_490, %parallel_loop3A_493 : vector<16xf32>
        %parallel_loop3A_495 = arith.index_cast %parallel_loop3A_437 : i32 to index
        %parallel_loop3A_496 = arith.constant 48 : index
        %parallel_loop3A_497 = tpu.vector_load %arg22[%parallel_loop3A_495, %parallel_loop3A_496] {strides = array<i32>} : memref<128x64xf32, #tpu.memory_space<vmem>>, vector<16xf32>,
        %parallel_loop3A_498 = arith.index_cast %parallel_loop3A_437 : i32 to index
        %parallel_loop3A_499 = arith.constant 48 : index
        %parallel_loop3A_500 = tpu.vector_load %arg23[%parallel_loop3A_498, %parallel_loop3A_499] {strides = array<i32>} : memref<128x64xf32, #tpu.memory_space<vmem>>, vector<16xf32>,
        %parallel_loop3A_501 = arith.addf %parallel_loop3A_497, %parallel_loop3A_500 : vector<16xf32>
        %parallel_loop3A_502 = arith.addf %parallel_loop3A_494, %parallel_loop3A_501 : vector<16xf32>
        tpu.vector_store_idx %arg31[%shift_right_arithmetic3A_29, %and3A_46, %parallel_loop3A_442], %parallel_loop3A_502 : memref<12x8x129xf32, #tpu.memory_space<vmem>>[vector<16xi32>, vector<16xi32>, vector<16xi32>], vector<16xf32>,
        %parallel_loop3A_503 = arith.index_cast %parallel_loop3A_437 : i32 to index
        %parallel_loop3A_504 = arith.constant 0 : index
        %parallel_loop3A_505 = tpu.vector_load %arg27[%parallel_loop3A_503, %parallel_loop3A_504] {strides = array<i32>} : memref<128x32xf32, #tpu.memory_space<vmem>>, vector<16xf32>,
        %parallel_loop3A_506 = arith.index_cast %parallel_loop3A_437 : i32 to index
        %parallel_loop3A_507 = arith.constant 0 : index
        %parallel_loop3A_508 = tpu.vector_load %arg28[%parallel_loop3A_506, %parallel_loop3A_507] {strides = array<i32>} : memref<128x32xf32, #tpu.memory_space<vmem>>, vector<16xf32>,
        %parallel_loop3A_509 = arith.addf %parallel_loop3A_505, %parallel_loop3A_508 : vector<16xf32>
        %parallel_loop3A_510 = arith.index_cast %parallel_loop3A_437 : i32 to index
        %parallel_loop3A_511 = arith.constant 0 : index
        %parallel_loop3A_512 = tpu.vector_load %arg29[%parallel_loop3A_510, %parallel_loop3A_511] {strides = array<i32>} : memref<128x32xf32, #tpu.memory_space<vmem>>, vector<16xf32>,
        %parallel_loop3A_513 = arith.addf %parallel_loop3A_509, %parallel_loop3A_512 : vector<16xf32>
        tpu.vector_store_idx %arg31[%shift_right_arithmetic3A_32, %and3A_49, %parallel_loop3A_442], %parallel_loop3A_513 : memref<12x8x129xf32, #tpu.memory_space<vmem>>[vector<16xi32>, vector<16xi32>, vector<16xi32>], vector<16xf32>,
        %parallel_loop3A_514 = arith.index_cast %parallel_loop3A_437 : i32 to index
        %parallel_loop3A_515 = arith.constant 16 : index
        %parallel_loop3A_516 = tpu.vector_load %arg27[%parallel_loop3A_514, %parallel_loop3A_515] {strides = array<i32>} : memref<128x32xf32, #tpu.memory_space<vmem>>, vector<16xf32>,
        %parallel_loop3A_517 = arith.index_cast %parallel_loop3A_437 : i32 to index
        %parallel_loop3A_518 = arith.constant 16 : index
        %parallel_loop3A_519 = tpu.vector_load %arg28[%parallel_loop3A_517, %parallel_loop3A_518] {strides = array<i32>} : memref<128x32xf32, #tpu.memory_space<vmem>>, vector<16xf32>,
        %parallel_loop3A_520 = arith.addf %parallel_loop3A_516, %parallel_loop3A_519 : vector<16xf32>
        %parallel_loop3A_521 = arith.index_cast %parallel_loop3A_437 : i32 to index
        %parallel_loop3A_522 = arith.constant 16 : index
        %parallel_loop3A_523 = tpu.vector_load %arg29[%parallel_loop3A_521, %parallel_loop3A_522] {strides = array<i32>} : memref<128x32xf32, #tpu.memory_space<vmem>>, vector<16xf32>,
        %parallel_loop3A_524 = arith.addf %parallel_loop3A_520, %parallel_loop3A_523 : vector<16xf32>
        tpu.vector_store_idx %arg31[%shift_right_arithmetic3A_35, %and3A_52, %parallel_loop3A_442], %parallel_loop3A_524 : memref<12x8x129xf32, #tpu.memory_space<vmem>>[vector<16xi32>, vector<16xi32>, vector<16xi32>], vector<16xf32>,
      } {sc.loop_unroll_factor = 4 : i64, sc.parallel_access}
      %dma_start3A_412 = arith.constant 0 : i32
      %dma_start3A_413 = arith.constant 0 : i32
      %dma_start3A_414 = arith.constant 0 : i32
      %dma_start3A_415 = tpu.memref_slice %arg31[%dma_start3A_412, %dma_start3A_413, %dma_start3A_414] : memref<12x8x129xf32, #tpu.memory_space<vmem>> -> memref<12x8x128xf32, #tpu.memory_space<vmem>>
      %dma_start3A_416 = arith.constant 0 : i32
      %dma_start3A_417 = arith.constant 0 : i32
      %dma_start3A_418 = arith.constant 0 : i32
      %dma_start3A_419 = tpu.memref_slice %arg11[%add3A_354, %dma_start3A_416, %add3A, %dma_start3A_417, %dma_start3A_418] : memref<50x12x32x8x128xf32, #tpu.memory_space<hbm>> -> memref<1x12x1x8x128xf32, #tpu.memory_space<hbm>>
      %dma_start3A_420 = tpu.memref_squeeze %dma_start3A_419 : memref<1x12x1x8x128xf32, #tpu.memory_space<hbm>> -> memref<12x8x128xf32, #tpu.memory_space<hbm>>
      %dma_start3A_421 = arith.constant 0 : i32
      %dma_start3A_422 = arith.constant 0 : i32
      %dma_start3A_423 = arith.constant 0 : i32
      %dma_start3A_424 = tpu.memref_slice %arg11[%add3A_354, %dma_start3A_421, %add3A, %dma_start3A_422, %dma_start3A_423] : memref<50x12x32x8x128xf32, #tpu.memory_space<hbm>> -> memref<1x12x1x8x128xf32, #tpu.memory_space<hbm>>
      %dma_start3A_425 = tpu.memref_squeeze %dma_start3A_424 : memref<1x12x1x8x128xf32, #tpu.memory_space<hbm>> -> memref<12x8x128xf32, #tpu.memory_space<hbm>>
      %dma_start3A_426 = arith.constant 0 : i32
      %dma_start3A_427 = arith.constant 0 : i32
      %dma_start3A_428 = arith.constant 0 : i32
      %dma_start3A_429 = tpu.memref_slice %arg31[%dma_start3A_426, %dma_start3A_427, %dma_start3A_428] : memref<12x8x129xf32, #tpu.memory_space<vmem>> -> memref<12x8x128xf32, #tpu.memory_space<vmem>>
      tpu.enqueue_dma source(%dma_start3A_429 : memref<12x8x128xf32, #tpu.memory_space<vmem>>) target(%dma_start3A_425 : memref<12x8x128xf32, #tpu.memory_space<hbm>>) target_semaphore(%arg35 : memref<!tpu.dma_semaphore, #tpu.memory_space<semaphore_mem>>)
      %add3A_430 = arith.constant 2 : i32
      %add3A_431 = arith.addi %add3A_354, %add3A_430 : i32
      %lt3A_432 = arith.constant 50 : i32
      %lt3A_433 = arith.cmpi slt, %add3A_431, %lt3A_432 : i32
      %convert_element_type3A_434 = arith.extui %lt3A_433 : i1 to i32
      %cond3A_435 = arith.constant 0 : i32
      %cond3A_436 = arith.cmpi ne, %convert_element_type3A_434, %cond3A_435 : i32
      scf.if %cond3A_436 {
        %dma_wait3A_437 = arith.constant 0 : i32
        %dma_wait3A_438 = arith.constant 0 : i32
        %dma_wait3A_439 = arith.constant 0 : i32
        %dma_wait3A_440 = arith.constant 0 : i32
        %dma_wait3A_441 = tpu.memref_slice %arg2[%dma_wait3A_437, %dma_wait3A_438, %dma_wait3A_439, %dma_wait3A_440] : memref<50x32x4x128xi32, #tpu.memory_space<hbm>> -> memref<1x1x4x128xi32, #tpu.memory_space<hbm>>
        %dma_wait3A_442 = tpu.memref_squeeze %dma_wait3A_441 : memref<1x1x4x128xi32, #tpu.memory_space<hbm>> -> memref<4x128xi32, #tpu.memory_space<hbm>>
        %dma_wait3A_443 = arith.constant 0 : i32
        %dma_wait3A_444 = arith.constant 0 : i32
        %dma_wait3A_445 = tpu.memref_slice %arg2[%dma_wait3A_437, %dma_wait3A_438, %dma_wait3A_443, %dma_wait3A_444] : memref<50x32x4x128xi32, #tpu.memory_space<hbm>> -> memref<1x1x4x128xi32, #tpu.memory_space<hbm>>
        %dma_wait3A_446 = tpu.memref_squeeze %dma_wait3A_445 : memref<1x1x4x128xi32, #tpu.memory_space<hbm>> -> memref<4x128xi32, #tpu.memory_space<hbm>>
        tpu.wait_dma2 semaphore(%arg37 : memref<!tpu.dma_semaphore, #tpu.memory_space<semaphore_mem>>) src(%dma_wait3A_446 : memref<4x128xi32, #tpu.memory_space<hbm>>) dst(%arg13 : memref<4x128xi32, #tpu.memory_space<vmem>>)
        %dma_wait3A_447 = arith.constant 0 : i32
        %dma_wait3A_448 = arith.constant 0 : i32
        %dma_wait3A_449 = arith.constant 0 : i32
        %dma_wait3A_450 = arith.constant 0 : i32
        %dma_wait3A_451 = tpu.memref_slice %arg3[%dma_wait3A_447, %dma_wait3A_448, %dma_wait3A_449, %dma_wait3A_450] : memref<50x32x3x128xi32, #tpu.memory_space<hbm>> -> memref<1x1x3x128xi32, #tpu.memory_space<hbm>>
        %dma_wait3A_452 = tpu.memref_squeeze %dma_wait3A_451 : memref<1x1x3x128xi32, #tpu.memory_space<hbm>> -> memref<3x128xi32, #tpu.memory_space<hbm>>
        %dma_wait3A_453 = arith.constant 0 : i32
        %dma_wait3A_454 = arith.constant 0 : i32
        %dma_wait3A_455 = tpu.memref_slice %arg3[%dma_wait3A_447, %dma_wait3A_448, %dma_wait3A_453, %dma_wait3A_454] : memref<50x32x3x128xi32, #tpu.memory_space<hbm>> -> memref<1x1x3x128xi32, #tpu.memory_space<hbm>>
        %dma_wait3A_456 = tpu.memref_squeeze %dma_wait3A_455 : memref<1x1x3x128xi32, #tpu.memory_space<hbm>> -> memref<3x128xi32, #tpu.memory_space<hbm>>
        tpu.wait_dma2 semaphore(%arg37 : memref<!tpu.dma_semaphore, #tpu.memory_space<semaphore_mem>>) src(%dma_wait3A_456 : memref<3x128xi32, #tpu.memory_space<hbm>>) dst(%arg15 : memref<3x128xi32, #tpu.memory_space<vmem>>)
        %dma_start3A_457 = arith.constant 0 : i32
        %dma_start3A_458 = arith.constant 0 : i32
        %dma_start3A_459 = tpu.memref_slice %arg13[%dma_start3A_457, %dma_start3A_458] : memref<4x128xi32, #tpu.memory_space<vmem>> -> memref<1x128xi32, #tpu.memory_space<vmem>>
        %dma_start3A_460 = tpu.memref_squeeze %dma_start3A_459 : memref<1x128xi32, #tpu.memory_space<vmem>> -> memref<128xi32, #tpu.memory_space<vmem>>
        %dma_start3A_461 = arith.constant 0 : i32
        %dma_start3A_462 = arith.constant 0 : i32
        %dma_start3A_463 = tpu.memref_slice %arg4[%dma_start3A_461, %dma_start3A_462] : memref<100000x64xf32, #tpu.memory_space<hbm>> -> memref<100000x64xf32, #tpu.memory_space<hbm>>
        tpu.enqueue_indirect_dma source(%dma_start3A_463 : memref<100000x64xf32, #tpu.memory_space<hbm>>) target(%arg20 : memref<128x64xf32, #tpu.memory_space<vmem>>) offsets(%dma_start3A_460 : memref<128xi32, #tpu.memory_space<vmem>>) semaphore(%arg33 : memref<!tpu.dma_semaphore, #tpu.memory_space<semaphore_mem>>)
        %dma_start3A_464 = arith.constant 1 : i32
        %dma_start3A_465 = arith.constant 0 : i32
        %dma_start3A_466 = tpu.memref_slice %arg13[%dma_start3A_464, %dma_start3A_465] : memref<4x128xi32, #tpu.memory_space<vmem>> -> memref<1x128xi32, #tpu.memory_space<vmem>>
        %dma_start3A_467 = tpu.memref_squeeze %dma_start3A_466 : memref<1x128xi32, #tpu.memory_space<vmem>> -> memref<128xi32, #tpu.memory_space<vmem>>
        %dma_start3A_468 = arith.constant 0 : i32
        %dma_start3A_469 = arith.constant 0 : i32
        %dma_start3A_470 = tpu.memref_slice %arg5[%dma_start3A_468, %dma_start3A_469] : memref<100000x64xf32, #tpu.memory_space<hbm>> -> memref<100000x64xf32, #tpu.memory_space<hbm>>
        tpu.enqueue_indirect_dma source(%dma_start3A_470 : memref<100000x64xf32, #tpu.memory_space<hbm>>) target(%arg21 : memref<128x64xf32, #tpu.memory_space<vmem>>) offsets(%dma_start3A_467 : memref<128xi32, #tpu.memory_space<vmem>>) semaphore(%arg33 : memref<!tpu.dma_semaphore, #tpu.memory_space<semaphore_mem>>)
        %dma_start3A_471 = arith.constant 2 : i32
        %dma_start3A_472 = arith.constant 0 : i32
        %dma_start3A_473 = tpu.memref_slice %arg13[%dma_start3A_471, %dma_start3A_472] : memref<4x128xi32, #tpu.memory_space<vmem>> -> memref<1x128xi32, #tpu.memory_space<vmem>>
        %dma_start3A_474 = tpu.memref_squeeze %dma_start3A_473 : memref<1x128xi32, #tpu.memory_space<vmem>> -> memref<128xi32, #tpu.memory_space<vmem>>
        %dma_start3A_475 = arith.constant 0 : i32
        %dma_start3A_476 = arith.constant 0 : i32
        %dma_start3A_477 = tpu.memref_slice %arg6[%dma_start3A_475, %dma_start3A_476] : memref<100000x64xf32, #tpu.memory_space<hbm>> -> memref<100000x64xf32, #tpu.memory_space<hbm>>
        tpu.enqueue_indirect_dma source(%dma_start3A_477 : memref<100000x64xf32, #tpu.memory_space<hbm>>) target(%arg22 : memref<128x64xf32, #tpu.memory_space<vmem>>) offsets(%dma_start3A_474 : memref<128xi32, #tpu.memory_space<vmem>>) semaphore(%arg33 : memref<!tpu.dma_semaphore, #tpu.memory_space<semaphore_mem>>)
        %dma_start3A_478 = arith.constant 3 : i32
        %dma_start3A_479 = arith.constant 0 : i32
        %dma_start3A_480 = tpu.memref_slice %arg13[%dma_start3A_478, %dma_start3A_479] : memref<4x128xi32, #tpu.memory_space<vmem>> -> memref<1x128xi32, #tpu.memory_space<vmem>>
        %dma_start3A_481 = tpu.memref_squeeze %dma_start3A_480 : memref<1x128xi32, #tpu.memory_space<vmem>> -> memref<128xi32, #tpu.memory_space<vmem>>
        %dma_start3A_482 = arith.constant 0 : i32
        %dma_start3A_483 = arith.constant 0 : i32
        %dma_start3A_484 = tpu.memref_slice %arg7[%dma_start3A_482, %dma_start3A_483] : memref<100000x64xf32, #tpu.memory_space<hbm>> -> memref<100000x64xf32, #tpu.memory_space<hbm>>
        tpu.enqueue_indirect_dma source(%dma_start3A_484 : memref<100000x64xf32, #tpu.memory_space<hbm>>) target(%arg23 : memref<128x64xf32, #tpu.memory_space<vmem>>) offsets(%dma_start3A_481 : memref<128xi32, #tpu.memory_space<vmem>>) semaphore(%arg33 : memref<!tpu.dma_semaphore, #tpu.memory_space<semaphore_mem>>)
        %dma_start3A_485 = arith.constant 0 : i32
        %dma_start3A_486 = arith.constant 0 : i32
        %dma_start3A_487 = tpu.memref_slice %arg15[%dma_start3A_485, %dma_start3A_486] : memref<3x128xi32, #tpu.memory_space<vmem>> -> memref<1x128xi32, #tpu.memory_space<vmem>>
        %dma_start3A_488 = tpu.memref_squeeze %dma_start3A_487 : memref<1x128xi32, #tpu.memory_space<vmem>> -> memref<128xi32, #tpu.memory_space<vmem>>
        %dma_start3A_489 = arith.constant 0 : i32
        %dma_start3A_490 = arith.constant 0 : i32
        %dma_start3A_491 = tpu.memref_slice %arg8[%dma_start3A_489, %dma_start3A_490] : memref<1000x32xf32, #tpu.memory_space<hbm>> -> memref<1000x32xf32, #tpu.memory_space<hbm>>
        tpu.enqueue_indirect_dma source(%dma_start3A_491 : memref<1000x32xf32, #tpu.memory_space<hbm>>) target(%arg27 : memref<128x32xf32, #tpu.memory_space<vmem>>) offsets(%dma_start3A_488 : memref<128xi32, #tpu.memory_space<vmem>>) semaphore(%arg33 : memref<!tpu.dma_semaphore, #tpu.memory_space<semaphore_mem>>)
        %dma_start3A_492 = arith.constant 1 : i32
        %dma_start3A_493 = arith.constant 0 : i32
        %dma_start3A_494 = tpu.memref_slice %arg15[%dma_start3A_492, %dma_start3A_493] : memref<3x128xi32, #tpu.memory_space<vmem>> -> memref<1x128xi32, #tpu.memory_space<vmem>>
        %dma_start3A_495 = tpu.memref_squeeze %dma_start3A_494 : memref<1x128xi32, #tpu.memory_space<vmem>> -> memref<128xi32, #tpu.memory_space<vmem>>
        %dma_start3A_496 = arith.constant 0 : i32
        %dma_start3A_497 = arith.constant 0 : i32
        %dma_start3A_498 = tpu.memref_slice %arg9[%dma_start3A_496, %dma_start3A_497] : memref<1000x32xf32, #tpu.memory_space<hbm>> -> memref<1000x32xf32, #tpu.memory_space<hbm>>
        tpu.enqueue_indirect_dma source(%dma_start3A_498 : memref<1000x32xf32, #tpu.memory_space<hbm>>) target(%arg28 : memref<128x32xf32, #tpu.memory_space<vmem>>) offsets(%dma_start3A_495 : memref<128xi32, #tpu.memory_space<vmem>>) semaphore(%arg33 : memref<!tpu.dma_semaphore, #tpu.memory_space<semaphore_mem>>)
        %dma_start3A_499 = arith.constant 2 : i32
        %dma_start3A_500 = arith.constant 0 : i32
        %dma_start3A_501 = tpu.memref_slice %arg15[%dma_start3A_499, %dma_start3A_500] : memref<3x128xi32, #tpu.memory_space<vmem>> -> memref<1x128xi32, #tpu.memory_space<vmem>>
        %dma_start3A_502 = tpu.memref_squeeze %dma_start3A_501 : memref<1x128xi32, #tpu.memory_space<vmem>> -> memref<128xi32, #tpu.memory_space<vmem>>
        %dma_start3A_503 = arith.constant 0 : i32
        %dma_start3A_504 = arith.constant 0 : i32
        %dma_start3A_505 = tpu.memref_slice %arg10[%dma_start3A_503, %dma_start3A_504] : memref<1000x32xf32, #tpu.memory_space<hbm>> -> memref<1000x32xf32, #tpu.memory_space<hbm>>
        tpu.enqueue_indirect_dma source(%dma_start3A_505 : memref<1000x32xf32, #tpu.memory_space<hbm>>) target(%arg29 : memref<128x32xf32, #tpu.memory_space<vmem>>) offsets(%dma_start3A_502 : memref<128xi32, #tpu.memory_space<vmem>>) semaphore(%arg33 : memref<!tpu.dma_semaphore, #tpu.memory_space<semaphore_mem>>)
      } else {
      }
    }
    %scan3A_228 = arith.constant 25 : i32
    %dma_wait3A_229 = arith.constant 0 : i32
    %dma_wait3A_230 = arith.constant 0 : i32
    %dma_wait3A_231 = arith.constant 0 : i32
    %dma_wait3A_232 = arith.constant 0 : i32
    %dma_wait3A_233 = arith.constant 0 : i32
    %dma_wait3A_234 = tpu.memref_slice %arg30[%dma_wait3A_231, %dma_wait3A_232, %dma_wait3A_233] : memref<12x8x129xf32, #tpu.memory_space<vmem>> -> memref<12x8x128xf32, #tpu.memory_space<vmem>>
    %dma_wait3A_235 = arith.constant 0 : i32
    %dma_wait3A_236 = arith.constant 0 : i32
    %dma_wait3A_237 = arith.constant 0 : i32
    %dma_wait3A_238 = tpu.memref_slice %arg11[%dma_wait3A_229, %dma_wait3A_235, %dma_wait3A_230, %dma_wait3A_236, %dma_wait3A_237] : memref<50x12x32x8x128xf32, #tpu.memory_space<hbm>> -> memref<1x12x1x8x128xf32, #tpu.memory_space<hbm>>
    %dma_wait3A_239 = tpu.memref_squeeze %dma_wait3A_238 : memref<1x12x1x8x128xf32, #tpu.memory_space<hbm>> -> memref<12x8x128xf32, #tpu.memory_space<hbm>>
    %dma_wait3A_240 = arith.constant 0 : i32
    %dma_wait3A_241 = arith.constant 0 : i32
    %dma_wait3A_242 = arith.constant 0 : i32
    %dma_wait3A_243 = tpu.memref_slice %arg11[%dma_wait3A_229, %dma_wait3A_240, %dma_wait3A_230, %dma_wait3A_241, %dma_wait3A_242] : memref<50x12x32x8x128xf32, #tpu.memory_space<hbm>> -> memref<1x12x1x8x128xf32, #tpu.memory_space<hbm>>
    %dma_wait3A_244 = tpu.memref_squeeze %dma_wait3A_243 : memref<1x12x1x8x128xf32, #tpu.memory_space<hbm>> -> memref<12x8x128xf32, #tpu.memory_space<hbm>>
    %dma_wait3A_245 = arith.constant 0 : i32
    %dma_wait3A_246 = arith.constant 0 : i32
    %dma_wait3A_247 = arith.constant 0 : i32
    %dma_wait3A_248 = tpu.memref_slice %arg30[%dma_wait3A_245, %dma_wait3A_246, %dma_wait3A_247] : memref<12x8x129xf32, #tpu.memory_space<vmem>> -> memref<12x8x128xf32, #tpu.memory_space<vmem>>
    tpu.wait_dma2 semaphore(%arg34 : memref<!tpu.dma_semaphore, #tpu.memory_space<semaphore_mem>>) src(%dma_wait3A_248 : memref<12x8x128xf32, #tpu.memory_space<vmem>>) dst(%dma_wait3A_244 : memref<12x8x128xf32, #tpu.memory_space<hbm>>)
    %dma_wait3A_249 = arith.constant 0 : i32
    %dma_wait3A_250 = arith.constant 0 : i32
    %dma_wait3A_251 = arith.constant 0 : i32
    %dma_wait3A_252 = arith.constant 0 : i32
    %dma_wait3A_253 = arith.constant 0 : i32
    %dma_wait3A_254 = tpu.memref_slice %arg31[%dma_wait3A_251, %dma_wait3A_252, %dma_wait3A_253] : memref<12x8x129xf32, #tpu.memory_space<vmem>> -> memref<12x8x128xf32, #tpu.memory_space<vmem>>
    %dma_wait3A_255 = arith.constant 0 : i32
    %dma_wait3A_256 = arith.constant 0 : i32
    %dma_wait3A_257 = arith.constant 0 : i32
    %dma_wait3A_258 = tpu.memref_slice %arg11[%dma_wait3A_249, %dma_wait3A_255, %dma_wait3A_250, %dma_wait3A_256, %dma_wait3A_257] : memref<50x12x32x8x128xf32, #tpu.memory_space<hbm>> -> memref<1x12x1x8x128xf32, #tpu.memory_space<hbm>>
    %dma_wait3A_259 = tpu.memref_squeeze %dma_wait3A_258 : memref<1x12x1x8x128xf32, #tpu.memory_space<hbm>> -> memref<12x8x128xf32, #tpu.memory_space<hbm>>
    %dma_wait3A_260 = arith.constant 0 : i32
    %dma_wait3A_261 = arith.constant 0 : i32
    %dma_wait3A_262 = arith.constant 0 : i32
    %dma_wait3A_263 = tpu.memref_slice %arg11[%dma_wait3A_249, %dma_wait3A_260, %dma_wait3A_250, %dma_wait3A_261, %dma_wait3A_262] : memref<50x12x32x8x128xf32, #tpu.memory_space<hbm>> -> memref<1x12x1x8x128xf32, #tpu.memory_space<hbm>>
    %dma_wait3A_264 = tpu.memref_squeeze %dma_wait3A_263 : memref<1x12x1x8x128xf32, #tpu.memory_space<hbm>> -> memref<12x8x128xf32, #tpu.memory_space<hbm>>
    %dma_wait3A_265 = arith.constant 0 : i32
    %dma_wait3A_266 = arith.constant 0 : i32
    %dma_wait3A_267 = arith.constant 0 : i32
    %dma_wait3A_268 = tpu.memref_slice %arg31[%dma_wait3A_265, %dma_wait3A_266, %dma_wait3A_267] : memref<12x8x129xf32, #tpu.memory_space<vmem>> -> memref<12x8x128xf32, #tpu.memory_space<vmem>>
    tpu.wait_dma2 semaphore(%arg35 : memref<!tpu.dma_semaphore, #tpu.memory_space<semaphore_mem>>) src(%dma_wait3A_268 : memref<12x8x128xf32, #tpu.memory_space<vmem>>) dst(%dma_wait3A_264 : memref<12x8x128xf32, #tpu.memory_space<hbm>>)
    return
  }
}

</mosaic_0001>

<sc_bundles>
// kernel: _emb.3.cloned.1.call-start
scs
__scs_entry_jumppad:
0x0: {  	(pc) =	sbr.rel $0x88, $3  }
0x1: {  	(tag) =	ssettag $0x0;
	lr =	simm.s32 $0x1  }
0x2: {  	[smem:$0x3F98] =	sst lr;
	_ =	strace $0xD0000000  }
0x3: {  	_ = 	snop  }
0x4: {  	_ = 	snop  }
0x5: {  	_ = 	snop  }
0x6: {  	_ = 	snop  }
0x7: {  	_ = 	snop  }
__scs_overlays_trampoline_lowered:
0x8: {  	[smem:$0x3FA7] =	sst s0  }
0x9: {  	[smem:$0x3FA8] =	sst s1  }
0xa: {  	[smem:$0x3FA9] =	sst s2  }
0xb: {  	[smem:$0x3FAA] =	sst s3  }
0xc: {  	[smem:$0x3FAB] =	sst s4  }
0xd: {  	[smem:$0x3FAC] =	sst s5  }
0xe: {  	[smem:$0x3FAD] =	sst s6  }
0xf: {  	[smem:$0x3FAE] =	sst s7  }
0x10: {  	[smem:$0x3FAF] =	sst s8  }
0x11: {  	[smem:$0x3FB0] =	sst s9;
	s0 =	simm.s32 @!p0 $0x0  }
0x12: {  	s1 =	sld [smem:$0x3F96];
	s0 =	simm.s32 @p0 $0x1  }
0x13: {  	[smem:$0x3FB1] =	sst s0;
	s0 =	simm.s32 @!p1 $0x0  }
0x14: {  	s2 =	sld [smem:$0x3F95];
	s0 =	simm.s32 @p1 $0x1  }
0x15: {  	[smem:$0x3FB2] =	sst s0;
	s0 =	simm.s32 @!p2 $0x0  }
0x16: {  	s3 =	sld [smem:$0x3FDB];
	s0 =	simm.s32 @p2 $0x1  }
0x17: {  	s4 =	simm.s32 $0x1BF5;
	[smem:$0x3FB4] =	sst s0  }
0x18: {  	s0 =	sld [smem:$0x3F97];
	_ =	swait.ge [sflag:s4], $0x0  }
0x19: {  	s7 =	sld [smem:$0x3F98]  }
0x1a: {  	s8 =	sadd.s32 $0xFFFFE003, lr  }
0x1b: {  	s9 =	sadd.s32 $0xFFFFFEF7, lr;
	s5 =	simm.s32 $0xFFFFFFFF;
	p2 =	slt.u32 s8, $0xFFFFF086  }
0x1c: {  	p1 =	slt.u32 s9, $0xF7A;
	s5 =	simm.s32 @!p2 $0x0  }
0x1d: {  	s5 =	simm.s32 @p1 $0x1;
	p0 =	seq.s32 s7, s2  }
0x1e: {  	s7 =	smul.u32 @!p0 $0xF7A, s2;
	p2 =	seq.s32 @!p0 s5, $0x0  }
0x1f: {  	s9 =	smul.u32 $0xF7A, s1;
	s8 =	simm.s32 @!p0 $0x1BF5;
	p2 =	por !p2, p0  }
0x20: {  	[sflag:s8] =	ssyncset.s32 @!p0 $0xFFFFF086;
	s6 =	sadd.s32 @!p0 s3, s7;
	s7 =	simm.s32 @!p0 $0x108  }
0x21: {  	s3 =	sadd.s32 s3, s9;
	s6 =	sadd.s32 @!p0 $0x88, s6;
	s7 =	simm.s32 @p2 $0x1082  }
0x22: {  	[simem:s7], [sflag:s8] =	dma.local @!p0 [hbm:s6], $0xF7A  }
0x23: {  	s9 =	sor.u32 $0xD0000000, s2;
	s6 =	simm.s32 $0x108;
	_ =	swait.ge @!p0 [sflag:s8], $0x0  }
0x24: {  	s3 =	sadd.s32 $0x88, s3;
	s6 =	simm.s32 @!p1 $0x1082;
	[sflag:s4] =	ssyncset.s32 $0xFFFFF086  }
0x25: {  	[simem:s6], [sflag:s4] =	dma.local [hbm:s3], $0xF7A  }
0x26: {  	[smem:$0x3F98] =	sst s1;
	(tag) =	ssettag s2;
	_ =	strace s9  }
0x27: {  	s1 =	sld [smem:$0x3FA8]  }
0x28: {  	s2 =	sld [smem:$0x3FA9]  }
0x29: {  	s4 =	sld [smem:$0x3FAB]  }
0x2a: {  	p0 =	seq.s32 s5, $0x0;
	s5 =	sld [smem:$0x3FAC]  }
0x2b: {  	s6 =	sld [smem:$0x3FAD]  }
0x2c: {  	s7 =	sld [smem:$0x3FAE]  }
0x2d: {  	s3 =	simm.s32 $0x108;
	s8 =	sld [smem:$0x3FAF]  }
0x2e: {  	s3 =	simm.s32 @!p0 $0x1082;
	s9 =	sld [smem:$0x3FB0]  }
0x2f: {  	lr =	sadd.s32 s0, s3;
	s0 =	sld [smem:$0x3FA7]  }
0x30: {  	s3 =	sld [smem:$0x3FAA]  }
0x31: {  	[smem:$0x3FB3] =	sst s10  }
0x32: {  	s10 =	sld [smem:$0x3FB1];
	_ =	sdelay $0x3  }
0x33: {  	p0 =	seq.s32 s10, $0x1;
	s10 =	sld [smem:$0x3FB3];
	_ =	sdelay $0x3  }
0x34: {  	[smem:$0x3FB3] =	sst s10  }
0x35: {  	s10 =	sld [smem:$0x3FB2];
	_ =	sdelay $0x3  }
0x36: {  	p1 =	seq.s32 s10, $0x1;
	s10 =	sld [smem:$0x3FB3];
	_ =	sdelay $0x3  }
0x37: {  	[smem:$0x3FB3] =	sst s10  }
0x38: {  	s10 =	sld [smem:$0x3FB4]  }
0x39: {  	_ = 	snop;
	(pc) =	sbr.ind lr, $3  }
0x3a: {  	_ = 	snop  }
0x3b: {  	_ = 	snop  }
0x3c: {  	p2 =	seq.s32 s10, $0x1;
	s10 =	sld [smem:$0x3FB3]  }
0x3d: {  	_ =	shalt  }
0x3e: {  	_ =	shalt  }
0x3f: {  	_ =	shalt  }
0x40: {  	_ =	shalt  }
0x41: {  	_ =	shalt  }
0x42: {  	_ =	shalt  }
0x43: {  	_ =	shalt  }
0x44: {  	_ =	shalt  }
0x45: {  	_ =	shalt  }
0x46: {  	_ =	shalt  }
0x47: {  	_ =	shalt  }
0x48: {  	_ =	shalt  }
0x49: {  	_ =	shalt  }
0x4a: {  	_ =	shalt  }
0x4b: {  	_ =	shalt  }
0x4c: {  	_ =	shalt  }
0x4d: {  	_ =	shalt  }
0x4e: {  	_ =	shalt  }
0x4f: {  	_ =	shalt  }
0x50: {  	_ =	shalt  }
0x51: {  	_ =	shalt  }
0x52: {  	_ =	shalt  }
0x53: {  	_ =	shalt  }
0x54: {  	_ =	shalt  }
0x55: {  	_ =	shalt  }
0x56: {  	_ =	shalt  }
0x57: {  	_ =	shalt  }
0x58: {  	_ =	shalt  }
0x59: {  	_ =	shalt  }
0x5a: {  	_ =	shalt  }
0x5b: {  	_ =	shalt  }
0x5c: {  	_ =	shalt  }
0x5d: {  	_ =	shalt  }
0x5e: {  	_ =	shalt  }
0x5f: {  	_ =	shalt  }
0x60: {  	_ =	shalt  }
0x61: {  	_ =	shalt  }
0x62: {  	_ =	shalt  }
0x63: {  	_ =	shalt  }
0x64: {  	_ =	shalt  }
0x65: {  	_ =	shalt  }
0x66: {  	_ =	shalt  }
0x67: {  	_ =	shalt  }
0x68: {  	_ =	shalt  }
0x69: {  	_ =	shalt  }
0x6a: {  	_ =	shalt  }
0x6b: {  	_ =	shalt  }
0x6c: {  	_ =	shalt  }
0x6d: {  	_ =	shalt  }
0x6e: {  	_ =	shalt  }
0x6f: {  	_ =	shalt  }
0x70: {  	_ =	shalt  }
0x71: {  	_ =	shalt  }
0x72: {  	_ =	shalt  }
0x73: {  	_ =	shalt  }
0x74: {  	_ =	shalt  }
0x75: {  	_ =	shalt  }
0x76: {  	_ =	shalt  }
0x77: {  	_ =	shalt  }
0x78: {  	_ =	shalt  }
0x79: {  	_ =	shalt  }
0x7a: {  	_ =	shalt  }
0x7b: {  	_ =	shalt  }
0x7c: {  	_ =	shalt  }
0x7d: {  	_ =	shalt  }
0x7e: {  	_ =	shalt  }
0x7f: {  	_ =	shalt  }
0x80: {  	_ =	shalt  }
0x81: {  	_ =	shalt  }
0x82: {  	_ =	shalt  }
0x83: {  	_ =	shalt  }
0x84: {  	_ =	shalt  }
0x85: {  	_ =	shalt  }
0x86: {  	_ =	shalt  }
0x87: {  	_ =	shalt  }
.Lfunc_end0:
.L_simem_size_0:
called_computation_lowered:
.L_overlay_start_0:
0x88: {  	s2 =	sld [smem:$0x3FD9]  }
0x89: {  	s3 =	sld [smem:$0x3FFE];
	_ =	sdelay $0x1  }
0x8a: {  	s1 =	srdreg.scid  }
0x8b: {  	s0 =	sand.u32 $0x1, s1  }
0x8c: {  	s17 =	sshll.u32 s0, $0xA;
	s2 =	sadd.s32 s3, s2  }
0x8d: {  	s2 =	sadd.s32 s2, s17  }
0x8e: {  	[smem:$0x3FBF] =	sst s2  }
0x8f: {  	_ = 	snop  }
0x90: {  	s2 =	sld [smem:$0x3FC9]  }
0x91: {  	s18 =	sld [smem:$0x3FD0];
	(tm) =	ssettm $0x1  }
0x92: {  	s4 =	sld [smem:$0x3FFB];
	_ =	sdelay $0x3  }
0x93: {  	_ =	strace s4  }
0x94: {  	s4 =	sld [smem:$0x3FFC];
	_ =	sdelay $0x3  }
0x95: {  	_ =	strace s4  }
0x96: {  	s4 =	sld [smem:$0x3FFD];
	_ =	sdelay $0x3  }
0x97: {  	_ =	strace s4  }
0x98: {  	_ =	strace $0x8FFFFFFF  }
0x99: {  	s19 =	sld [smem:$0x3FDB];
	_ =	sdelay $0x1  }
0x9a: {  	s5 =	simm.s32 $_scs_section_size  }
0x9b: {  	s6 =	simm.s32 $_size__tile_overlayer_lowered;
	s7 =	simm.s32 $_tile_overlayer_lowered  }
0x9c: {  	s22 =	simm.s32 $0x1BFF;
	s21 =	sshll.u32 s7, $0x1;
	s4 =	sadd.s32 s5, s19  }
0x9d: {  	s8 =	simm.s32 $0x0;
	s20 =	sshll.u32 s6, $0x1;
	s6 =	sadd.s32 s21, s4  }
0x9e: {  	[timem:s8], [sflag:s22] =	dma.local [hbm:s6], s20  }
0x9f: {  	_ =	swait.ge [sflag:s22], s20  }
0xa0: {  	s5 =	ssub.s32 $0x0, s20;
	[sflag:s22] =	ssyncset.done $0x0  }
0xa1: {  	[sflag:s22] =	ssyncadd.s32 s5;
	_ =	sdelay $0x1  }
0xa2: {  	s23 =	simm.s32 $0x1B8B  }
0xa3: {  	_ =	swait.ge [sflag:s23], $0x1  }
0xa4: {  	[sflag:s23] =	ssyncset.done $0x0  }
0xa5: {  	s25 =	simm.s32 $0x1B8E;
	s24 =	sld [smem:$0x3FFE];
	[sflag:s23] =	ssyncadd.s32 $0xFFFFFFFF  }
0xa6: {  	s26 =	simm.s32 $execute0_lowered;
	[smem:$0x3FD2] =	sst s25  }
0xa7: {  	s6 =	sshll.u32 s26, $0x1;
	_ =	strace $0x80000046;
	[dreg:$0x1] =	wrdreg $0xFFFFFFFF  }
0xa8: {  	s28 =	simm.s32 $_size_execute0_lowered;
	s4 =	sadd.s32 s4, s6;
	[dreg:$0x0] =	wrdreg $0x0  }
0xa9: {  	s6 =	sshll.u32 s28, $0x1;
	[dreg:$0x2] =	wrdreg s4  }
0xaa: {  	[dreg:$0x3] =	wrdreg s6  }
0xab: {  	[dreg:$0x4] =	wrdreg $0xC0  }
0xac: {  	_ =	task [dreg:s8], $0x5FFFF  }
0xad: {  	[dreg:$0x1] =	wrdreg $0xFFFFFFFF  }
0xae: {  	[dreg:$0x0] =	wrdreg $0x60  }
0xaf: {  	[dreg:$0x2] =	wrdreg s2  }
0xb0: {  	[dreg:$0x3] =	wrdreg s24  }
0xb1: {  	[dreg:$0x4] =	wrdreg s18  }
0xb2: {  	[dreg:$0x5] =	wrdreg $0x9  }
0xb3: {  	_ =	task.clear_ibuf [dreg:s8], $0x6FFFF;
	_ =	strace $0x90000046  }
0xb4: {  	s29 =	simm.s32 $0x9;
	_ =	strace $0x80000048  }
0xb5: {  	_ =	swait.ge [sflag:s29], $0x1  }
0xb6: {  	[sflag:s29] =	ssyncadd.s32 $0xFFFFFFFF  }
0xb7: {  	_ =	strace $0x90000048  }
0xb8: {  	_ =	sfence  }
0xb9: {  	s30 =	sld [smem:$0x0];
	_ =	sdelay $0x2  }
0xba: {  	s31 =	sshll.u32 s1, $0xD;
	s1 =	sshrl.u32 s1, $0x2  }
0xbb: {  	s3 =	sand.u32 $0x4000, s31;
	s1 =	sadd.s32 s1, s30  }
0xbc: {  	s0 =	sor.u32 s3, s0;
	s1 =	sshll.u32 s1, $0x11  }
0xbd: {  	s0 =	sor.u32 s1, s0  }
0xbe: {  	s0 =	sadd.s32 $0x8F2B, s0  }
0xbf: {  	[sflag:s0] =	ssyncadd.remote.s32 $0x1  }
0xc0: {  	_ =	sfence.sel $0xFFFF  }
0xc1: {  	[dreg:$0x0] =	wrdreg $0xFFFFFFFF;
	(pc) =	sbr.abs _section_cstart, $3  }
0xc2: {  	[dreg:$0x1] =	wrdreg $0xFFFFFFFF  }
0xc3: {  	_ =	task.clear_ibuf [dreg:s8], $0x2FFFF;
	_ =	strace $0x9FFFFFFF  }
0xc4: {  	(tm) =	ssettm $0x7FFFFFFF  }
0xc5: {  	_ =	shalt  }
tec
execute0_lowered:
.L_overlay_start_1:
0x0: {  	(tag) =	ssettag $0x1  }
0x1: {  	s4 =	rddreg [dreg:$0x0]  }
0x2: {  	s0 =	rddreg [dreg:$0x1]  }
0x3: {  	s3 =	simm.s32 $0x0;
	s1 =	srdreg.scid;
	s2 =	stileid.u32  }
0x4: {  	s28 =	simm.s32 $0x1;
	s29 =	simm.s32 $0x16700;
	s30 =	simm.s32 $0x2  }
0x5: {  	s31 =	simm.s32 $0x19A00;
	[smem:$0x7FF] =	sst s3;
	s15 =	sadd.s32 $0x6C00, s0  }
0x6: {  	s6 =	sadd.s32 $0x19800, s0;
	s7 =	sadd.s32 $0xDCE00, s0;
	s8 =	sadd.s32 $0x1A0400, s0  }
0x7: {  	s9 =	sadd.s32 $0x263A00, s0;
	s1 =	sand.u32 $0x1, s1;
	s2 =	sshll.u32 s2, $0x1  }
0x8: {  	s10 =	sadd.s32 $0x3C00, s0;
	s11 =	sadd.s32 $0x4C00, s0;
	s13 =	sadd.s32 $0x5C00, s0  }
0x9: {  	_ =	strace $0x80000047;
	s5 =	ssub.s32 $0x2, s1;
	s1 =	sor.u32 s1, s2  }
0xa: {  	s22 =	sshrl.u32 s5, $0x1;
	s12 =	smul.u32 $0x180, s1;
	s25 =	sshll.u32 s1, $0x9  }
0xb: {  	s24 =	sshll.u32 s1, $0x6;
	s1 =	sshll.u32 s1, $0xA;
	[dreg:$0x4] =	wrdreg s25  }
0xc: {  	s23 =	ssub.s32 s5, s22;
	s4 =	sadd.s32 s4, s24;
	[dreg:$0x8] =	wrdreg s1  }
0xd: {  	s1 =	sor.u32 $0x60000, s1;
	s5 =	simm.s32 $0x6;
	[dreg:$0x5] =	wrdreg s4  }
.Ltmp0:
0xe: {  	v0 =	vlaneseq.u32;
	s4 =	sadd.s32 $0x800, s4;
	[dreg:$0xa] =	wrdreg s1;
	(pc) =	sbr.rel .LBB2_1-.Ltmp0, $4  }
0xf: {  	v0 =	vmul.u32 $0x88, v0;
	s26 =	sshrl.u32 s12, $0x3;
	s0 =	smax.u32 s23, $0x1;
	[dreg:$0x7] =	wrdreg s4  }
0x10: {  	s14 =	smov.u32 s12;
	s2 =	sadd.s32 s15, s26;
	[dreg:$0xb] =	wrdreg s0  }
0x11: {  	v1 =	vadd.s32 $0x880, v0;
	v2 =	vadd.s32 $0x1100, v0;
	s12 =	smov.u32 s15;
	[dreg:$0x6] =	wrdreg s2;
	s2 =	sadd.s32 $0x600, s2  }
0x12: {  	v3 =	vadd.s32 $0x1980, v0;
	v4 =	vadd.s32 $0x2200, v0;
	v5 =	vadd.s32 $0x2A80, v0;
	s26 =	simm.s32 $0x80;
	[dreg:$0x9] =	wrdreg s2;
	s2 =	simm.s32 $0x0  }
.LBB2_15:
0x13: {  	s0 =	simm.s32 $0x3  }
0x14: {  	_ =	swait.ge [sflag:s0], $0x3000  }
0x15: {  	[sflag:s0] =	ssyncset.done $0x0  }
0x16: {  	s1 =	simm.s32 $0x4;
	[sflag:s0] =	ssyncadd.s32 $0xFFFFD000  }
0x17: {  	_ =	swait.ge [sflag:s1], $0x3000  }
0x18: {  	s2 =	rddreg [dreg:$0xc]  }
0x19: {  	s25 =	rddreg [dreg:$0xb];
	s2 =	sadd.s32 $0x1, s2  }
0x1a: {  	p0 =	sne.s32 s2, s25  }
.Ltmp1:
0x1b: {  	_ = 	snop;
	(pc) =	sbr.rel @!p0 .LBB2_16-.Ltmp1, $3  }
0x1c: {  	_ =	sdelay $0x1  }
0x1d: {  	[sflag:s1] =	ssyncset.done $0x0  }
0x1e: {  	[sflag:s1] =	ssyncadd.s32 $0xFFFFD000  }
.LBB2_1:
0x1f: {  	[dreg:$0xc] =	wrdreg s2  }
0x20: {  	s0 =	rddreg [dreg:$0x5]  }
0x21: {  	[tilespmem:s3], [sflag:$0x5] =	stream.linear.gather [hbm4b:s0+s3], $0x200, $0x38;
	[tilespmem:$0x1CD00] =	vst v63  }
0x22: {  	s23 =	rddreg [dreg:$0x6];
	s1 =	simm.s32 $0x400  }
0x23: {  	[tilespmem:s1], [sflag:$0x5] =	stream.linear.gather [hbm4b:s23+s3], $0x180, $0x38;
	[tilespmem:$0x1CD00] =	vst v63  }
0x24: {  	s24 =	rddreg [dreg:$0x7];
	s2 =	simm.s32 $0x200  }
0x25: {  	[tilespmem:s2], [sflag:$0x6] =	stream.linear.gather [hbm4b:s24+s3], $0x200, $0x38;
	[tilespmem:$0x1CD00] =	vst v63  }
0x26: {  	s25 =	rddreg [dreg:$0x9];
	s4 =	simm.s32 $0x580;
	s15 =	simm.s32 $0x5  }
0x27: {  	[tilespmem:s4], [sflag:$0x6] =	stream.linear.gather [hbm4b:s25+s3], $0x180, $0x38;
	[tilespmem:$0x1CD00] =	vst v63  }
0x28: {  	_ =	swait.ge [sflag:s15], $0x200  }
0x29: {  	[sflag:s15] =	ssyncset.done $0x0  }
0x2a: {  	[sflag:s15] =	ssyncadd.s32 $0xFFFFFE00  }
0x2b: {  	_ =	swait.ge [sflag:s15], $0x180  }
0x2c: {  	[sflag:s15] =	ssyncset.done $0x0  }
0x2d: {  	s16 =	simm.s32 $0x700;
	[sflag:s15] =	ssyncadd.s32 $0xFFFFFE80  }
0x2e: {  	[tilespmem:s16], [sflag:$0x1] =	stream.indirect.gather [hbm4b:s6+s26], $0x40, s3, s26, $0xb8;
	[tilespmem:$0x1CD00] =	vst v63  }
0x2f: {  	s17 =	simm.s32 $0x2700  }
0x30: {  	[tilespmem:s17], [sflag:$0x1] =	stream.indirect.gather [hbm4b:s7+s26], $0x40, s26, s26, $0xb8;
	[tilespmem:$0x1CD00] =	vst v63  }
0x31: {  	s18 =	simm.s32 $0x100;
	s15 =	simm.s32 $0x4700  }
0x32: {  	[tilespmem:s15], [sflag:$0x1] =	stream.indirect.gather [hbm4b:s8+s26], $0x40, s18, s26, $0xb8;
	[tilespmem:$0x1CD00] =	vst v63  }
0x33: {  	s19 =	simm.s32 $0x180;
	s20 =	simm.s32 $0x6700  }
0x34: {  	[tilespmem:s20], [sflag:$0x1] =	stream.indirect.gather [hbm4b:s9+s26], $0x40, s19, s26, $0xb8;
	[tilespmem:$0x1CD00] =	vst v63  }
0x35: {  	s21 =	simm.s32 $0x10700  }
0x36: {  	[tilespmem:s21], [sflag:$0x1] =	stream.indirect.gather [hbm4b:s10+s26], $0x20, s1, s26, $0xb8;
	[tilespmem:$0x1CD00] =	vst v63  }
0x37: {  	s22 =	simm.s32 $0x480;
	s23 =	simm.s32 $0x11700  }
0x38: {  	[tilespmem:s23], [sflag:$0x1] =	stream.indirect.gather [hbm4b:s11+s26], $0x20, s22, s26, $0xb8;
	[tilespmem:$0x1CD00] =	vst v63  }
0x39: {  	s24 =	simm.s32 $0x500;
	s25 =	simm.s32 $0x12700  }
0x3a: {  	[tilespmem:s25], [sflag:$0x1] =	stream.indirect.gather [hbm4b:s13+s26], $0x20, s24, s26, $0xb8;
	[tilespmem:$0x1CD00] =	vst v63  }
0x3b: {  	_ =	swait.ge [sflag:s5], $0x200  }
0x3c: {  	[sflag:s5] =	ssyncset.done $0x0  }
0x3d: {  	[sflag:s5] =	ssyncadd.s32 $0xFFFFFE00  }
0x3e: {  	_ =	swait.ge [sflag:s5], $0x180  }
0x3f: {  	[sflag:s5] =	ssyncset.done $0x0  }
0x40: {  	s1 =	simm.s32 $0x8700;
	[sflag:s5] =	ssyncadd.s32 $0xFFFFFE80  }
0x41: {  	[tilespmem:s1], [sflag:$0x2] =	stream.indirect.gather [hbm4b:s6+s26], $0x40, s2, s26, $0xb8;
	[tilespmem:$0x1CD00] =	vst v63  }
0x42: {  	s16 =	simm.s32 $0xA700;
	s15 =	simm.s32 $0x280  }
0x43: {  	[tilespmem:s16], [sflag:$0x2] =	stream.indirect.gather [hbm4b:s7+s26], $0x40, s15, s26, $0xb8;
	[tilespmem:$0x1CD00] =	vst v63  }
0x44: {  	s17 =	simm.s32 $0x300;
	s18 =	simm.s32 $0xC700  }
0x45: {  	[tilespmem:s18], [sflag:$0x2] =	stream.indirect.gather [hbm4b:s8+s26], $0x40, s17, s26, $0xb8;
	[tilespmem:$0x1CD00] =	vst v63  }
0x46: {  	s19 =	simm.s32 $0x380;
	s20 =	simm.s32 $0xE700  }
0x47: {  	[tilespmem:s20], [sflag:$0x2] =	stream.indirect.gather [hbm4b:s9+s26], $0x40, s19, s26, $0xb8;
	[tilespmem:$0x1CD00] =	vst v63  }
0x48: {  	s21 =	simm.s32 $0x13700  }
0x49: {  	[tilespmem:s21], [sflag:$0x2] =	stream.indirect.gather [hbm4b:s10+s26], $0x20, s4, s26, $0xb8;
	[tilespmem:$0x1CD00] =	vst v63  }
0x4a: {  	s22 =	simm.s32 $0x600;
	s23 =	simm.s32 $0x14700  }
0x4b: {  	[tilespmem:s23], [sflag:$0x2] =	stream.indirect.gather [hbm4b:s11+s26], $0x20, s22, s26, $0xb8;
	[tilespmem:$0x1CD00] =	vst v63  }
0x4c: {  	s24 =	simm.s32 $0x680;
	s25 =	simm.s32 $0x15700;
	s22 =	simm.s32 $0x0  }
0x4d: {  	[tilespmem:s25], [sflag:$0x2] =	stream.indirect.gather [hbm4b:s13+s26], $0x20, s24, s26, $0xb8;
	[tilespmem:$0x1CD00] =	vst v63  }
.LBB2_2:
0x4e: {  	_ =	swait.ge [sflag:s28], $0x2000  }
0x4f: {  	[sflag:s28] =	ssyncset.done $0x0  }
0x50: {  	[sflag:s28] =	ssyncadd.s32 $0xFFFFE000  }
0x51: {  	_ =	swait.ge [sflag:s28], $0x2000  }
0x52: {  	[sflag:s28] =	ssyncset.done $0x0  }
0x53: {  	[sflag:s28] =	ssyncadd.s32 $0xFFFFE000  }
0x54: {  	_ =	swait.ge [sflag:s28], $0x2000  }
0x55: {  	[sflag:s28] =	ssyncset.done $0x0  }
0x56: {  	[sflag:s28] =	ssyncadd.s32 $0xFFFFE000  }
0x57: {  	_ =	swait.ge [sflag:s28], $0x2000  }
0x58: {  	[sflag:s28] =	ssyncset.done $0x0  }
0x59: {  	[sflag:s28] =	ssyncadd.s32 $0xFFFFE000  }
0x5a: {  	_ =	swait.ge [sflag:s28], $0x1000  }
0x5b: {  	[sflag:s28] =	ssyncset.done $0x0  }
0x5c: {  	[sflag:s28] =	ssyncadd.s32 $0xFFFFF000  }
0x5d: {  	_ =	swait.ge [sflag:s28], $0x1000  }
0x5e: {  	s17 =	sshll.u32 s22, $0x1;
	p0 =	seq.s32 s22, $0x18;
	[sflag:s28] =	ssyncset.done $0x0  }
0x5f: {  	s0 =	sadd.s32 @!p0 $0x2, s17;
	p1 =	seq.s32 @!p0 s22, $0x0;
	[sflag:s28] =	ssyncadd.s32 $0xFFFFF000  }
0x60: {  	s1 =	sshll.u32 @!p0 s0, $0xE;
	s0 =	smul.u32 @!p0 $0x3000, s0;
	_ =	swait.ge [sflag:s28], $0x1000  }
0x61: {  	p1 =	por p0, !p1;
	[sflag:s28] =	ssyncset.done $0x0;
	s2 =	rddreg [dreg:$0x4]  }
0x62: {  	s0 =	sadd.s32 @!p0 s14, s0;
	s1 =	sor.u32 @!p0 s2, s1;
	[sflag:s28] =	ssyncadd.s32 $0xFFFFF000  }
.Ltmp2:
0x63: {  	s1 =	sshrl.u32 @!p0 s1, $0x3;
	s2 =	rddreg [dreg:$0x0];
	(pc) =	sbr.rel @!p1 .LBB2_3-.Ltmp2, $4  }
0x64: {  	s0 =	sshrl.u32 @!p0 s0, $0x3;
	s1 =	sadd.s32 @!p0 s2, s1;
	s2 =	simm.s32 @!p0 $0x0  }
0x65: {  	[tilespmem:s2], [sflag:$0x5] =	stream.linear.gather @!p0 [hbm4b:s1+s2], $0x200, $0x38;
	[tilespmem:$0x1CD00] =	vst v63  }
0x66: {  	s0 =	sadd.s32 @!p0 s12, s0;
	s1 =	simm.s32 @!p0 $0x400  }
0x67: {  	[tilespmem:s1], [sflag:$0x5] =	stream.linear.gather @!p0 [hbm4b:s0+s2], $0x180, $0x38;
	[tilespmem:$0x1CD00] =	vst v63  }
.Ltmp3:
0x68: {  	(pc) =	sbr.rel .LBB2_5-.Ltmp3, $4  }
0x69: {  	s0 =	simm.s32 $0x3  }
0x6a: {  	_ =	swait.ge [sflag:s0], $0x3000  }
0x6b: {  	[sflag:s0] =	ssyncset.done $0x0  }
0x6c: {  	p1 =	por $0x0, $0x0;
	[sflag:s0] =	ssyncadd.s32 $0xFFFFD000  }
.LBB2_3:
0x6d: {  	p1 =	por @!p0 $0x1, $0x1  }
.LBB2_5:
0x6e: {  	s16 =	simm.s32 $0x780  }
0x6f: {  	s1 =	simm.s32 $0x2780;
	v6 =	vld [tilespmem:s16+$0x40]  }
0x70: {  	s2 =	simm.s32 $0x4780;
	v7 =	vld [tilespmem:s1+$0x40]  }
0x71: {  	s0 =	simm.s32 $0x6780;
	v9 =	vld [tilespmem:s2+$0x40]  }
0x72: {  	v10 =	vld [tilespmem:s0+$0x40]  }
0x73: {  	v11 =	vld [tilespmem:s16+$0xFFFFFF80]  }
0x74: {  	v12 =	vld [tilespmem:s1+$0xFFFFFF80]  }
0x75: {  	v13 =	vld [tilespmem:s2+$0xFFFFFF80]  }
0x76: {  	v14 =	vld [tilespmem:s0+$0xFFFFFF80]  }
0x77: {  	v17 =	vld [tilespmem:s2+$0xFFFFFFC0]  }
0x78: {  	v18 =	vld [tilespmem:s0+$0xFFFFFFC0]  }
0x79: {  	s15 =	simm.s32 $0x3  }
0x7a: {  	v8 =	vmov s15;
	v16 =	vld [tilespmem:s16+$0xFFFFFFC0]  }
0x7b: {  	v19 =	vld [tilespmem:s16+$0x0];
	v8 =	vand.u32 $0x7F, v8;
	v6 =	vadd.f32 v7, v6  }
0x7c: {  	s24 =	simm.s32 $0x1;
	v15 =	vadd.s32 v0, v8;
	v7 =	vadd.f32 v10, v9;
	v9 =	vld [tilespmem:s1+$0xFFFFFFC0];
	v10 =	vadd.f32 v12, v11  }
0x7d: {  	v11 =	vadd.f32 v14, v13;
	v13 =	vmov s24;
	v17 =	vadd.f32 v18, v17;
	v18 =	vld [tilespmem:s2+$0x0];
	s24 =	simm.s32 $0x880  }
0x7e: {  	v60 =	vld [tilespmem:s24+$0x40]  }
0x7f: {  	s23 =	simm.s32 $0x0;
	v27 =	vld [tilespmem:s24+$0xFFFFFF80];
	v6 =	vadd.f32 v7, v6  }
0x80: {  	v7 =	vmov s23;
	v11 =	vadd.f32 v11, v10;
	v10 =	vand.u32 $0x7D, v13;
	v13 =	vld [tilespmem:s1+$0x0];
	s23 =	simm.s32 $0x4880  }
0x81: {  	v7 =	vand.u32 $0x7C, v7;
	v25 =	vld [tilespmem:s23+$0x40];
	[tilespmem:v15+s29+$0x0] =	vst.idx.msk $0xffff, v6  }
0x82: {  	v15 =	vadd.s32 v0, v7;
	v6 =	vld [tilespmem:s16+$0x50]  }
0x83: {  	v20 =	vld [tilespmem:s1+$0x50]  }
0x84: {  	v12 =	vld [tilespmem:s2+$0x50]  }
0x85: {  	v14 =	vld [tilespmem:s0+$0x50]  }
0x86: {  	v28 =	vld [tilespmem:s23+$0xFFFFFF80];
	v9 =	vadd.f32 v9, v16;
	v16 =	vadd.s32 v0, v10  }
0x87: {  	[tilespmem:v15+s29+$0x0] =	vst.idx.msk $0xffff, v11;
	v11 =	vld [tilespmem:s0+$0x0]  }
0x88: {  	v15 =	vld [tilespmem:s16+$0xFFFFFF90]  }
0x89: {  	v9 =	vadd.f32 v17, v9;
	v17 =	vadd.s32 v1, v8;
	v21 =	vld [tilespmem:s1+$0xFFFFFF90]  }
0x8a: {  	v6 =	vadd.f32 v20, v6;
	v12 =	vadd.f32 v14, v12;
	v14 =	vld [tilespmem:s2+$0xFFFFFF90]  }
0x8b: {  	[tilespmem:v16+s29+$0x0] =	vst.idx.msk $0xffff, v9;
	v9 =	vld [tilespmem:s0+$0xFFFFFF90]  }
0x8c: {  	s25 =	simm.s32 $0x2;
	v16 =	vld [tilespmem:s16+$0xFFFFFFD0];
	v12 =	vadd.f32 v12, v6  }
0x8d: {  	v45 =	vld [tilespmem:s1+$0xFFFFFFD0];
	v6 =	vmov s25  }
0x8e: {  	v23 =	vld [tilespmem:s2+$0xFFFFFFD0];
	v6 =	vand.u32 $0x7E, v6;
	[tilespmem:v17+s29+$0x0] =	vst.idx.msk $0xffff, v12  }
0x8f: {  	v12 =	vadd.s32 v0, v6;
	v17 =	vld [tilespmem:s16+$0x60]  }
0x90: {  	v13 =	vadd.f32 v13, v19;
	v11 =	vadd.f32 v11, v18;
	v18 =	vld [tilespmem:s1+$0x60]  }
0x91: {  	v19 =	vld [tilespmem:s2+$0x60]  }
0x92: {  	s25 =	simm.s32 $0x2880;
	v11 =	vadd.f32 v11, v13;
	v13 =	vld [tilespmem:s0+$0x60]  }
0x93: {  	v22 =	vadd.s32 v1, v7;
	v24 =	vld [tilespmem:s25+$0x40]  }
0x94: {  	v15 =	vadd.f32 v21, v15;
	v9 =	vadd.f32 v9, v14;
	[tilespmem:v12+s29+$0x0] =	vst.idx.msk $0xffff, v11;
	v11 =	vld [tilespmem:s0+$0xFFFFFFD0]  }
0x95: {  	v12 =	vld [tilespmem:s16+$0x10]  }
0x96: {  	v9 =	vadd.f32 v9, v15;
	v15 =	vadd.s32 v2, v8;
	v14 =	vld [tilespmem:s1+$0x10]  }
0x97: {  	v46 =	vld [tilespmem:s2+$0x10];
	v17 =	vadd.f32 v18, v17;
	v13 =	vadd.f32 v13, v19  }
0x98: {  	[tilespmem:v22+s29+$0x0] =	vst.idx.msk $0xffff, v9;
	v9 =	vld [tilespmem:s0+$0x10]  }
0x99: {  	v18 =	vld [tilespmem:s16+$0xFFFFFFA0];
	v13 =	vadd.f32 v13, v17  }
0x9a: {  	v19 =	vld [tilespmem:s1+$0xFFFFFFA0]  }
0x9b: {  	v47 =	vld [tilespmem:s2+$0xFFFFFFA0];
	v17 =	vadd.s32 v1, v10;
	[tilespmem:v15+s29+$0x0] =	vst.idx.msk $0xffff, v13  }
0x9c: {  	v16 =	vadd.f32 v45, v16;
	v11 =	vadd.f32 v11, v23;
	v13 =	vld [tilespmem:s16+$0x70]  }
0x9d: {  	v15 =	vld [tilespmem:s1+$0x70]  }
0x9e: {  	v11 =	vadd.f32 v11, v16;
	v16 =	vld [tilespmem:s2+$0x70]  }
0x9f: {  	v48 =	vadd.s32 v1, v6;
	v18 =	vadd.f32 v19, v18;
	v19 =	vld [tilespmem:s0+$0x70]  }
0xa0: {  	v12 =	vadd.f32 v14, v12;
	v9 =	vadd.f32 v9, v46;
	[tilespmem:v17+s29+$0x0] =	vst.idx.msk $0xffff, v11;
	v11 =	vld [tilespmem:s0+$0xFFFFFFA0]  }
0xa1: {  	v14 =	vld [tilespmem:s16+$0xFFFFFFE0]  }
0xa2: {  	v9 =	vadd.f32 v9, v12;
	v17 =	vld [tilespmem:s1+$0xFFFFFFE0]  }
0xa3: {  	v53 =	vadd.s32 v3, v8;
	v49 =	vadd.s32 v2, v7;
	v12 =	vld [tilespmem:s2+$0xFFFFFFE0]  }
0xa4: {  	v50 =	vld [tilespmem:s0+$0xFFFFFFE0];
	[tilespmem:v48+s29+$0x0] =	vst.idx.msk $0xffff, v9;
	v13 =	vadd.f32 v15, v13;
	v15 =	vadd.f32 v19, v16  }
0xa5: {  	v51 =	vld [tilespmem:s1+$0x20];
	v9 =	vadd.f32 v11, v47  }
0xa6: {  	v11 =	vld [tilespmem:s16+$0x20];
	v13 =	vadd.f32 v15, v13  }
0xa7: {  	v14 =	vadd.f32 v17, v14;
	v17 =	vld [tilespmem:s0+$0x20];
	v9 =	vadd.f32 v9, v18  }
0xa8: {  	s21 =	simm.s32 $0x10740;
	v52 =	vadd.s32 v2, v10;
	v18 =	vld [tilespmem:s2+$0x20];
	[tilespmem:v53+s29+$0x0] =	vst.idx.msk $0xffff, v13  }
0xa9: {  	v55 =	vld [tilespmem:s21+$0x20];
	[tilespmem:v49+s29+$0x0] =	vst.idx.msk $0xffff, v9;
	v9 =	vadd.f32 v50, v12  }
0xaa: {  	v12 =	vld [tilespmem:s16+$0xFFFFFFB0]  }
0xab: {  	v54 =	vld [tilespmem:s2+$0xFFFFFFB0];
	v9 =	vadd.f32 v9, v14  }
0xac: {  	v14 =	vld [tilespmem:s1+$0xFFFFFFB0]  }
0xad: {  	[tilespmem:v52+s29+$0x0] =	vst.idx.msk $0xffff, v9;
	v9 =	vld [tilespmem:s0+$0xFFFFFFB0]  }
0xae: {  	v15 =	vadd.s32 v2, v6;
	v16 =	vld [tilespmem:s16+$0xFFFFFFF0]  }
0xaf: {  	v11 =	vadd.f32 v51, v11;
	v17 =	vadd.f32 v17, v18;
	v19 =	vld [tilespmem:s1+$0xFFFFFFF0]  }
0xb0: {  	v18 =	vld [tilespmem:s2+$0xFFFFFFF0]  }
0xb1: {  	s19 =	simm.s32 $0x12740;
	v13 =	vld [tilespmem:s0+$0xFFFFFFF0];
	v11 =	vadd.f32 v17, v11  }
0xb2: {  	s15 =	simm.s32 $0x11740;
	v21 =	vld [tilespmem:s19+$0x20];
	v12 =	vadd.f32 v14, v12  }
0xb3: {  	v17 =	vld [tilespmem:s15+$0x20];
	v14 =	vadd.s32 v3, v7;
	[tilespmem:v15+s29+$0x0] =	vst.idx.msk $0xffff, v11;
	v9 =	vadd.f32 v9, v54  }
0xb4: {  	v11 =	vld [tilespmem:s16+$0x30];
	s16 =	simm.s32 $0x6880  }
0xb5: {  	v26 =	vld [tilespmem:s16+$0x40];
	v9 =	vadd.f32 v9, v12;
	v12 =	vadd.s32 v3, v10  }
0xb6: {  	v15 =	vadd.f32 v19, v16;
	v13 =	vadd.f32 v13, v18;
	v16 =	vld [tilespmem:s1+$0x30]  }
0xb7: {  	v18 =	vld [tilespmem:s2+$0x30]  }
0xb8: {  	v19 =	vadd.s32 v4, v8;
	[tilespmem:v14+s29+$0x0] =	vst.idx.msk $0xffff, v9;
	v9 =	vadd.f32 v13, v15;
	v13 =	vld [tilespmem:s0+$0x30]  }
0xb9: {  	v14 =	vadd.f32 v17, v55;
	v15 =	vld [tilespmem:s21+$0xFFFFFFC0]  }
0xba: {  	v17 =	vld [tilespmem:s15+$0xFFFFFFC0];
	[tilespmem:v12+s29+$0x0] =	vst.idx.msk $0xffff, v9  }
0xbb: {  	v9 =	vadd.f32 v21, v14;
	v12 =	vld [tilespmem:s21+$0xFFFFFFE0]  }
0xbc: {  	v56 =	vadd.s32 v3, v6;
	v14 =	vld [tilespmem:s15+$0xFFFFFFE0]  }
0xbd: {  	[tilespmem:v19+s29+$0x0] =	vst.idx.msk $0xffff, v9;
	v9 =	vadd.f32 v16, v11;
	v11 =	vld [tilespmem:s19+$0xFFFFFFC0];
	v13 =	vadd.f32 v13, v18  }
0xbe: {  	v18 =	vld [tilespmem:s19+$0xFFFFFFE0]  }
0xbf: {  	v19 =	vadd.s32 v4, v7;
	v16 =	vld [tilespmem:s21+$0x30];
	v9 =	vadd.f32 v13, v9  }
0xc0: {  	v15 =	vadd.f32 v17, v15;
	v17 =	vld [tilespmem:s19+$0x30]  }
0xc1: {  	v13 =	vld [tilespmem:s15+$0x30];
	[tilespmem:v56+s29+$0x0] =	vst.idx.msk $0xffff, v9  }
0xc2: {  	v57 =	vadd.s32 v4, v10;
	v9 =	vadd.f32 v14, v12;
	v11 =	vadd.f32 v11, v15;
	v12 =	vld [tilespmem:s21+$0x0]  }
0xc3: {  	v14 =	vld [tilespmem:s15+$0x0]  }
0xc4: {  	[tilespmem:v19+s29+$0x0] =	vst.idx.msk $0xffff, v11;
	v11 =	vld [tilespmem:s19+$0x0]  }
0xc5: {  	v9 =	vadd.f32 v18, v9;
	v15 =	vld [tilespmem:s21+$0xFFFFFFD0]  }
0xc6: {  	v18 =	vld [tilespmem:s15+$0xFFFFFFD0]  }
0xc7: {  	[tilespmem:v57+s29+$0x0] =	vst.idx.msk $0xffff, v9;
	v59 =	vld [tilespmem:s19+$0xFFFFFFD0]  }
0xc8: {  	v8 =	vadd.s32 v5, v8;
	v19 =	vld [tilespmem:s21+$0xFFFFFFF0]  }
0xc9: {  	s4 =	simm.s32 $0x7;
	v61 =	vadd.s32 v5, v7;
	v23 =	vadd.f32 v24, v60;
	v13 =	vadd.f32 v13, v16;
	v58 =	vld [tilespmem:s15+$0xFFFFFFF0]  }
0xca: {  	v16 =	vadd.s32 v4, v6;
	v9 =	vmov s4;
	v22 =	vld [tilespmem:s19+$0xFFFFFFF0];
	v12 =	vadd.f32 v14, v12  }
0xcb: {  	v7 =	vadd.f32 v26, v25;
	v9 =	vand.u32 $0x7F, v9;
	v13 =	vadd.f32 v17, v13;
	v14 =	vld [tilespmem:s25+$0xFFFFFF80]  }
0xcc: {  	v17 =	vadd.s32 v0, v9;
	v11 =	vadd.f32 v11, v12;
	v12 =	vld [tilespmem:s16+$0xFFFFFF80];
	v15 =	vadd.f32 v18, v15  }
0xcd: {  	s20 =	simm.s32 $0x4;
	v62 =	vld [tilespmem:s24+$0xFFFFFFC0];
	[tilespmem:v8+s29+$0x0] =	vst.idx.msk $0xffff, v13;
	v8 =	vadd.f32 v7, v23  }
0xce: {  	v63 =	vld [tilespmem:s25+$0xFFFFFFC0];
	v7 =	vmov s20;
	v18 =	vadd.s32 v5, v10;
	v15 =	vadd.f32 v59, v15  }
0xcf: {  	v13 =	vld [tilespmem:s16+$0xFFFFFFC0];
	v7 =	vand.u32 $0x7C, v7;
	v19 =	vadd.f32 v58, v19;
	[tilespmem:v16+s29+$0x0] =	vst.idx.msk $0xffff, v11  }
0xd0: {  	v10 =	vld [tilespmem:s23+$0xFFFFFFC0];
	v14 =	vadd.f32 v14, v27;
	[tilespmem:v61+s29+$0x0] =	vst.idx.msk $0xffff, v15;
	v15 =	vadd.s32 v0, v7  }
0xd1: {  	s18 =	simm.s32 $0x5;
	v11 =	vld [tilespmem:s24+$0x0];
	[tilespmem:v17+s29+$0x0] =	vst.idx.msk $0xffff, v8;
	v16 =	vadd.f32 v22, v19;
	v19 =	vadd.f32 v12, v28  }
0xd2: {  	s2 =	simm.s32 $0x11740;
	v8 =	vmov s18;
	v12 =	vld [tilespmem:s24+$0x50]  }
0xd3: {  	s1 =	simm.s32 $0x12740;
	s0 =	simm.s32 $0x8;
	s18 =	simm.s32 $0x10740;
	v8 =	vand.u32 $0x7D, v8;
	[tilespmem:v18+s29+$0x0] =	vst.idx.msk $0xffff, v16;
	v16 =	vadd.f32 v63, v62;
	v17 =	vadd.f32 v19, v14;
	v14 =	vld [tilespmem:s25+$0x50]  }
.LBB2_6:
0xd4: {  	p2 =	slt.u32 s0, $0x7C;
	v18 =	vadd.s32 v0, v8;
	v19 =	vld [tilespmem:s23+$0x50]  }
0xd5: {  	[tilespmem:v15+s29+$0x0] =	vst.idx.msk $0xffff, v17;
	v10 =	vadd.f32 v13, v10;
	v13 =	vld [tilespmem:s16+$0x50]  }
0xd6: {  	v15 =	vld [tilespmem:s25+$0x0]  }
0xd7: {  	v10 =	vadd.f32 v10, v16;
	v16 =	vld [tilespmem:s23+$0x0]  }
0xd8: {  	v17 =	vld [tilespmem:s16+$0x0]  }
0xd9: {  	s4 =	sadd.s32 $0x2, s20;
	s20 =	smov.u32 s0;
	v20 =	vld [tilespmem:s24+$0xFFFFFF90];
	[tilespmem:v18+s29+$0x0] =	vst.idx.msk $0xffff, v10;
	v18 =	vadd.s32 v1, v9  }
0xda: {  	v12 =	vadd.f32 v14, v12;
	v10 =	vmov s4;
	v21 =	vld [tilespmem:s25+$0xFFFFFF90];
	v13 =	vadd.f32 v13, v19  }
0xdb: {  	v10 =	vand.u32 $0x7E, v10;
	v14 =	vld [tilespmem:s23+$0xFFFFFF90];
	v11 =	vadd.f32 v15, v11  }
0xdc: {  	v19 =	vadd.s32 v0, v10;
	v15 =	vld [tilespmem:s16+$0xFFFFFF90];
	v12 =	vadd.f32 v13, v12  }
0xdd: {  	v13 =	vld [tilespmem:s24+$0xFFFFFFD0];
	v16 =	vadd.f32 v17, v16  }
0xde: {  	v17 =	vld [tilespmem:s25+$0xFFFFFFD0];
	[tilespmem:v18+s29+$0x0] =	vst.idx.msk $0xffff, v12  }
0xdf: {  	v12 =	vadd.f32 v21, v20;
	v11 =	vadd.f32 v16, v11;
	v16 =	vld [tilespmem:s24+$0x60]  }
0xe0: {  	v18 =	vadd.s32 v1, v7;
	v20 =	vld [tilespmem:s25+$0x60]  }
0xe1: {  	v14 =	vadd.f32 v15, v14;
	[tilespmem:v19+s29+$0x0] =	vst.idx.msk $0xffff, v11;
	v11 =	vld [tilespmem:s23+$0x60]  }
0xe2: {  	v15 =	vld [tilespmem:s16+$0x60]  }
0xe3: {  	v12 =	vadd.f32 v14, v12;
	v13 =	vadd.f32 v17, v13;
	v14 =	vld [tilespmem:s23+$0xFFFFFFD0]  }
0xe4: {  	v17 =	vld [tilespmem:s16+$0xFFFFFFD0]  }
0xe5: {  	[tilespmem:v18+s29+$0x0] =	vst.idx.msk $0xffff, v12;
	v12 =	vld [tilespmem:s24+$0x10]  }
0xe6: {  	v19 =	vadd.s32 v2, v9;
	v18 =	vld [tilespmem:s25+$0x10]  }
0xe7: {  	v16 =	vadd.f32 v20, v16;
	v21 =	vld [tilespmem:s23+$0x10];
	v11 =	vadd.f32 v15, v11  }
0xe8: {  	v15 =	vadd.s32 v1, v8;
	v20 =	vld [tilespmem:s16+$0x10]  }
0xe9: {  	v22 =	vld [tilespmem:s24+$0xFFFFFFA0];
	v14 =	vadd.f32 v17, v14;
	v11 =	vadd.f32 v11, v16  }
0xea: {  	v16 =	vld [tilespmem:s25+$0xFFFFFFA0]  }
0xeb: {  	v17 =	vld [tilespmem:s23+$0xFFFFFFA0];
	v13 =	vadd.f32 v14, v13;
	v12 =	vadd.f32 v18, v12;
	[tilespmem:v19+s29+$0x0] =	vst.idx.msk $0xffff, v11  }
0xec: {  	v11 =	vadd.s32 v1, v10;
	v14 =	vld [tilespmem:s24+$0x70]  }
0xed: {  	[tilespmem:v15+s29+$0x0] =	vst.idx.msk $0xffff, v13;
	v13 =	vadd.f32 v20, v21;
	v15 =	vld [tilespmem:s25+$0x70]  }
0xee: {  	v18 =	vld [tilespmem:s23+$0x70]  }
0xef: {  	v16 =	vadd.f32 v16, v22;
	v12 =	vadd.f32 v13, v12;
	v13 =	vld [tilespmem:s16+$0x70]  }
0xf0: {  	v19 =	vld [tilespmem:s16+$0xFFFFFFA0]  }
0xf1: {  	v20 =	vld [tilespmem:s24+$0xFFFFFFE0];
	[tilespmem:v11+s29+$0x0] =	vst.idx.msk $0xffff, v12  }
0xf2: {  	v11 =	vld [tilespmem:s25+$0xFFFFFFE0]  }
0xf3: {  	v21 =	vadd.s32 v3, v9;
	v12 =	vld [tilespmem:s23+$0xFFFFFFE0]  }
0xf4: {  	v22 =	vadd.s32 v2, v7;
	v14 =	vadd.f32 v15, v14;
	v23 =	vld [tilespmem:s16+$0xFFFFFFE0];
	v13 =	vadd.f32 v13, v18  }
0xf5: {  	v15 =	vadd.f32 v19, v17;
	v17 =	vld [tilespmem:s24+$0x20]  }
0xf6: {  	v18 =	vld [tilespmem:s25+$0x20];
	v13 =	vadd.f32 v13, v14  }
0xf7: {  	v14 =	vadd.f32 v15, v16;
	v11 =	vadd.f32 v11, v20;
	v15 =	vld [tilespmem:s23+$0x20]  }
0xf8: {  	s21 =	sadd.s32 $0x80, s21;
	v16 =	vadd.s32 v2, v8;
	v19 =	vld [tilespmem:s16+$0x20];
	[tilespmem:v21+s29+$0x0] =	vst.idx.msk $0xffff, v13  }
0xf9: {  	s15 =	sadd.s32 $0x80, s15;
	[tilespmem:v22+s29+$0x0] =	vst.idx.msk $0xffff, v14;
	v12 =	vadd.f32 v23, v12;
	v13 =	vld [tilespmem:s21+$0x20]  }
0xfa: {  	v14 =	vld [tilespmem:s15+$0x20]  }
0xfb: {  	s19 =	sadd.s32 $0x80, s19;
	v20 =	vld [tilespmem:s24+$0xFFFFFFB0];
	v11 =	vadd.f32 v12, v11;
	v12 =	vadd.f32 v18, v17  }
0xfc: {  	v17 =	vadd.s32 v2, v10;
	v18 =	vld [tilespmem:s19+$0x20]  }
0xfd: {  	v21 =	vld [tilespmem:s25+$0xFFFFFFB0];
	[tilespmem:v16+s29+$0x0] =	vst.idx.msk $0xffff, v11;
	v11 =	vadd.f32 v19, v15  }
0xfe: {  	v16 =	vadd.s32 v4, v9;
	v15 =	vld [tilespmem:s23+$0xFFFFFFB0]  }
0xff: {  	v19 =	vld [tilespmem:s16+$0xFFFFFFB0];
	v11 =	vadd.f32 v11, v12;
	v12 =	vadd.f32 v14, v13  }
0x100: {  	v13 =	vld [tilespmem:s24+$0xFFFFFFF0]  }
0x101: {  	v14 =	vld [tilespmem:s25+$0xFFFFFFF0];
	[tilespmem:v17+s29+$0x0] =	vst.idx.msk $0xffff, v11;
	v11 =	vadd.f32 v18, v12  }
0x102: {  	v12 =	vadd.f32 v21, v20;
	v17 =	vld [tilespmem:s23+$0xFFFFFFF0]  }
0x103: {  	v18 =	vadd.s32 v3, v7;
	v20 =	vld [tilespmem:s16+$0xFFFFFFF0];
	[tilespmem:v16+s29+$0x0] =	vst.idx.msk $0xffff, v11  }
0x104: {  	v11 =	vadd.f32 v19, v15;
	v15 =	vld [tilespmem:s21+$0x30]  }
0x105: {  	v16 =	vld [tilespmem:s15+$0x30]  }
0x106: {  	v11 =	vadd.f32 v11, v12;
	v12 =	vadd.f32 v14, v13;
	v13 =	vld [tilespmem:s24+$0x30]  }
0x107: {  	v14 =	vadd.s32 v3, v8;
	v19 =	vld [tilespmem:s19+$0x30]  }
0x108: {  	[tilespmem:v18+s29+$0x0] =	vst.idx.msk $0xffff, v11;
	v11 =	vadd.f32 v20, v17;
	v17 =	vld [tilespmem:s25+$0x30]  }
0x109: {  	v9 =	vadd.s32 v5, v9;
	v18 =	vld [tilespmem:s23+$0x30]  }
0x10a: {  	v11 =	vadd.f32 v11, v12;
	v12 =	vld [tilespmem:s16+$0x30];
	v15 =	vadd.f32 v16, v15  }
0x10b: {  	v16 =	vld [tilespmem:s21+$0xFFFFFFC0]  }
0x10c: {  	v20 =	vld [tilespmem:s15+$0xFFFFFFC0];
	[tilespmem:v14+s29+$0x0] =	vst.idx.msk $0xffff, v11;
	v11 =	vadd.f32 v19, v15  }
0x10d: {  	v14 =	vld [tilespmem:s21+$0xFFFFFFE0];
	v13 =	vadd.f32 v17, v13  }
0x10e: {  	v17 =	vadd.s32 v3, v10;
	v15 =	vld [tilespmem:s15+$0xFFFFFFE0];
	[tilespmem:v9+s29+$0x0] =	vst.idx.msk $0xffff, v11  }
0x10f: {  	v9 =	vld [tilespmem:s19+$0xFFFFFFC0];
	v11 =	vadd.f32 v12, v18  }
0x110: {  	v12 =	vld [tilespmem:s19+$0xFFFFFFE0]  }
0x111: {  	v18 =	vadd.s32 v4, v7;
	v16 =	vadd.f32 v20, v16;
	v11 =	vadd.f32 v11, v13;
	v13 =	vld [tilespmem:s18+$0x10];
	s18 =	smov.u32 s21  }
0x112: {  	v19 =	vadd.s32 v4, v8;
	v20 =	vld [tilespmem:s2+$0x10];
	s2 =	smov.u32 s15  }
0x113: {  	v14 =	vadd.f32 v15, v14;
	[tilespmem:v17+s29+$0x0] =	vst.idx.msk $0xffff, v11;
	v11 =	vld [tilespmem:s1+$0x10];
	s1 =	smov.u32 s19  }
0x114: {  	v9 =	vadd.f32 v9, v16;
	v15 =	vld [tilespmem:s21+$0x0]  }
0x115: {  	v12 =	vadd.f32 v12, v14;
	v14 =	vld [tilespmem:s15+$0x0]  }
0x116: {  	v16 =	vadd.s32 v5, v6;
	v6 =	vmov v10;
	[tilespmem:v18+s29+$0x0] =	vst.idx.msk $0xffff, v9;
	v9 =	vld [tilespmem:s19+$0x0]  }
0x117: {  	v10 =	vld [tilespmem:s21+$0xFFFFFFD0];
	[tilespmem:v19+s29+$0x0] =	vst.idx.msk $0xffff, v12;
	v12 =	vadd.f32 v20, v13  }
0x118: {  	v13 =	vld [tilespmem:s15+$0xFFFFFFD0]  }
0x119: {  	v18 =	vadd.s32 v4, v6;
	v17 =	vld [tilespmem:s21+$0xFFFFFFF0];
	v11 =	vadd.f32 v11, v12  }
0x11a: {  	v12 =	vld [tilespmem:s15+$0xFFFFFFF0];
	v14 =	vadd.f32 v14, v15  }
0x11b: {  	v15 =	vld [tilespmem:s19+$0xFFFFFFD0];
	[tilespmem:v16+s29+$0x0] =	vst.idx.msk $0xffff, v11  }
0x11c: {  	s24 =	sadd.s32 $0x100, s24;
	v11 =	vld [tilespmem:s19+$0xFFFFFFF0];
	v9 =	vadd.f32 v9, v14  }
0x11d: {  	s25 =	sadd.s32 $0x100, s25;
	v7 =	vadd.s32 v5, v7;
	v14 =	vld [tilespmem:s24+$0x40];
	v10 =	vadd.f32 v13, v10  }
0x11e: {  	s23 =	sadd.s32 $0x100, s23;
	v8 =	vadd.s32 v5, v8;
	v13 =	vld [tilespmem:s25+$0x40];
	[tilespmem:v18+s29+$0x0] =	vst.idx.msk $0xffff, v9  }
0x11f: {  	s16 =	sadd.s32 $0x100, s16;
	v16 =	vld [tilespmem:s23+$0x40];
	v9 =	vadd.f32 v12, v17  }
0x120: {  	v12 =	vld [tilespmem:s16+$0x40];
	v10 =	vadd.f32 v15, v10  }
0x121: {  	s4 =	sadd.s32 $0x3, s0;
	v15 =	vld [tilespmem:s24+$0xFFFFFF80];
	v11 =	vadd.f32 v11, v9  }
0x122: {  	v9 =	vmov s4;
	v17 =	vld [tilespmem:s25+$0xFFFFFF80];
	[tilespmem:v7+s29+$0x0] =	vst.idx.msk $0xffff, v10  }
0x123: {  	v9 =	vand.u32 $0x7F, v9;
	v18 =	vld [tilespmem:s23+$0xFFFFFF80];
	[tilespmem:v8+s29+$0x0] =	vst.idx.msk $0xffff, v11  }
0x124: {  	v19 =	vadd.s32 v0, v9;
	v8 =	vld [tilespmem:s16+$0xFFFFFF80]  }
0x125: {  	v11 =	vadd.f32 v13, v14;
	v20 =	vld [tilespmem:s24+$0xFFFFFFC0];
	v12 =	vadd.f32 v12, v16  }
0x126: {  	v7 =	vmov s0;
	v14 =	vld [tilespmem:s25+$0xFFFFFFC0]  }
.Ltmp4:
0x127: {  	v7 =	vand.u32 $0x7C, v7;
	v16 =	vadd.f32 v17, v15;
	v10 =	vld [tilespmem:s23+$0xFFFFFFC0];
	v12 =	vadd.f32 v12, v11;
	(pc) =	sbr.rel @p2 .LBB2_6-.Ltmp4, $4  }
0x128: {  	v15 =	vadd.s32 v0, v7;
	v13 =	vld [tilespmem:s16+$0xFFFFFFC0]  }
0x129: {  	s4 =	sadd.s32 $0x1, s0;
	v8 =	vadd.f32 v8, v18;
	v11 =	vld [tilespmem:s24+$0x0];
	[tilespmem:v19+s29+$0x0] =	vst.idx.msk $0xffff, v12  }
0x12a: {  	v18 =	vmov s4;
	v12 =	vld [tilespmem:s24+$0x50]  }
0x12b: {  	s0 =	sadd.s32 $0x4, s0;
	v17 =	vadd.f32 v8, v16;
	v16 =	vadd.f32 v14, v20;
	v8 =	vand.u32 $0x7D, v18;
	v14 =	vld [tilespmem:s25+$0x50]  }
0x12c: {  	v18 =	vld [tilespmem:s23+$0x50]  }
0x12d: {  	v19 =	vld [tilespmem:s16+$0x50]  }
0x12e: {  	v20 =	vld [tilespmem:s25+$0x0]  }
0x12f: {  	v21 =	vadd.s32 v0, v8;
	v61 =	vld [tilespmem:s23+$0x0]  }
0x130: {  	v62 =	vld [tilespmem:s16+$0x0];
	v10 =	vadd.f32 v13, v10;
	[tilespmem:v15+s29+$0x0] =	vst.idx.msk $0xffff, v17  }
0x131: {  	v63 =	vld [tilespmem:s24+$0xFFFFFF90]  }
0x132: {  	v22 =	vld [tilespmem:s25+$0xFFFFFF90];
	v10 =	vadd.f32 v10, v16  }
0x133: {  	v26 =	vadd.s32 v1, v9;
	v28 =	vld [tilespmem:s23+$0xFFFFFF90]  }
0x134: {  	s0 =	sadd.s32 $0x2, s20;
	v29 =	vld [tilespmem:s16+$0xFFFFFF90];
	v12 =	vadd.f32 v14, v12;
	v27 =	vadd.f32 v19, v18;
	[tilespmem:v21+s29+$0x0] =	vst.idx.msk $0xffff, v10  }
0x135: {  	v30 =	vmov s0;
	v31 =	vld [tilespmem:s24+$0xFFFFFFD0]  }
0x136: {  	v10 =	vand.u32 $0x7E, v30;
	v21 =	vld [tilespmem:s25+$0xFFFFFFD0];
	v12 =	vadd.f32 v27, v12  }
0x137: {  	v32 =	vadd.s32 v0, v10;
	v24 =	vld [tilespmem:s23+$0xFFFFFFD0]  }
0x138: {  	v11 =	vadd.f32 v20, v11;
	v13 =	vadd.f32 v62, v61;
	v36 =	vld [tilespmem:s16+$0xFFFFFFD0];
	[tilespmem:v26+s29+$0x0] =	vst.idx.msk $0xffff, v12  }
0x139: {  	v17 =	vld [tilespmem:s24+$0x60]  }
0x13a: {  	v11 =	vadd.f32 v13, v11;
	v33 =	vld [tilespmem:s25+$0x60]  }
0x13b: {  	v23 =	vadd.s32 v1, v7;
	v34 =	vld [tilespmem:s23+$0x60]  }
0x13c: {  	v16 =	vadd.f32 v22, v63;
	v18 =	vadd.f32 v29, v28;
	v35 =	vld [tilespmem:s16+$0x60];
	[tilespmem:v32+s29+$0x0] =	vst.idx.msk $0xffff, v11  }
0x13d: {  	v12 =	vld [tilespmem:s24+$0x10]  }
0x13e: {  	v16 =	vadd.f32 v18, v16;
	v37 =	vld [tilespmem:s25+$0x10]  }
0x13f: {  	v43 =	vadd.s32 v1, v8;
	v39 =	vld [tilespmem:s23+$0x10]  }
0x140: {  	[tilespmem:v23+s29+$0x0] =	vst.idx.msk $0xffff, v16;
	v44 =	vadd.f32 v21, v31;
	v11 =	vadd.f32 v36, v24;
	v40 =	vld [tilespmem:s16+$0x10]  }
0x141: {  	v41 =	vld [tilespmem:s24+$0xFFFFFFA0]  }
0x142: {  	v42 =	vld [tilespmem:s25+$0xFFFFFFA0];
	v11 =	vadd.f32 v11, v44  }
0x143: {  	v38 =	vadd.s32 v2, v9;
	v23 =	vld [tilespmem:s23+$0xFFFFFFA0]  }
0x144: {  	v50 =	vld [tilespmem:s16+$0xFFFFFFA0];
	v15 =	vadd.f32 v33, v17;
	v13 =	vadd.f32 v35, v34;
	[tilespmem:v43+s29+$0x0] =	vst.idx.msk $0xffff, v11  }
0x145: {  	v51 =	vld [tilespmem:s24+$0xFFFFFFE0]  }
0x146: {  	v52 =	vld [tilespmem:s25+$0xFFFFFFE0];
	v13 =	vadd.f32 v13, v15  }
0x147: {  	v20 =	vld [tilespmem:s23+$0xFFFFFFE0]  }
0x148: {  	v54 =	vld [tilespmem:s16+$0xFFFFFFE0];
	[tilespmem:v38+s29+$0x0] =	vst.idx.msk $0xffff, v13  }
0x149: {  	v47 =	vadd.s32 v1, v10;
	v45 =	vld [tilespmem:s24+$0x70]  }
0x14a: {  	v12 =	vadd.f32 v37, v12;
	v49 =	vadd.f32 v40, v39;
	v19 =	vld [tilespmem:s25+$0x70]  }
0x14b: {  	v46 =	vld [tilespmem:s23+$0x70]  }
0x14c: {  	v11 =	vadd.f32 v49, v12;
	v48 =	vld [tilespmem:s16+$0x70]  }
0x14d: {  	v55 =	vadd.s32 v2, v7;
	v12 =	vadd.f32 v52, v51;
	v51 =	vld [tilespmem:s2+$0x10]  }
0x14e: {  	v15 =	vadd.f32 v42, v41;
	v16 =	vadd.f32 v50, v23;
	[tilespmem:v47+s29+$0x0] =	vst.idx.msk $0xffff, v11;
	v52 =	vld [tilespmem:s1+$0x10]  }
0x14f: {  	v56 =	vld [tilespmem:s24+$0x20]  }
0x150: {  	v15 =	vadd.f32 v16, v15;
	v21 =	vld [tilespmem:s25+$0x20]  }
0x151: {  	v57 =	vld [tilespmem:s23+$0x20]  }
0x152: {  	v59 =	vadd.s32 v2, v8;
	[tilespmem:v55+s29+$0x0] =	vst.idx.msk $0xffff, v15;
	v58 =	vld [tilespmem:s16+$0x20]  }
0x153: {  	v11 =	vadd.f32 v54, v20;
	v17 =	vld [tilespmem:s24+$0xFFFFFFB0]  }
0x154: {  	v62 =	vld [tilespmem:s25+$0xFFFFFFB0]  }
0x155: {  	v24 =	vld [tilespmem:s23+$0xFFFFFFB0];
	v11 =	vadd.f32 v11, v12  }
0x156: {  	v63 =	vadd.s32 v2, v10;
	v26 =	vld [tilespmem:s16+$0xFFFFFFB0];
	v14 =	vadd.f32 v19, v45;
	v13 =	vadd.f32 v48, v46  }
0x157: {  	[tilespmem:v59+s29+$0x0] =	vst.idx.msk $0xffff, v11;
	v48 =	vld [tilespmem:s18+$0x10];
	v19 =	vadd.f32 v21, v56;
	v25 =	vadd.f32 v58, v57  }
0x158: {  	v27 =	vld [tilespmem:s24+$0xFFFFFFF0]  }
0x159: {  	v28 =	vld [tilespmem:s25+$0xFFFFFFF0];
	v11 =	vadd.f32 v25, v19  }
0x15a: {  	v53 =	vadd.s32 v3, v9;
	v30 =	vld [tilespmem:s23+$0xFFFFFFF0]  }
0x15b: {  	v31 =	vld [tilespmem:s16+$0xFFFFFFF0];
	[tilespmem:v63+s29+$0x0] =	vst.idx.msk $0xffff, v11  }
0x15c: {  	v32 =	vld [tilespmem:s24+$0x30]  }
0x15d: {  	v33 =	vadd.s32 v3, v7;
	v13 =	vadd.f32 v13, v14;
	v20 =	vld [tilespmem:s25+$0x30]  }
0x15e: {  	v12 =	vadd.f32 v62, v17;
	v14 =	vadd.f32 v26, v24;
	v34 =	vld [tilespmem:s23+$0x30]  }
0x15f: {  	s4 =	sadd.s32 $0x80, s21;
	[tilespmem:v53+s29+$0x0] =	vst.idx.msk $0xffff, v13;
	v36 =	vld [tilespmem:s16+$0x30]  }
0x160: {  	s15 =	sadd.s32 $0x80, s15;
	v35 =	vadd.s32 v3, v8;
	v12 =	vadd.f32 v14, v12;
	v13 =	vld [tilespmem:s4+$0x20]  }
0x161: {  	s19 =	sadd.s32 $0x80, s19;
	v60 =	vld [tilespmem:s15+$0x20];
	v16 =	vadd.f32 v28, v27;
	v11 =	vadd.f32 v31, v30  }
0x162: {  	v61 =	vld [tilespmem:s19+$0x20];
	[tilespmem:v33+s29+$0x0] =	vst.idx.msk $0xffff, v12  }
0x163: {  	v39 =	vadd.s32 v3, v10;
	v12 =	vld [tilespmem:s4+$0xFFFFFFC0];
	v11 =	vadd.f32 v11, v16  }
0x164: {  	v17 =	vld [tilespmem:s15+$0xFFFFFFC0];
	v40 =	vadd.f32 v20, v32;
	v41 =	vadd.f32 v36, v34  }
0x165: {  	v29 =	vadd.s32 v4, v9;
	v44 =	vld [tilespmem:s19+$0xFFFFFFC0];
	[tilespmem:v35+s29+$0x0] =	vst.idx.msk $0xffff, v11  }
0x166: {  	v13 =	vadd.f32 v60, v13;
	v42 =	vld [tilespmem:s4+$0xFFFFFFE0];
	v11 =	vadd.f32 v41, v40  }
0x167: {  	v43 =	vld [tilespmem:s15+$0xFFFFFFE0]  }
0x168: {  	v45 =	vld [tilespmem:s19+$0xFFFFFFE0];
	v13 =	vadd.f32 v61, v13;
	[tilespmem:v39+s29+$0x0] =	vst.idx.msk $0xffff, v11  }
0x169: {  	v46 =	vadd.s32 v4, v7;
	v16 =	vld [tilespmem:s4+$0x0]  }
0x16a: {  	v12 =	vadd.f32 v17, v12;
	[tilespmem:v29+s29+$0x0] =	vst.idx.msk $0xffff, v13;
	v47 =	vld [tilespmem:s15+$0x0]  }
0x16b: {  	v21 =	vld [tilespmem:s4+$0x30]  }
0x16c: {  	v49 =	vadd.s32 v4, v8;
	v12 =	vadd.f32 v44, v12;
	v50 =	vld [tilespmem:s19+$0x0]  }
0x16d: {  	v37 =	vld [tilespmem:s15+$0x30];
	v14 =	vadd.f32 v43, v42  }
0x16e: {  	v53 =	vadd.s32 v4, v10;
	v38 =	vld [tilespmem:s19+$0x30];
	[tilespmem:v46+s29+$0x0] =	vst.idx.msk $0xffff, v12  }
0x16f: {  	v12 =	vld [tilespmem:s4+$0xFFFFFFD0];
	v14 =	vadd.f32 v45, v14;
	v16 =	vadd.f32 v47, v16  }
0x170: {  	v54 =	vld [tilespmem:s15+$0xFFFFFFD0]  }
0x171: {  	v57 =	vld [tilespmem:s19+$0xFFFFFFD0];
	[tilespmem:v49+s29+$0x0] =	vst.idx.msk $0xffff, v14;
	v13 =	vadd.f32 v50, v16  }
0x172: {  	v55 =	vld [tilespmem:s4+$0xFFFFFFF0]  }
0x173: {  	v6 =	vadd.s32 v5, v6;
	v56 =	vld [tilespmem:s15+$0xFFFFFFF0];
	[tilespmem:v53+s29+$0x0] =	vst.idx.msk $0xffff, v13  }
0x174: {  	v58 =	vadd.s32 v5, v9;
	v18 =	vadd.f32 v51, v48;
	v11 =	vld [tilespmem:s4+$0x10]  }
0x175: {  	v7 =	vadd.s32 v5, v7;
	v15 =	vadd.f32 v37, v21;
	v13 =	vld [tilespmem:s15+$0x10]  }
0x176: {  	v62 =	vadd.f32 v52, v18;
	v59 =	vld [tilespmem:s19+$0xFFFFFFF0];
	v12 =	vadd.f32 v54, v12  }
0x177: {  	v15 =	vadd.f32 v38, v15;
	v60 =	vld [tilespmem:s19+$0x10]  }
0x178: {  	[tilespmem:v6+s29+$0x0] =	vst.idx.msk $0xffff, v62;
	v61 =	vadd.s32 v5, v8;
	v63 =	vadd.f32 v57, v12  }
0x179: {  	v10 =	vadd.s32 v5, v10;
	[tilespmem:v58+s29+$0x0] =	vst.idx.msk $0xffff, v15;
	v16 =	vadd.f32 v56, v55  }
0x17a: {  	[tilespmem:v7+s29+$0x0] =	vst.idx.msk $0xffff, v63;
	s19 =	smul.u32 $0xC0000, s22;
	v11 =	vadd.f32 v13, v11  }
0x17b: {  	s20 =	rddreg [dreg:$0x8];
	v6 =	vadd.f32 v59, v16  }
0x17c: {  	s0 =	sor.u32 s20, s19;
	v7 =	vadd.f32 v60, v11  }
0x17d: {  	s21 =	rddreg [dreg:$0x2];
	[tilespmem:v61+s29+$0x0] =	vst.idx.msk $0xffff, v6;
	s0 =	sshrl.u32 s0, $0x3  }
0x17e: {  	s23 =	simm.s32 $0x16700;
	s1 =	sadd.s32 s21, s0;
	[tilespmem:v10+s29+$0x0] =	vst.idx.msk $0xffff, v7  }
0x17f: {  	[hbm4b:s1+s3] =	stream.linear.scatter [tilespmem:s23], [sflag:$0x3], $0x80, $0x38;
	[tilespmem:$0x1CD00] =	vst v63  }
0x180: {  	s24 =	simm.s32 $0x16788;
	s25 =	sadd.s32 $0x10, s1  }
0x181: {  	[hbm4b:s25+s3] =	stream.linear.scatter [tilespmem:s24], [sflag:$0x3], $0x80, $0x38;
	[tilespmem:$0x1CD00] =	vst v63  }
0x182: {  	s2 =	simm.s32 $0x16810;
	s18 =	simm.s32 $0x16920;
	s4 =	sadd.s32 $0x20, s1  }
0x183: {  	[hbm4b:s4+s3] =	stream.linear.scatter [tilespmem:s2], [sflag:$0x3], $0x80, $0x38;
	[tilespmem:$0x1CD00] =	vst v63  }
0x184: {  	s15 =	simm.s32 $0x16898;
	s21 =	simm.s32 $0x169A8;
	s16 =	sadd.s32 $0x30, s1  }
0x185: {  	[hbm4b:s16+s3] =	stream.linear.scatter [tilespmem:s15], [sflag:$0x3], $0x80, $0x38;
	[tilespmem:$0x1CD00] =	vst v63  }
0x186: {  	s0 =	simm.s32 $0x440;
	s20 =	sadd.s32 $0x40, s1;
	s23 =	sadd.s32 $0x50, s1  }
0x187: {  	[hbm4b:s20+s3] =	stream.linear.scatter [tilespmem:s18], [sflag:$0x3], $0x80, $0x38;
	[tilespmem:$0x1CD00] =	vst v63  }
0x188: {  	s24 =	simm.s32 $0x16A30;
	s25 =	sadd.s32 $0x60, s1;
	s2 =	simm.s32 $0x2200  }
0x189: {  	[hbm4b:s23+s3] =	stream.linear.scatter [tilespmem:s21], [sflag:$0x3], $0x80, $0x38;
	[tilespmem:$0x1CD00] =	vst v63  }
0x18a: {  	s15 =	simm.s32 $0x16AB8;
	s16 =	sadd.s32 $0x70, s1;
	s1 =	sadd.s32 $0x1000, s1  }
0x18b: {  	[hbm4b:s25+s3] =	stream.linear.scatter [tilespmem:s24], [sflag:$0x3], $0x80, $0x38;
	[tilespmem:$0x1CD00] =	vst v63  }
.LBB2_8:
0x18c: {  	[hbm4b:s16+s3] =	stream.linear.scatter [tilespmem:s15], [sflag:$0x3], $0x80, $0x38;
	[tilespmem:$0x1CD00] =	vst v63  }
0x18d: {  	s4 =	smov.u32 s0;
	s0 =	smov.u32 s2  }
0x18e: {  	s18 =	sadd.s32 $0x1100, s2;
	s0 =	sshra.s32 s0, $0x2;
	s15 =	sadd.s32 $0x16700, s4  }
0x18f: {  	[hbm4b:s1+s3] =	stream.linear.scatter [tilespmem:s15], [sflag:$0x3], $0x80, $0x38;
	[tilespmem:$0x1CD00] =	vst v63  }
0x190: {  	p2 =	sne.s32 s2, $0xBB00;
	s2 =	sadd.s32 $0x16788, s4;
	s15 =	sadd.s32 $0x10, s1  }
0x191: {  	[hbm4b:s15+s3] =	stream.linear.scatter [tilespmem:s2], [sflag:$0x3], $0x80, $0x38;
	[tilespmem:$0x1CD00] =	vst v63  }
0x192: {  	s2 =	sadd.s32 $0x16810, s4;
	s15 =	sadd.s32 $0x20, s1  }
0x193: {  	[hbm4b:s15+s3] =	stream.linear.scatter [tilespmem:s2], [sflag:$0x3], $0x80, $0x38;
	[tilespmem:$0x1CD00] =	vst v63  }
0x194: {  	s2 =	sadd.s32 $0x16898, s4;
	s15 =	sadd.s32 $0x30, s1  }
0x195: {  	[hbm4b:s15+s3] =	stream.linear.scatter [tilespmem:s2], [sflag:$0x3], $0x80, $0x38;
	[tilespmem:$0x1CD00] =	vst v63  }
0x196: {  	s2 =	sadd.s32 $0x16920, s4;
	s15 =	sadd.s32 $0x40, s1  }
0x197: {  	[hbm4b:s15+s3] =	stream.linear.scatter [tilespmem:s2], [sflag:$0x3], $0x80, $0x38;
	[tilespmem:$0x1CD00] =	vst v63  }
.Ltmp5:
0x198: {  	s2 =	sadd.s32 $0x169A8, s4;
	s15 =	sadd.s32 $0x50, s1;
	(pc) =	sbr.rel @p2 .LBB2_8-.Ltmp5, $4  }
0x199: {  	[hbm4b:s15+s3] =	stream.linear.scatter [tilespmem:s2], [sflag:$0x3], $0x80, $0x38;
	[tilespmem:$0x1CD00] =	vst v63  }
0x19a: {  	s16 =	sadd.s32 $0x70, s1;
	s2 =	sadd.s32 $0x16A30, s4;
	s15 =	sadd.s32 $0x60, s1  }
0x19b: {  	[hbm4b:s15+s3] =	stream.linear.scatter [tilespmem:s2], [sflag:$0x3], $0x80, $0x38;
	[tilespmem:$0x1CD00] =	vst v63  }
0x19c: {  	s1 =	sadd.s32 $0x1000, s1;
	s15 =	sadd.s32 $0x16AB8, s4;
	s2 =	smov.u32 s18  }
0x19d: {  	[hbm4b:s16+s3] =	stream.linear.scatter [tilespmem:s15], [sflag:$0x3], $0x80, $0x38;
	[tilespmem:$0x1CD00] =	vst v63  }
0x19e: {  	s2 =	sadd.s32 $0x16700, s0  }
0x19f: {  	[hbm4b:s1+s3] =	stream.linear.scatter [tilespmem:s2], [sflag:$0x3], $0x80, $0x38;
	[tilespmem:$0x1CD00] =	vst v63  }
0x1a0: {  	s20 =	sadd.s32 $0x16788, s0;
	s4 =	sadd.s32 $0x10, s1  }
0x1a1: {  	[hbm4b:s4+s3] =	stream.linear.scatter [tilespmem:s20], [sflag:$0x3], $0x80, $0x38;
	[tilespmem:$0x1CD00] =	vst v63  }
0x1a2: {  	s21 =	sadd.s32 $0x16810, s0;
	s23 =	sadd.s32 $0x20, s1  }
0x1a3: {  	[hbm4b:s23+s3] =	stream.linear.scatter [tilespmem:s21], [sflag:$0x3], $0x80, $0x38;
	[tilespmem:$0x1CD00] =	vst v63  }
0x1a4: {  	s24 =	sadd.s32 $0x16898, s0;
	s25 =	sadd.s32 $0x30, s1  }
0x1a5: {  	[hbm4b:s25+s3] =	stream.linear.scatter [tilespmem:s24], [sflag:$0x3], $0x80, $0x38;
	[tilespmem:$0x1CD00] =	vst v63  }
0x1a6: {  	s15 =	sadd.s32 $0x16920, s0;
	s16 =	sadd.s32 $0x40, s1  }
0x1a7: {  	[hbm4b:s16+s3] =	stream.linear.scatter [tilespmem:s15], [sflag:$0x3], $0x80, $0x38;
	[tilespmem:$0x1CD00] =	vst v63  }
0x1a8: {  	s18 =	sadd.s32 $0x169A8, s0;
	s20 =	sadd.s32 $0x50, s1  }
0x1a9: {  	[hbm4b:s20+s3] =	stream.linear.scatter [tilespmem:s18], [sflag:$0x3], $0x80, $0x38;
	[tilespmem:$0x1CD00] =	vst v63  }
0x1aa: {  	s21 =	sadd.s32 $0x16A30, s0;
	s23 =	sadd.s32 $0x60, s1  }
0x1ab: {  	[hbm4b:s23+s3] =	stream.linear.scatter [tilespmem:s21], [sflag:$0x3], $0x80, $0x38;
	[tilespmem:$0x1CD00] =	vst v63  }
0x1ac: {  	s24 =	sadd.s32 $0x16AB8, s0;
	s25 =	sadd.s32 $0x70, s1;
	s0 =	simm.s32 @!p0 $0x5  }
0x1ad: {  	[hbm4b:s25+s3] =	stream.linear.scatter [tilespmem:s24], [sflag:$0x3], $0x80, $0x38;
	[tilespmem:$0x1CD00] =	vst v63  }
0x1ae: {  	_ =	swait.ge @!p0 [sflag:s0], $0x200  }
0x1af: {  	[sflag:s0] =	ssyncset.done @!p0 $0x0  }
0x1b0: {  	[sflag:s0] =	ssyncadd.s32 @!p0 $0xFFFFFE00  }
0x1b1: {  	_ =	swait.ge @!p0 [sflag:s0], $0x180  }
0x1b2: {  	s2 =	simm.s32 @!p0 $0x700;
	[sflag:s0] =	ssyncset.done @!p0 $0x0  }
0x1b3: {  	s1 =	simm.s32 @!p0 $0x0;
	[sflag:s0] =	ssyncadd.s32 @!p0 $0xFFFFFE80;
	s0 =	simm.s32 @!p0 $0x80  }
0x1b4: {  	[tilespmem:s2], [sflag:$0x1] =	stream.indirect.gather @!p0 [hbm4b:s6+s0], $0x40, s1, s0, $0xb8;
	[tilespmem:$0x1CD00] =	vst v63  }
0x1b5: {  	s2 =	simm.s32 @!p0 $0x2700  }
0x1b6: {  	[tilespmem:s2], [sflag:$0x1] =	stream.indirect.gather @!p0 [hbm4b:s7+s0], $0x40, s0, s0, $0xb8;
	[tilespmem:$0x1CD00] =	vst v63  }
0x1b7: {  	s4 =	simm.s32 @!p0 $0x4700;
	s2 =	simm.s32 @!p0 $0x100  }
0x1b8: {  	[tilespmem:s4], [sflag:$0x1] =	stream.indirect.gather @!p0 [hbm4b:s8+s0], $0x40, s2, s0, $0xb8;
	[tilespmem:$0x1CD00] =	vst v63  }
0x1b9: {  	s2 =	simm.s32 @!p0 $0x180;
	s4 =	simm.s32 @!p0 $0x6700  }
0x1ba: {  	[tilespmem:s4], [sflag:$0x1] =	stream.indirect.gather @!p0 [hbm4b:s9+s0], $0x40, s2, s0, $0xb8;
	[tilespmem:$0x1CD00] =	vst v63  }
0x1bb: {  	s2 =	simm.s32 @!p0 $0x400;
	s4 =	simm.s32 @!p0 $0x10700  }
0x1bc: {  	[tilespmem:s4], [sflag:$0x1] =	stream.indirect.gather @!p0 [hbm4b:s10+s0], $0x20, s2, s0, $0xb8;
	[tilespmem:$0x1CD00] =	vst v63  }
0x1bd: {  	s2 =	simm.s32 @!p0 $0x480;
	s4 =	simm.s32 @!p0 $0x11700  }
0x1be: {  	[tilespmem:s4], [sflag:$0x1] =	stream.indirect.gather @!p0 [hbm4b:s11+s0], $0x20, s2, s0, $0xb8;
	[tilespmem:$0x1CD00] =	vst v63  }
0x1bf: {  	s2 =	simm.s32 @!p0 $0x500;
	s4 =	simm.s32 @!p0 $0x12700  }
0x1c0: {  	[tilespmem:s4], [sflag:$0x1] =	stream.indirect.gather @!p0 [hbm4b:s13+s0], $0x20, s2, s0, $0xb8;
	[tilespmem:$0x1CD00] =	vst v63  }
0x1c1: {  	_ =	swait.ge [sflag:s30], $0x2000  }
0x1c2: {  	[sflag:s30] =	ssyncset.done $0x0  }
0x1c3: {  	[sflag:s30] =	ssyncadd.s32 $0xFFFFE000  }
0x1c4: {  	_ =	swait.ge [sflag:s30], $0x2000  }
0x1c5: {  	[sflag:s30] =	ssyncset.done $0x0  }
0x1c6: {  	[sflag:s30] =	ssyncadd.s32 $0xFFFFE000  }
0x1c7: {  	_ =	swait.ge [sflag:s30], $0x2000  }
0x1c8: {  	[sflag:s30] =	ssyncset.done $0x0  }
0x1c9: {  	[sflag:s30] =	ssyncadd.s32 $0xFFFFE000  }
0x1ca: {  	_ =	swait.ge [sflag:s30], $0x2000  }
0x1cb: {  	[sflag:s30] =	ssyncset.done $0x0  }
0x1cc: {  	[sflag:s30] =	ssyncadd.s32 $0xFFFFE000  }
0x1cd: {  	_ =	swait.ge [sflag:s30], $0x1000  }
0x1ce: {  	[sflag:s30] =	ssyncset.done $0x0  }
0x1cf: {  	[sflag:s30] =	ssyncadd.s32 $0xFFFFF000  }
0x1d0: {  	_ =	swait.ge [sflag:s30], $0x1000  }
0x1d1: {  	[sflag:s30] =	ssyncset.done $0x0  }
0x1d2: {  	s0 =	sadd.s32 @!p0 $0x3, s17;
	[sflag:s30] =	ssyncadd.s32 $0xFFFFF000  }
0x1d3: {  	s2 =	sshll.u32 @!p0 s0, $0xE;
	_ =	swait.ge [sflag:s30], $0x1000  }
0x1d4: {  	s0 =	smul.u32 @!p0 $0x3000, s0;
	[sflag:s30] =	ssyncset.done $0x0;
	s4 =	rddreg [dreg:$0x4]  }
0x1d5: {  	s2 =	sor.u32 @!p0 s4, s2;
	[sflag:s30] =	ssyncadd.s32 $0xFFFFF000  }
0x1d6: {  	s0 =	sadd.s32 @!p0 s14, s0;
	s2 =	sshrl.u32 @!p0 s2, $0x3;
	s4 =	rddreg [dreg:$0x0]  }
0x1d7: {  	s0 =	sshrl.u32 @!p0 s0, $0x3;
	s2 =	sadd.s32 @!p0 s4, s2;
	s4 =	simm.s32 @!p0 $0x200  }
0x1d8: {  	[tilespmem:s4], [sflag:$0x6] =	stream.linear.gather @!p0 [hbm4b:s2+s1], $0x200, $0x38;
	[tilespmem:$0x1CD00] =	vst v63  }
0x1d9: {  	s0 =	sadd.s32 @!p0 s12, s0;
	s2 =	simm.s32 @!p0 $0x580  }
0x1da: {  	[tilespmem:s2], [sflag:$0x6] =	stream.linear.gather @!p0 [hbm4b:s0+s1], $0x180, $0x38;
	[tilespmem:$0x1CD00] =	vst v63  }
0x1db: {  	s0 =	simm.s32 @!p1 $0x4  }
0x1dc: {  	_ =	swait.ge @!p1 [sflag:s0], $0x3000  }
0x1dd: {  	[sflag:s0] =	ssyncset.done @!p1 $0x0  }
0x1de: {  	s1 =	simm.s32 $0x8780;
	[sflag:s0] =	ssyncadd.s32 @!p1 $0xFFFFD000  }
0x1df: {  	s2 =	simm.s32 $0xA780;
	v6 =	vld [tilespmem:s1+$0x40]  }
0x1e0: {  	s18 =	simm.s32 $0xC780;
	v7 =	vld [tilespmem:s2+$0x40]  }
0x1e1: {  	s20 =	simm.s32 $0xE780;
	v9 =	vld [tilespmem:s18+$0x40]  }
0x1e2: {  	v10 =	vld [tilespmem:s20+$0x40]  }
0x1e3: {  	v11 =	vld [tilespmem:s1+$0xFFFFFF80]  }
0x1e4: {  	v12 =	vld [tilespmem:s2+$0xFFFFFF80]  }
0x1e5: {  	v13 =	vld [tilespmem:s18+$0xFFFFFF80]  }
0x1e6: {  	v14 =	vld [tilespmem:s20+$0xFFFFFF80]  }
0x1e7: {  	v17 =	vld [tilespmem:s18+$0xFFFFFFC0]  }
0x1e8: {  	v18 =	vld [tilespmem:s20+$0xFFFFFFC0]  }
0x1e9: {  	s21 =	simm.s32 $0x3;
	v16 =	vld [tilespmem:s1+$0xFFFFFFC0]  }
0x1ea: {  	s16 =	simm.s32 $0xE880;
	v8 =	vmov s21;
	v19 =	vld [tilespmem:s1+$0x0]  }
0x1eb: {  	v8 =	vand.u32 $0x7F, v8;
	v26 =	vld [tilespmem:s16+$0x40];
	v6 =	vadd.f32 v7, v6  }
0x1ec: {  	s24 =	simm.s32 $0x1;
	v15 =	vadd.s32 v0, v8;
	v7 =	vadd.f32 v10, v9;
	v9 =	vld [tilespmem:s2+$0xFFFFFFC0];
	v10 =	vadd.f32 v12, v11  }
0x1ed: {  	v11 =	vadd.f32 v14, v13;
	v13 =	vmov s24;
	v17 =	vadd.f32 v18, v17;
	v18 =	vld [tilespmem:s18+$0x0];
	s24 =	simm.s32 $0x8880  }
0x1ee: {  	v60 =	vld [tilespmem:s24+$0x40]  }
0x1ef: {  	s23 =	simm.s32 $0x0;
	v27 =	vld [tilespmem:s24+$0xFFFFFF80];
	v6 =	vadd.f32 v7, v6  }
0x1f0: {  	v7 =	vmov s23;
	v11 =	vadd.f32 v11, v10;
	v10 =	vand.u32 $0x7D, v13;
	v13 =	vld [tilespmem:s2+$0x0];
	s23 =	simm.s32 $0xC880  }
0x1f1: {  	v7 =	vand.u32 $0x7C, v7;
	v25 =	vld [tilespmem:s23+$0x40];
	[tilespmem:v15+s31+$0x0] =	vst.idx.msk $0xffff, v6  }
0x1f2: {  	v15 =	vadd.s32 v0, v7;
	v6 =	vld [tilespmem:s1+$0x50]  }
0x1f3: {  	v20 =	vld [tilespmem:s2+$0x50]  }
0x1f4: {  	v12 =	vld [tilespmem:s18+$0x50]  }
0x1f5: {  	v14 =	vld [tilespmem:s20+$0x50]  }
0x1f6: {  	v28 =	vld [tilespmem:s23+$0xFFFFFF80];
	v9 =	vadd.f32 v9, v16;
	v16 =	vadd.s32 v0, v10  }
0x1f7: {  	[tilespmem:v15+s31+$0x0] =	vst.idx.msk $0xffff, v11;
	v11 =	vld [tilespmem:s20+$0x0]  }
0x1f8: {  	v15 =	vld [tilespmem:s1+$0xFFFFFF90]  }
0x1f9: {  	v9 =	vadd.f32 v17, v9;
	v17 =	vadd.s32 v1, v8;
	v21 =	vld [tilespmem:s2+$0xFFFFFF90]  }
0x1fa: {  	v6 =	vadd.f32 v20, v6;
	v12 =	vadd.f32 v14, v12;
	v14 =	vld [tilespmem:s18+$0xFFFFFF90]  }
0x1fb: {  	[tilespmem:v16+s31+$0x0] =	vst.idx.msk $0xffff, v9;
	v9 =	vld [tilespmem:s20+$0xFFFFFF90]  }
0x1fc: {  	s25 =	simm.s32 $0x2;
	v16 =	vld [tilespmem:s1+$0xFFFFFFD0];
	v12 =	vadd.f32 v12, v6  }
0x1fd: {  	v45 =	vld [tilespmem:s2+$0xFFFFFFD0];
	v6 =	vmov s25  }
0x1fe: {  	v23 =	vld [tilespmem:s18+$0xFFFFFFD0];
	v6 =	vand.u32 $0x7E, v6;
	[tilespmem:v17+s31+$0x0] =	vst.idx.msk $0xffff, v12  }
0x1ff: {  	v12 =	vadd.s32 v0, v6;
	v17 =	vld [tilespmem:s1+$0x60]  }
0x200: {  	v13 =	vadd.f32 v13, v19;
	v11 =	vadd.f32 v11, v18;
	v18 =	vld [tilespmem:s2+$0x60]  }
0x201: {  	v19 =	vld [tilespmem:s18+$0x60]  }
0x202: {  	s25 =	simm.s32 $0xA880;
	v11 =	vadd.f32 v11, v13;
	v13 =	vld [tilespmem:s20+$0x60]  }
0x203: {  	v22 =	vadd.s32 v1, v7;
	v24 =	vld [tilespmem:s25+$0x40]  }
0x204: {  	v15 =	vadd.f32 v21, v15;
	v9 =	vadd.f32 v9, v14;
	[tilespmem:v12+s31+$0x0] =	vst.idx.msk $0xffff, v11;
	v11 =	vld [tilespmem:s20+$0xFFFFFFD0]  }
0x205: {  	v12 =	vld [tilespmem:s1+$0x10]  }
0x206: {  	v9 =	vadd.f32 v9, v15;
	v15 =	vadd.s32 v2, v8;
	v14 =	vld [tilespmem:s2+$0x10]  }
0x207: {  	v46 =	vld [tilespmem:s18+$0x10];
	v17 =	vadd.f32 v18, v17;
	v13 =	vadd.f32 v13, v19  }
0x208: {  	[tilespmem:v22+s31+$0x0] =	vst.idx.msk $0xffff, v9;
	v9 =	vld [tilespmem:s20+$0x10]  }
0x209: {  	v18 =	vld [tilespmem:s1+$0xFFFFFFA0];
	v13 =	vadd.f32 v13, v17  }
0x20a: {  	v47 =	vld [tilespmem:s18+$0xFFFFFFA0];
	v17 =	vadd.s32 v1, v10  }
0x20b: {  	v16 =	vadd.f32 v45, v16;
	v19 =	vld [tilespmem:s2+$0xFFFFFFA0];
	v11 =	vadd.f32 v11, v23;
	[tilespmem:v15+s31+$0x0] =	vst.idx.msk $0xffff, v13  }
0x20c: {  	v13 =	vld [tilespmem:s1+$0x70]  }
0x20d: {  	v11 =	vadd.f32 v11, v16;
	v15 =	vld [tilespmem:s2+$0x70]  }
0x20e: {  	v16 =	vld [tilespmem:s18+$0x70]  }
0x20f: {  	v48 =	vadd.s32 v1, v6;
	[tilespmem:v17+s31+$0x0] =	vst.idx.msk $0xffff, v11;
	v11 =	vld [tilespmem:s20+$0xFFFFFFA0]  }
0x210: {  	v12 =	vadd.f32 v14, v12;
	v9 =	vadd.f32 v9, v46;
	v14 =	vld [tilespmem:s1+$0xFFFFFFE0]  }
0x211: {  	v17 =	vld [tilespmem:s2+$0xFFFFFFE0]  }
0x212: {  	v9 =	vadd.f32 v9, v12;
	v12 =	vld [tilespmem:s18+$0xFFFFFFE0]  }
0x213: {  	v49 =	vadd.s32 v2, v7;
	v50 =	vld [tilespmem:s20+$0xFFFFFFE0]  }
0x214: {  	v18 =	vadd.f32 v19, v18;
	v19 =	vld [tilespmem:s20+$0x70];
	[tilespmem:v48+s31+$0x0] =	vst.idx.msk $0xffff, v9;
	v9 =	vadd.f32 v11, v47  }
0x215: {  	v51 =	vld [tilespmem:s2+$0x20]  }
0x216: {  	v11 =	vld [tilespmem:s1+$0x20];
	v9 =	vadd.f32 v9, v18  }
0x217: {  	v52 =	vadd.s32 v2, v10;
	v14 =	vadd.f32 v17, v14;
	v17 =	vld [tilespmem:s20+$0x20]  }
0x218: {  	v18 =	vld [tilespmem:s18+$0x20];
	[tilespmem:v49+s31+$0x0] =	vst.idx.msk $0xffff, v9;
	v9 =	vadd.f32 v50, v12  }
0x219: {  	v12 =	vld [tilespmem:s1+$0xFFFFFFB0]  }
0x21a: {  	v54 =	vld [tilespmem:s18+$0xFFFFFFB0];
	v9 =	vadd.f32 v9, v14  }
0x21b: {  	v53 =	vadd.s32 v3, v8;
	v14 =	vld [tilespmem:s2+$0xFFFFFFB0]  }
0x21c: {  	v13 =	vadd.f32 v15, v13;
	v15 =	vadd.f32 v19, v16;
	[tilespmem:v52+s31+$0x0] =	vst.idx.msk $0xffff, v9;
	v9 =	vld [tilespmem:s20+$0xFFFFFFB0]  }
0x21d: {  	v16 =	vld [tilespmem:s1+$0xFFFFFFF0]  }
0x21e: {  	v13 =	vadd.f32 v15, v13;
	v15 =	vadd.s32 v2, v6;
	v19 =	vld [tilespmem:s2+$0xFFFFFFF0]  }
0x21f: {  	v11 =	vadd.f32 v51, v11;
	v17 =	vadd.f32 v17, v18;
	v18 =	vld [tilespmem:s18+$0xFFFFFFF0]  }
0x220: {  	s21 =	simm.s32 $0x13740;
	[tilespmem:v53+s31+$0x0] =	vst.idx.msk $0xffff, v13;
	v13 =	vld [tilespmem:s20+$0xFFFFFFF0]  }
0x221: {  	s17 =	simm.s32 $0x15740;
	v55 =	vld [tilespmem:s21+$0x20];
	v11 =	vadd.f32 v17, v11  }
0x222: {  	s15 =	simm.s32 $0x14740;
	v21 =	vld [tilespmem:s17+$0x20];
	v12 =	vadd.f32 v14, v12;
	v14 =	vadd.s32 v3, v7;
	v9 =	vadd.f32 v9, v54  }
0x223: {  	v17 =	vld [tilespmem:s15+$0x20];
	[tilespmem:v15+s31+$0x0] =	vst.idx.msk $0xffff, v11  }
0x224: {  	v11 =	vld [tilespmem:s1+$0x30];
	v9 =	vadd.f32 v9, v12;
	v12 =	vadd.s32 v3, v10  }
0x225: {  	v15 =	vadd.f32 v19, v16;
	v13 =	vadd.f32 v13, v18;
	v16 =	vld [tilespmem:s2+$0x30]  }
0x226: {  	v18 =	vld [tilespmem:s18+$0x30]  }
0x227: {  	v19 =	vadd.s32 v4, v8;
	[tilespmem:v14+s31+$0x0] =	vst.idx.msk $0xffff, v9;
	v9 =	vadd.f32 v13, v15;
	v13 =	vld [tilespmem:s20+$0x30]  }
0x228: {  	v14 =	vadd.f32 v17, v55;
	v15 =	vld [tilespmem:s21+$0xFFFFFFC0]  }
0x229: {  	v17 =	vld [tilespmem:s15+$0xFFFFFFC0];
	[tilespmem:v12+s31+$0x0] =	vst.idx.msk $0xffff, v9  }
0x22a: {  	v9 =	vadd.f32 v21, v14;
	v12 =	vld [tilespmem:s21+$0xFFFFFFE0]  }
0x22b: {  	v56 =	vadd.s32 v3, v6;
	v14 =	vld [tilespmem:s15+$0xFFFFFFE0]  }
0x22c: {  	[tilespmem:v19+s31+$0x0] =	vst.idx.msk $0xffff, v9;
	v9 =	vadd.f32 v16, v11;
	v11 =	vld [tilespmem:s17+$0xFFFFFFC0];
	v13 =	vadd.f32 v13, v18  }
0x22d: {  	v18 =	vld [tilespmem:s17+$0xFFFFFFE0]  }
0x22e: {  	v19 =	vadd.s32 v4, v7;
	v16 =	vld [tilespmem:s21+$0x30];
	v9 =	vadd.f32 v13, v9  }
0x22f: {  	v15 =	vadd.f32 v17, v15;
	v17 =	vld [tilespmem:s17+$0x30]  }
0x230: {  	v13 =	vld [tilespmem:s15+$0x30];
	[tilespmem:v56+s31+$0x0] =	vst.idx.msk $0xffff, v9  }
0x231: {  	v57 =	vadd.s32 v4, v10;
	v9 =	vadd.f32 v14, v12;
	v11 =	vadd.f32 v11, v15;
	v12 =	vld [tilespmem:s21+$0x0]  }
0x232: {  	v14 =	vld [tilespmem:s15+$0x0]  }
0x233: {  	[tilespmem:v19+s31+$0x0] =	vst.idx.msk $0xffff, v11;
	v11 =	vld [tilespmem:s17+$0x0]  }
0x234: {  	v9 =	vadd.f32 v18, v9;
	v15 =	vld [tilespmem:s21+$0xFFFFFFD0]  }
0x235: {  	v18 =	vld [tilespmem:s15+$0xFFFFFFD0]  }
0x236: {  	[tilespmem:v57+s31+$0x0] =	vst.idx.msk $0xffff, v9;
	v59 =	vld [tilespmem:s17+$0xFFFFFFD0]  }
0x237: {  	v8 =	vadd.s32 v5, v8;
	v19 =	vld [tilespmem:s21+$0xFFFFFFF0]  }
0x238: {  	s4 =	simm.s32 $0x7;
	v61 =	vadd.s32 v5, v7;
	v23 =	vadd.f32 v24, v60;
	v13 =	vadd.f32 v13, v16;
	v58 =	vld [tilespmem:s15+$0xFFFFFFF0]  }
0x239: {  	v16 =	vadd.s32 v4, v6;
	v9 =	vmov s4;
	v22 =	vld [tilespmem:s17+$0xFFFFFFF0];
	v12 =	vadd.f32 v14, v12  }
0x23a: {  	v7 =	vadd.f32 v26, v25;
	v9 =	vand.u32 $0x7F, v9;
	v13 =	vadd.f32 v17, v13;
	v14 =	vld [tilespmem:s25+$0xFFFFFF80]  }
0x23b: {  	v17 =	vadd.s32 v0, v9;
	v11 =	vadd.f32 v11, v12;
	v12 =	vld [tilespmem:s16+$0xFFFFFF80];
	v15 =	vadd.f32 v18, v15  }
0x23c: {  	v62 =	vld [tilespmem:s24+$0xFFFFFFC0];
	s20 =	simm.s32 $0x4;
	[tilespmem:v8+s31+$0x0] =	vst.idx.msk $0xffff, v13;
	v8 =	vadd.f32 v7, v23  }
0x23d: {  	v63 =	vld [tilespmem:s25+$0xFFFFFFC0];
	v7 =	vmov s20;
	v18 =	vadd.s32 v5, v10;
	v15 =	vadd.f32 v59, v15  }
0x23e: {  	v13 =	vld [tilespmem:s16+$0xFFFFFFC0];
	v7 =	vand.u32 $0x7C, v7;
	v19 =	vadd.f32 v58, v19;
	[tilespmem:v16+s31+$0x0] =	vst.idx.msk $0xffff, v11  }
0x23f: {  	v10 =	vld [tilespmem:s23+$0xFFFFFFC0];
	v14 =	vadd.f32 v14, v27;
	[tilespmem:v61+s31+$0x0] =	vst.idx.msk $0xffff, v15;
	v15 =	vadd.s32 v0, v7  }
0x240: {  	s18 =	simm.s32 $0x5;
	v11 =	vld [tilespmem:s24+$0x0];
	[tilespmem:v17+s31+$0x0] =	vst.idx.msk $0xffff, v8;
	v16 =	vadd.f32 v22, v19;
	v19 =	vadd.f32 v12, v28  }
0x241: {  	s0 =	simm.s32 $0x8;
	v8 =	vmov s18;
	v12 =	vld [tilespmem:s24+$0x50]  }
0x242: {  	s1 =	simm.s32 $0x15740;
	s2 =	simm.s32 $0x14740;
	s18 =	simm.s32 $0x13740;
	v8 =	vand.u32 $0x7D, v8;
	[tilespmem:v18+s31+$0x0] =	vst.idx.msk $0xffff, v16;
	v16 =	vadd.f32 v63, v62;
	v17 =	vadd.f32 v19, v14;
	v14 =	vld [tilespmem:s25+$0x50]  }
.LBB2_10:
0x243: {  	p1 =	slt.u32 s0, $0x7C;
	v18 =	vadd.s32 v0, v8;
	v19 =	vld [tilespmem:s23+$0x50]  }
0x244: {  	[tilespmem:v15+s31+$0x0] =	vst.idx.msk $0xffff, v17;
	v10 =	vadd.f32 v13, v10;
	v13 =	vld [tilespmem:s16+$0x50]  }
0x245: {  	v15 =	vld [tilespmem:s25+$0x0]  }
0x246: {  	v10 =	vadd.f32 v10, v16;
	v16 =	vld [tilespmem:s23+$0x0]  }
0x247: {  	v17 =	vld [tilespmem:s16+$0x0]  }
0x248: {  	s4 =	sadd.s32 $0x2, s20;
	s20 =	smov.u32 s0;
	v20 =	vld [tilespmem:s24+$0xFFFFFF90];
	[tilespmem:v18+s31+$0x0] =	vst.idx.msk $0xffff, v10;
	v18 =	vadd.s32 v1, v9  }
0x249: {  	v12 =	vadd.f32 v14, v12;
	v10 =	vmov s4;
	v21 =	vld [tilespmem:s25+$0xFFFFFF90];
	v13 =	vadd.f32 v13, v19  }
0x24a: {  	v10 =	vand.u32 $0x7E, v10;
	v14 =	vld [tilespmem:s23+$0xFFFFFF90];
	v11 =	vadd.f32 v15, v11  }
0x24b: {  	v19 =	vadd.s32 v0, v10;
	v15 =	vld [tilespmem:s16+$0xFFFFFF90];
	v12 =	vadd.f32 v13, v12  }
0x24c: {  	v13 =	vld [tilespmem:s24+$0xFFFFFFD0];
	v16 =	vadd.f32 v17, v16  }
0x24d: {  	v17 =	vld [tilespmem:s25+$0xFFFFFFD0];
	[tilespmem:v18+s31+$0x0] =	vst.idx.msk $0xffff, v12  }
0x24e: {  	v12 =	vadd.f32 v21, v20;
	v11 =	vadd.f32 v16, v11;
	v16 =	vld [tilespmem:s24+$0x60]  }
0x24f: {  	v18 =	vadd.s32 v1, v7;
	v20 =	vld [tilespmem:s25+$0x60]  }
0x250: {  	v14 =	vadd.f32 v15, v14;
	[tilespmem:v19+s31+$0x0] =	vst.idx.msk $0xffff, v11;
	v11 =	vld [tilespmem:s23+$0x60]  }
0x251: {  	v15 =	vld [tilespmem:s16+$0x60]  }
0x252: {  	v12 =	vadd.f32 v14, v12;
	v13 =	vadd.f32 v17, v13;
	v14 =	vld [tilespmem:s23+$0xFFFFFFD0]  }
0x253: {  	v17 =	vld [tilespmem:s16+$0xFFFFFFD0]  }
0x254: {  	[tilespmem:v18+s31+$0x0] =	vst.idx.msk $0xffff, v12;
	v12 =	vld [tilespmem:s24+$0x10]  }
0x255: {  	v19 =	vadd.s32 v2, v9;
	v18 =	vld [tilespmem:s25+$0x10]  }
0x256: {  	v16 =	vadd.f32 v20, v16;
	v21 =	vld [tilespmem:s23+$0x10];
	v11 =	vadd.f32 v15, v11  }
0x257: {  	v15 =	vadd.s32 v1, v8;
	v20 =	vld [tilespmem:s16+$0x10]  }
0x258: {  	v22 =	vld [tilespmem:s24+$0xFFFFFFA0];
	v14 =	vadd.f32 v17, v14;
	v11 =	vadd.f32 v11, v16  }
0x259: {  	v16 =	vld [tilespmem:s25+$0xFFFFFFA0]  }
0x25a: {  	v17 =	vld [tilespmem:s23+$0xFFFFFFA0];
	v13 =	vadd.f32 v14, v13;
	v12 =	vadd.f32 v18, v12;
	[tilespmem:v19+s31+$0x0] =	vst.idx.msk $0xffff, v11  }
0x25b: {  	v11 =	vadd.s32 v1, v10;
	v14 =	vld [tilespmem:s24+$0x70]  }
0x25c: {  	[tilespmem:v15+s31+$0x0] =	vst.idx.msk $0xffff, v13;
	v13 =	vadd.f32 v20, v21;
	v15 =	vld [tilespmem:s25+$0x70]  }
0x25d: {  	v18 =	vld [tilespmem:s23+$0x70]  }
0x25e: {  	v16 =	vadd.f32 v16, v22;
	v12 =	vadd.f32 v13, v12;
	v13 =	vld [tilespmem:s16+$0x70]  }
0x25f: {  	v19 =	vld [tilespmem:s16+$0xFFFFFFA0]  }
0x260: {  	v20 =	vld [tilespmem:s24+$0xFFFFFFE0];
	[tilespmem:v11+s31+$0x0] =	vst.idx.msk $0xffff, v12  }
0x261: {  	v11 =	vld [tilespmem:s25+$0xFFFFFFE0]  }
0x262: {  	v21 =	vadd.s32 v3, v9;
	v12 =	vld [tilespmem:s23+$0xFFFFFFE0]  }
0x263: {  	v22 =	vadd.s32 v2, v7;
	v14 =	vadd.f32 v15, v14;
	v23 =	vld [tilespmem:s16+$0xFFFFFFE0];
	v13 =	vadd.f32 v13, v18  }
0x264: {  	v15 =	vadd.f32 v19, v17;
	v17 =	vld [tilespmem:s24+$0x20]  }
0x265: {  	v18 =	vld [tilespmem:s25+$0x20];
	v13 =	vadd.f32 v13, v14  }
0x266: {  	v14 =	vadd.f32 v15, v16;
	v11 =	vadd.f32 v11, v20;
	v15 =	vld [tilespmem:s23+$0x20]  }
0x267: {  	s21 =	sadd.s32 $0x80, s21;
	v16 =	vadd.s32 v2, v8;
	v19 =	vld [tilespmem:s16+$0x20];
	[tilespmem:v21+s31+$0x0] =	vst.idx.msk $0xffff, v13  }
0x268: {  	s15 =	sadd.s32 $0x80, s15;
	[tilespmem:v22+s31+$0x0] =	vst.idx.msk $0xffff, v14;
	v12 =	vadd.f32 v23, v12;
	v13 =	vld [tilespmem:s21+$0x20]  }
0x269: {  	v14 =	vld [tilespmem:s15+$0x20]  }
0x26a: {  	s17 =	sadd.s32 $0x80, s17;
	v20 =	vld [tilespmem:s24+$0xFFFFFFB0];
	v11 =	vadd.f32 v12, v11;
	v12 =	vadd.f32 v18, v17  }
0x26b: {  	v17 =	vadd.s32 v2, v10;
	v18 =	vld [tilespmem:s17+$0x20]  }
0x26c: {  	v21 =	vld [tilespmem:s25+$0xFFFFFFB0];
	[tilespmem:v16+s31+$0x0] =	vst.idx.msk $0xffff, v11;
	v11 =	vadd.f32 v19, v15  }
0x26d: {  	v16 =	vadd.s32 v4, v9;
	v15 =	vld [tilespmem:s23+$0xFFFFFFB0]  }
0x26e: {  	v19 =	vld [tilespmem:s16+$0xFFFFFFB0];
	v11 =	vadd.f32 v11, v12;
	v12 =	vadd.f32 v14, v13  }
0x26f: {  	v13 =	vld [tilespmem:s24+$0xFFFFFFF0]  }
0x270: {  	v14 =	vld [tilespmem:s25+$0xFFFFFFF0];
	[tilespmem:v17+s31+$0x0] =	vst.idx.msk $0xffff, v11;
	v11 =	vadd.f32 v18, v12  }
0x271: {  	v12 =	vadd.f32 v21, v20;
	v17 =	vld [tilespmem:s23+$0xFFFFFFF0]  }
0x272: {  	v18 =	vadd.s32 v3, v7;
	v20 =	vld [tilespmem:s16+$0xFFFFFFF0];
	[tilespmem:v16+s31+$0x0] =	vst.idx.msk $0xffff, v11  }
0x273: {  	v11 =	vadd.f32 v19, v15;
	v15 =	vld [tilespmem:s21+$0x30]  }
0x274: {  	v16 =	vld [tilespmem:s15+$0x30]  }
0x275: {  	v11 =	vadd.f32 v11, v12;
	v12 =	vadd.f32 v14, v13;
	v13 =	vld [tilespmem:s24+$0x30]  }
0x276: {  	v14 =	vadd.s32 v3, v8;
	v19 =	vld [tilespmem:s17+$0x30]  }
0x277: {  	[tilespmem:v18+s31+$0x0] =	vst.idx.msk $0xffff, v11;
	v11 =	vadd.f32 v20, v17;
	v17 =	vld [tilespmem:s25+$0x30]  }
0x278: {  	v9 =	vadd.s32 v5, v9;
	v18 =	vld [tilespmem:s23+$0x30]  }
0x279: {  	v11 =	vadd.f32 v11, v12;
	v12 =	vld [tilespmem:s16+$0x30];
	v15 =	vadd.f32 v16, v15  }
0x27a: {  	v16 =	vld [tilespmem:s21+$0xFFFFFFC0]  }
0x27b: {  	v20 =	vld [tilespmem:s15+$0xFFFFFFC0];
	[tilespmem:v14+s31+$0x0] =	vst.idx.msk $0xffff, v11;
	v11 =	vadd.f32 v19, v15  }
0x27c: {  	v14 =	vld [tilespmem:s21+$0xFFFFFFE0];
	v13 =	vadd.f32 v17, v13  }
0x27d: {  	v17 =	vadd.s32 v3, v10;
	v15 =	vld [tilespmem:s15+$0xFFFFFFE0];
	[tilespmem:v9+s31+$0x0] =	vst.idx.msk $0xffff, v11  }
0x27e: {  	v9 =	vld [tilespmem:s17+$0xFFFFFFC0];
	v11 =	vadd.f32 v12, v18  }
0x27f: {  	v12 =	vld [tilespmem:s17+$0xFFFFFFE0]  }
0x280: {  	v18 =	vadd.s32 v4, v7;
	v16 =	vadd.f32 v20, v16;
	v11 =	vadd.f32 v11, v13;
	v13 =	vld [tilespmem:s18+$0x10];
	s18 =	smov.u32 s21  }
0x281: {  	v19 =	vadd.s32 v4, v8;
	v20 =	vld [tilespmem:s2+$0x10];
	s2 =	smov.u32 s15  }
0x282: {  	v14 =	vadd.f32 v15, v14;
	[tilespmem:v17+s31+$0x0] =	vst.idx.msk $0xffff, v11;
	v11 =	vld [tilespmem:s1+$0x10];
	s1 =	smov.u32 s17  }
0x283: {  	v9 =	vadd.f32 v9, v16;
	v15 =	vld [tilespmem:s21+$0x0]  }
0x284: {  	v12 =	vadd.f32 v12, v14;
	v14 =	vld [tilespmem:s15+$0x0]  }
0x285: {  	v16 =	vadd.s32 v5, v6;
	v6 =	vmov v10;
	[tilespmem:v18+s31+$0x0] =	vst.idx.msk $0xffff, v9;
	v9 =	vld [tilespmem:s17+$0x0]  }
0x286: {  	v10 =	vld [tilespmem:s21+$0xFFFFFFD0];
	[tilespmem:v19+s31+$0x0] =	vst.idx.msk $0xffff, v12;
	v12 =	vadd.f32 v20, v13  }
0x287: {  	v13 =	vld [tilespmem:s15+$0xFFFFFFD0]  }
0x288: {  	v18 =	vadd.s32 v4, v6;
	v17 =	vld [tilespmem:s21+$0xFFFFFFF0];
	v11 =	vadd.f32 v11, v12  }
0x289: {  	v12 =	vld [tilespmem:s15+$0xFFFFFFF0];
	v14 =	vadd.f32 v14, v15  }
0x28a: {  	v15 =	vld [tilespmem:s17+$0xFFFFFFD0];
	[tilespmem:v16+s31+$0x0] =	vst.idx.msk $0xffff, v11  }
0x28b: {  	s24 =	sadd.s32 $0x100, s24;
	v11 =	vld [tilespmem:s17+$0xFFFFFFF0];
	v9 =	vadd.f32 v9, v14  }
0x28c: {  	s25 =	sadd.s32 $0x100, s25;
	v7 =	vadd.s32 v5, v7;
	v14 =	vld [tilespmem:s24+$0x40];
	v10 =	vadd.f32 v13, v10  }
0x28d: {  	s23 =	sadd.s32 $0x100, s23;
	v8 =	vadd.s32 v5, v8;
	v13 =	vld [tilespmem:s25+$0x40];
	[tilespmem:v18+s31+$0x0] =	vst.idx.msk $0xffff, v9  }
0x28e: {  	s16 =	sadd.s32 $0x100, s16;
	v16 =	vld [tilespmem:s23+$0x40];
	v9 =	vadd.f32 v12, v17  }
0x28f: {  	v12 =	vld [tilespmem:s16+$0x40];
	v10 =	vadd.f32 v15, v10  }
0x290: {  	s4 =	sadd.s32 $0x3, s0;
	v15 =	vld [tilespmem:s24+$0xFFFFFF80];
	v11 =	vadd.f32 v11, v9  }
0x291: {  	v9 =	vmov s4;
	v17 =	vld [tilespmem:s25+$0xFFFFFF80];
	[tilespmem:v7+s31+$0x0] =	vst.idx.msk $0xffff, v10  }
0x292: {  	v9 =	vand.u32 $0x7F, v9;
	v18 =	vld [tilespmem:s23+$0xFFFFFF80];
	[tilespmem:v8+s31+$0x0] =	vst.idx.msk $0xffff, v11  }
0x293: {  	v19 =	vadd.s32 v0, v9;
	v8 =	vld [tilespmem:s16+$0xFFFFFF80]  }
0x294: {  	v11 =	vadd.f32 v13, v14;
	v20 =	vld [tilespmem:s24+$0xFFFFFFC0];
	v12 =	vadd.f32 v12, v16  }
0x295: {  	v7 =	vmov s0;
	v14 =	vld [tilespmem:s25+$0xFFFFFFC0]  }
.Ltmp6:
0x296: {  	v7 =	vand.u32 $0x7C, v7;
	v16 =	vadd.f32 v17, v15;
	v10 =	vld [tilespmem:s23+$0xFFFFFFC0];
	v12 =	vadd.f32 v12, v11;
	(pc) =	sbr.rel @p1 .LBB2_10-.Ltmp6, $4  }
0x297: {  	v15 =	vadd.s32 v0, v7;
	v13 =	vld [tilespmem:s16+$0xFFFFFFC0]  }
0x298: {  	s4 =	sadd.s32 $0x1, s0;
	v8 =	vadd.f32 v8, v18;
	v11 =	vld [tilespmem:s24+$0x0];
	[tilespmem:v19+s31+$0x0] =	vst.idx.msk $0xffff, v12  }
0x299: {  	v18 =	vmov s4;
	v12 =	vld [tilespmem:s24+$0x50]  }
0x29a: {  	s0 =	sadd.s32 $0x4, s0;
	v17 =	vadd.f32 v8, v16;
	v16 =	vadd.f32 v14, v20;
	v8 =	vand.u32 $0x7D, v18;
	v14 =	vld [tilespmem:s25+$0x50]  }
0x29b: {  	v18 =	vld [tilespmem:s23+$0x50]  }
0x29c: {  	v19 =	vld [tilespmem:s16+$0x50]  }
0x29d: {  	v20 =	vld [tilespmem:s25+$0x0]  }
0x29e: {  	v21 =	vadd.s32 v0, v8;
	v61 =	vld [tilespmem:s23+$0x0]  }
0x29f: {  	v62 =	vld [tilespmem:s16+$0x0];
	v10 =	vadd.f32 v13, v10;
	[tilespmem:v15+s31+$0x0] =	vst.idx.msk $0xffff, v17  }
0x2a0: {  	v63 =	vld [tilespmem:s24+$0xFFFFFF90]  }
0x2a1: {  	v22 =	vld [tilespmem:s25+$0xFFFFFF90];
	v10 =	vadd.f32 v10, v16  }
0x2a2: {  	v26 =	vadd.s32 v1, v9;
	v28 =	vld [tilespmem:s23+$0xFFFFFF90]  }
0x2a3: {  	s0 =	sadd.s32 $0x2, s20;
	v29 =	vld [tilespmem:s16+$0xFFFFFF90];
	v12 =	vadd.f32 v14, v12;
	v27 =	vadd.f32 v19, v18;
	[tilespmem:v21+s31+$0x0] =	vst.idx.msk $0xffff, v10  }
0x2a4: {  	v30 =	vmov s0;
	v31 =	vld [tilespmem:s24+$0xFFFFFFD0]  }
0x2a5: {  	v10 =	vand.u32 $0x7E, v30;
	v21 =	vld [tilespmem:s25+$0xFFFFFFD0];
	v12 =	vadd.f32 v27, v12  }
0x2a6: {  	v32 =	vadd.s32 v0, v10;
	v24 =	vld [tilespmem:s23+$0xFFFFFFD0]  }
0x2a7: {  	v11 =	vadd.f32 v20, v11;
	v13 =	vadd.f32 v62, v61;
	v36 =	vld [tilespmem:s16+$0xFFFFFFD0];
	[tilespmem:v26+s31+$0x0] =	vst.idx.msk $0xffff, v12  }
0x2a8: {  	v17 =	vld [tilespmem:s24+$0x60]  }
0x2a9: {  	v11 =	vadd.f32 v13, v11;
	v33 =	vld [tilespmem:s25+$0x60]  }
0x2aa: {  	v23 =	vadd.s32 v1, v7;
	v34 =	vld [tilespmem:s23+$0x60]  }
0x2ab: {  	v16 =	vadd.f32 v22, v63;
	v18 =	vadd.f32 v29, v28;
	v35 =	vld [tilespmem:s16+$0x60];
	[tilespmem:v32+s31+$0x0] =	vst.idx.msk $0xffff, v11  }
0x2ac: {  	v12 =	vld [tilespmem:s24+$0x10]  }
0x2ad: {  	v16 =	vadd.f32 v18, v16;
	v37 =	vld [tilespmem:s25+$0x10]  }
0x2ae: {  	v43 =	vadd.s32 v1, v8;
	v39 =	vld [tilespmem:s23+$0x10]  }
0x2af: {  	[tilespmem:v23+s31+$0x0] =	vst.idx.msk $0xffff, v16;
	v44 =	vadd.f32 v21, v31;
	v11 =	vadd.f32 v36, v24;
	v40 =	vld [tilespmem:s16+$0x10]  }
0x2b0: {  	v41 =	vld [tilespmem:s24+$0xFFFFFFA0]  }
0x2b1: {  	v42 =	vld [tilespmem:s25+$0xFFFFFFA0];
	v11 =	vadd.f32 v11, v44  }
0x2b2: {  	v38 =	vadd.s32 v2, v9;
	v23 =	vld [tilespmem:s23+$0xFFFFFFA0]  }
0x2b3: {  	v50 =	vld [tilespmem:s16+$0xFFFFFFA0];
	v15 =	vadd.f32 v33, v17;
	v13 =	vadd.f32 v35, v34;
	[tilespmem:v43+s31+$0x0] =	vst.idx.msk $0xffff, v11  }
0x2b4: {  	v51 =	vld [tilespmem:s24+$0xFFFFFFE0]  }
0x2b5: {  	v52 =	vld [tilespmem:s25+$0xFFFFFFE0];
	v13 =	vadd.f32 v13, v15  }
0x2b6: {  	v20 =	vld [tilespmem:s23+$0xFFFFFFE0]  }
0x2b7: {  	v54 =	vld [tilespmem:s16+$0xFFFFFFE0];
	[tilespmem:v38+s31+$0x0] =	vst.idx.msk $0xffff, v13  }
0x2b8: {  	v47 =	vadd.s32 v1, v10;
	v45 =	vld [tilespmem:s24+$0x70]  }
0x2b9: {  	v12 =	vadd.f32 v37, v12;
	v49 =	vadd.f32 v40, v39;
	v19 =	vld [tilespmem:s25+$0x70]  }
0x2ba: {  	v46 =	vld [tilespmem:s23+$0x70]  }
0x2bb: {  	v11 =	vadd.f32 v49, v12;
	v48 =	vld [tilespmem:s16+$0x70]  }
0x2bc: {  	v55 =	vadd.s32 v2, v7;
	v12 =	vadd.f32 v52, v51;
	v51 =	vld [tilespmem:s2+$0x10]  }
0x2bd: {  	v15 =	vadd.f32 v42, v41;
	v16 =	vadd.f32 v50, v23;
	[tilespmem:v47+s31+$0x0] =	vst.idx.msk $0xffff, v11;
	v52 =	vld [tilespmem:s1+$0x10]  }
0x2be: {  	v56 =	vld [tilespmem:s24+$0x20]  }
0x2bf: {  	v15 =	vadd.f32 v16, v15;
	v21 =	vld [tilespmem:s25+$0x20]  }
0x2c0: {  	v57 =	vld [tilespmem:s23+$0x20]  }
0x2c1: {  	v59 =	vadd.s32 v2, v8;
	[tilespmem:v55+s31+$0x0] =	vst.idx.msk $0xffff, v15;
	v58 =	vld [tilespmem:s16+$0x20]  }
0x2c2: {  	v11 =	vadd.f32 v54, v20;
	v17 =	vld [tilespmem:s24+$0xFFFFFFB0]  }
0x2c3: {  	v62 =	vld [tilespmem:s25+$0xFFFFFFB0]  }
0x2c4: {  	v24 =	vld [tilespmem:s23+$0xFFFFFFB0];
	v11 =	vadd.f32 v11, v12  }
0x2c5: {  	v63 =	vadd.s32 v2, v10;
	v26 =	vld [tilespmem:s16+$0xFFFFFFB0];
	v14 =	vadd.f32 v19, v45;
	v13 =	vadd.f32 v48, v46  }
0x2c6: {  	[tilespmem:v59+s31+$0x0] =	vst.idx.msk $0xffff, v11;
	v48 =	vld [tilespmem:s18+$0x10];
	v19 =	vadd.f32 v21, v56;
	v25 =	vadd.f32 v58, v57  }
0x2c7: {  	v27 =	vld [tilespmem:s24+$0xFFFFFFF0]  }
0x2c8: {  	v28 =	vld [tilespmem:s25+$0xFFFFFFF0];
	v11 =	vadd.f32 v25, v19  }
0x2c9: {  	v53 =	vadd.s32 v3, v9;
	v30 =	vld [tilespmem:s23+$0xFFFFFFF0]  }
0x2ca: {  	v31 =	vld [tilespmem:s16+$0xFFFFFFF0];
	[tilespmem:v63+s31+$0x0] =	vst.idx.msk $0xffff, v11  }
0x2cb: {  	v32 =	vld [tilespmem:s24+$0x30]  }
0x2cc: {  	v33 =	vadd.s32 v3, v7;
	v13 =	vadd.f32 v13, v14;
	v20 =	vld [tilespmem:s25+$0x30]  }
0x2cd: {  	v12 =	vadd.f32 v62, v17;
	v14 =	vadd.f32 v26, v24;
	v34 =	vld [tilespmem:s23+$0x30]  }
0x2ce: {  	s21 =	sadd.s32 $0x80, s21;
	[tilespmem:v53+s31+$0x0] =	vst.idx.msk $0xffff, v13;
	v36 =	vld [tilespmem:s16+$0x30]  }
0x2cf: {  	s15 =	sadd.s32 $0x80, s15;
	v35 =	vadd.s32 v3, v8;
	v12 =	vadd.f32 v14, v12;
	v13 =	vld [tilespmem:s21+$0x20]  }
0x2d0: {  	s17 =	sadd.s32 $0x80, s17;
	v60 =	vld [tilespmem:s15+$0x20];
	v16 =	vadd.f32 v28, v27;
	v11 =	vadd.f32 v31, v30  }
0x2d1: {  	v61 =	vld [tilespmem:s17+$0x20];
	[tilespmem:v33+s31+$0x0] =	vst.idx.msk $0xffff, v12  }
0x2d2: {  	v39 =	vadd.s32 v3, v10;
	v12 =	vld [tilespmem:s21+$0xFFFFFFC0];
	v11 =	vadd.f32 v11, v16  }
0x2d3: {  	v17 =	vld [tilespmem:s15+$0xFFFFFFC0];
	v40 =	vadd.f32 v20, v32;
	v41 =	vadd.f32 v36, v34  }
0x2d4: {  	v29 =	vadd.s32 v4, v9;
	v44 =	vld [tilespmem:s17+$0xFFFFFFC0];
	[tilespmem:v35+s31+$0x0] =	vst.idx.msk $0xffff, v11  }
0x2d5: {  	v13 =	vadd.f32 v60, v13;
	v42 =	vld [tilespmem:s21+$0xFFFFFFE0];
	v11 =	vadd.f32 v41, v40  }
0x2d6: {  	v43 =	vld [tilespmem:s15+$0xFFFFFFE0]  }
0x2d7: {  	v45 =	vld [tilespmem:s17+$0xFFFFFFE0];
	v13 =	vadd.f32 v61, v13;
	[tilespmem:v39+s31+$0x0] =	vst.idx.msk $0xffff, v11  }
0x2d8: {  	v46 =	vadd.s32 v4, v7;
	v16 =	vld [tilespmem:s21+$0x0]  }
0x2d9: {  	v12 =	vadd.f32 v17, v12;
	[tilespmem:v29+s31+$0x0] =	vst.idx.msk $0xffff, v13;
	v47 =	vld [tilespmem:s15+$0x0]  }
0x2da: {  	v21 =	vld [tilespmem:s21+$0x30]  }
0x2db: {  	v49 =	vadd.s32 v4, v8;
	v12 =	vadd.f32 v44, v12;
	v50 =	vld [tilespmem:s17+$0x0]  }
0x2dc: {  	v37 =	vld [tilespmem:s15+$0x30];
	v14 =	vadd.f32 v43, v42  }
0x2dd: {  	v53 =	vadd.s32 v4, v10;
	v38 =	vld [tilespmem:s17+$0x30];
	[tilespmem:v46+s31+$0x0] =	vst.idx.msk $0xffff, v12  }
0x2de: {  	v12 =	vld [tilespmem:s21+$0xFFFFFFD0];
	v14 =	vadd.f32 v45, v14;
	v16 =	vadd.f32 v47, v16  }
0x2df: {  	v54 =	vld [tilespmem:s15+$0xFFFFFFD0]  }
0x2e0: {  	v57 =	vld [tilespmem:s17+$0xFFFFFFD0];
	[tilespmem:v49+s31+$0x0] =	vst.idx.msk $0xffff, v14;
	v13 =	vadd.f32 v50, v16  }
0x2e1: {  	v55 =	vld [tilespmem:s21+$0xFFFFFFF0]  }
0x2e2: {  	v6 =	vadd.s32 v5, v6;
	v56 =	vld [tilespmem:s15+$0xFFFFFFF0];
	[tilespmem:v53+s31+$0x0] =	vst.idx.msk $0xffff, v13  }
0x2e3: {  	v58 =	vadd.s32 v5, v9;
	v18 =	vadd.f32 v51, v48;
	v11 =	vld [tilespmem:s21+$0x10]  }
0x2e4: {  	v7 =	vadd.s32 v5, v7;
	v15 =	vadd.f32 v37, v21;
	v13 =	vld [tilespmem:s15+$0x10]  }
0x2e5: {  	v62 =	vadd.f32 v52, v18;
	v59 =	vld [tilespmem:s17+$0xFFFFFFF0];
	v12 =	vadd.f32 v54, v12  }
0x2e6: {  	v15 =	vadd.f32 v38, v15;
	v60 =	vld [tilespmem:s17+$0x10]  }
0x2e7: {  	[tilespmem:v6+s31+$0x0] =	vst.idx.msk $0xffff, v62;
	v61 =	vadd.s32 v5, v8;
	v63 =	vadd.f32 v57, v12  }
0x2e8: {  	v10 =	vadd.s32 v5, v10;
	[tilespmem:v58+s31+$0x0] =	vst.idx.msk $0xffff, v15;
	v16 =	vadd.f32 v56, v55  }
0x2e9: {  	[tilespmem:v7+s31+$0x0] =	vst.idx.msk $0xffff, v63;
	v11 =	vadd.f32 v13, v11  }
0x2ea: {  	s23 =	rddreg [dreg:$0xa];
	v6 =	vadd.f32 v59, v16  }
0x2eb: {  	s0 =	sadd.s32 s23, s19;
	v7 =	vadd.f32 v60, v11  }
0x2ec: {  	s24 =	rddreg [dreg:$0x2];
	s0 =	sshrl.u32 s0, $0x3;
	[tilespmem:v61+s31+$0x0] =	vst.idx.msk $0xffff, v6  }
0x2ed: {  	s25 =	simm.s32 $0x19A00;
	s1 =	sadd.s32 s24, s0;
	[tilespmem:v10+s31+$0x0] =	vst.idx.msk $0xffff, v7  }
0x2ee: {  	[hbm4b:s1+s3] =	stream.linear.scatter [tilespmem:s25], [sflag:$0x4], $0x80, $0x38;
	[tilespmem:$0x1CD00] =	vst v63  }
0x2ef: {  	s2 =	simm.s32 $0x19A88;
	s4 =	sadd.s32 $0x10, s1  }
0x2f0: {  	[hbm4b:s4+s3] =	stream.linear.scatter [tilespmem:s2], [sflag:$0x4], $0x80, $0x38;
	[tilespmem:$0x1CD00] =	vst v63  }
0x2f1: {  	s15 =	simm.s32 $0x19B10;
	s17 =	simm.s32 $0x19B98;
	s16 =	sadd.s32 $0x20, s1  }
0x2f2: {  	[hbm4b:s16+s3] =	stream.linear.scatter [tilespmem:s15], [sflag:$0x4], $0x80, $0x38;
	[tilespmem:$0x1CD00] =	vst v63  }
0x2f3: {  	s21 =	simm.s32 $0x19CA8;
	s19 =	simm.s32 $0x19C20;
	s18 =	sadd.s32 $0x30, s1  }
0x2f4: {  	[hbm4b:s18+s3] =	stream.linear.scatter [tilespmem:s17], [sflag:$0x4], $0x80, $0x38;
	[tilespmem:$0x1CD00] =	vst v63  }
0x2f5: {  	s24 =	simm.s32 $0x19D30;
	s0 =	simm.s32 $0x440;
	s20 =	sadd.s32 $0x40, s1  }
0x2f6: {  	[hbm4b:s20+s3] =	stream.linear.scatter [tilespmem:s19], [sflag:$0x4], $0x80, $0x38;
	[tilespmem:$0x1CD00] =	vst v63  }
0x2f7: {  	s23 =	sadd.s32 $0x50, s1;
	s25 =	sadd.s32 $0x60, s1;
	s2 =	simm.s32 $0x2200  }
0x2f8: {  	[hbm4b:s23+s3] =	stream.linear.scatter [tilespmem:s21], [sflag:$0x4], $0x80, $0x38;
	[tilespmem:$0x1CD00] =	vst v63  }
0x2f9: {  	s15 =	simm.s32 $0x19DB8;
	s16 =	sadd.s32 $0x70, s1;
	s1 =	sadd.s32 $0x1000, s1  }
0x2fa: {  	[hbm4b:s25+s3] =	stream.linear.scatter [tilespmem:s24], [sflag:$0x4], $0x80, $0x38;
	[tilespmem:$0x1CD00] =	vst v63  }
.LBB2_12:
0x2fb: {  	[hbm4b:s16+s3] =	stream.linear.scatter [tilespmem:s15], [sflag:$0x4], $0x80, $0x38;
	[tilespmem:$0x1CD00] =	vst v63  }
0x2fc: {  	s4 =	smov.u32 s0;
	s0 =	smov.u32 s2  }
0x2fd: {  	s17 =	sadd.s32 $0x1100, s2;
	s0 =	sshra.s32 s0, $0x2;
	s15 =	sadd.s32 $0x19A00, s4  }
0x2fe: {  	[hbm4b:s1+s3] =	stream.linear.scatter [tilespmem:s15], [sflag:$0x4], $0x80, $0x38;
	[tilespmem:$0x1CD00] =	vst v63  }
0x2ff: {  	p1 =	sne.s32 s2, $0xBB00;
	s2 =	sadd.s32 $0x19A88, s4;
	s15 =	sadd.s32 $0x10, s1  }
0x300: {  	[hbm4b:s15+s3] =	stream.linear.scatter [tilespmem:s2], [sflag:$0x4], $0x80, $0x38;
	[tilespmem:$0x1CD00] =	vst v63  }
0x301: {  	s2 =	sadd.s32 $0x19B10, s4;
	s15 =	sadd.s32 $0x20, s1  }
0x302: {  	[hbm4b:s15+s3] =	stream.linear.scatter [tilespmem:s2], [sflag:$0x4], $0x80, $0x38;
	[tilespmem:$0x1CD00] =	vst v63  }
0x303: {  	s2 =	sadd.s32 $0x19B98, s4;
	s15 =	sadd.s32 $0x30, s1  }
0x304: {  	[hbm4b:s15+s3] =	stream.linear.scatter [tilespmem:s2], [sflag:$0x4], $0x80, $0x38;
	[tilespmem:$0x1CD00] =	vst v63  }
0x305: {  	s2 =	sadd.s32 $0x19C20, s4;
	s15 =	sadd.s32 $0x40, s1  }
0x306: {  	[hbm4b:s15+s3] =	stream.linear.scatter [tilespmem:s2], [sflag:$0x4], $0x80, $0x38;
	[tilespmem:$0x1CD00] =	vst v63  }
.Ltmp7:
0x307: {  	s2 =	sadd.s32 $0x19CA8, s4;
	s15 =	sadd.s32 $0x50, s1;
	(pc) =	sbr.rel @p1 .LBB2_12-.Ltmp7, $4  }
0x308: {  	[hbm4b:s15+s3] =	stream.linear.scatter [tilespmem:s2], [sflag:$0x4], $0x80, $0x38;
	[tilespmem:$0x1CD00] =	vst v63  }
0x309: {  	s16 =	sadd.s32 $0x70, s1;
	s2 =	sadd.s32 $0x19D30, s4;
	s15 =	sadd.s32 $0x60, s1  }
0x30a: {  	[hbm4b:s15+s3] =	stream.linear.scatter [tilespmem:s2], [sflag:$0x4], $0x80, $0x38;
	[tilespmem:$0x1CD00] =	vst v63  }
0x30b: {  	s1 =	sadd.s32 $0x1000, s1;
	s15 =	sadd.s32 $0x19DB8, s4;
	s2 =	smov.u32 s17  }
0x30c: {  	[hbm4b:s16+s3] =	stream.linear.scatter [tilespmem:s15], [sflag:$0x4], $0x80, $0x38;
	[tilespmem:$0x1CD00] =	vst v63  }
0x30d: {  	s2 =	sadd.s32 $0x19A00, s0  }
0x30e: {  	[hbm4b:s1+s3] =	stream.linear.scatter [tilespmem:s2], [sflag:$0x4], $0x80, $0x38;
	[tilespmem:$0x1CD00] =	vst v63  }
0x30f: {  	s23 =	sadd.s32 $0x19A88, s0;
	s4 =	sadd.s32 $0x10, s1  }
0x310: {  	[hbm4b:s4+s3] =	stream.linear.scatter [tilespmem:s23], [sflag:$0x4], $0x80, $0x38;
	[tilespmem:$0x1CD00] =	vst v63  }
0x311: {  	s24 =	sadd.s32 $0x19B10, s0;
	s25 =	sadd.s32 $0x20, s1  }
0x312: {  	[hbm4b:s25+s3] =	stream.linear.scatter [tilespmem:s24], [sflag:$0x4], $0x80, $0x38;
	[tilespmem:$0x1CD00] =	vst v63  }
0x313: {  	s15 =	sadd.s32 $0x19B98, s0;
	s16 =	sadd.s32 $0x30, s1  }
0x314: {  	[hbm4b:s16+s3] =	stream.linear.scatter [tilespmem:s15], [sflag:$0x4], $0x80, $0x38;
	[tilespmem:$0x1CD00] =	vst v63  }
0x315: {  	s17 =	sadd.s32 $0x19C20, s0;
	s18 =	sadd.s32 $0x40, s1  }
0x316: {  	[hbm4b:s18+s3] =	stream.linear.scatter [tilespmem:s17], [sflag:$0x4], $0x80, $0x38;
	[tilespmem:$0x1CD00] =	vst v63  }
0x317: {  	s19 =	sadd.s32 $0x19CA8, s0;
	s20 =	sadd.s32 $0x50, s1  }
0x318: {  	[hbm4b:s20+s3] =	stream.linear.scatter [tilespmem:s19], [sflag:$0x4], $0x80, $0x38;
	[tilespmem:$0x1CD00] =	vst v63  }
.Ltmp8:
0x319: {  	_ = 	snop;
	(pc) =	sbr.rel @p0 .LBB2_15-.Ltmp8, $4  }
0x31a: {  	s21 =	sadd.s32 $0x19D30, s0;
	s23 =	sadd.s32 $0x60, s1  }
0x31b: {  	[hbm4b:s23+s3] =	stream.linear.scatter [tilespmem:s21], [sflag:$0x4], $0x80, $0x38;
	[tilespmem:$0x1CD00] =	vst v63  }
0x31c: {  	s24 =	sadd.s32 $0x19DB8, s0;
	s25 =	sadd.s32 $0x70, s1  }
0x31d: {  	[hbm4b:s25+s3] =	stream.linear.scatter [tilespmem:s24], [sflag:$0x4], $0x80, $0x38;
	[tilespmem:$0x1CD00] =	vst v63  }
0x31e: {  	_ =	swait.ge [sflag:s5], $0x200  }
0x31f: {  	[sflag:s5] =	ssyncset.done $0x0  }
0x320: {  	[sflag:s5] =	ssyncadd.s32 $0xFFFFFE00  }
0x321: {  	_ =	swait.ge [sflag:s5], $0x180  }
0x322: {  	[sflag:s5] =	ssyncset.done $0x0  }
0x323: {  	s0 =	simm.s32 $0x200;
	s1 =	simm.s32 $0x8700;
	[sflag:s5] =	ssyncadd.s32 $0xFFFFFE80  }
0x324: {  	[tilespmem:s1], [sflag:$0x2] =	stream.indirect.gather [hbm4b:s6+s26], $0x40, s0, s26, $0xb8;
	[tilespmem:$0x1CD00] =	vst v63  }
0x325: {  	s2 =	simm.s32 $0x280;
	s4 =	simm.s32 $0xA700  }
0x326: {  	[tilespmem:s4], [sflag:$0x2] =	stream.indirect.gather [hbm4b:s7+s26], $0x40, s2, s26, $0xb8;
	[tilespmem:$0x1CD00] =	vst v63  }
0x327: {  	s15 =	simm.s32 $0x300;
	s16 =	simm.s32 $0xC700  }
0x328: {  	[tilespmem:s16], [sflag:$0x2] =	stream.indirect.gather [hbm4b:s8+s26], $0x40, s15, s26, $0xb8;
	[tilespmem:$0x1CD00] =	vst v63  }
0x329: {  	s17 =	simm.s32 $0x380;
	s18 =	simm.s32 $0xE700  }
0x32a: {  	[tilespmem:s18], [sflag:$0x2] =	stream.indirect.gather [hbm4b:s9+s26], $0x40, s17, s26, $0xb8;
	[tilespmem:$0x1CD00] =	vst v63  }
0x32b: {  	s19 =	simm.s32 $0x580;
	s20 =	simm.s32 $0x13700  }
0x32c: {  	[tilespmem:s20], [sflag:$0x2] =	stream.indirect.gather [hbm4b:s10+s26], $0x20, s19, s26, $0xb8;
	[tilespmem:$0x1CD00] =	vst v63  }
.Ltmp9:
0x32d: {  	_ = 	snop;
	(pc) =	sbr.rel .LBB2_2-.Ltmp9, $4  }
0x32e: {  	s21 =	simm.s32 $0x600;
	s23 =	simm.s32 $0x14700  }
0x32f: {  	[tilespmem:s23], [sflag:$0x2] =	stream.indirect.gather [hbm4b:s11+s26], $0x20, s21, s26, $0xb8;
	[tilespmem:$0x1CD00] =	vst v63  }
0x330: {  	s24 =	simm.s32 $0x680;
	s25 =	simm.s32 $0x15700;
	s22 =	sadd.s32 $0x1, s22  }
0x331: {  	[tilespmem:s25], [sflag:$0x2] =	stream.indirect.gather [hbm4b:s13+s26], $0x20, s24, s26, $0xb8;
	[tilespmem:$0x1CD00] =	vst v63  }
.LBB2_16:
0x332: {  	_ =	sfence.sel $0x180000  }
0x333: {  	[bflag:$0x0] =	sbarrier.arrive $0xFFFF  }
0x334: {  	_ =	strace $0x90000047  }
0x335: {  	s0 =	stileid.u32;
	[bflag:$0x2] =	sbarrier.arrive $0xFFFF  }
0x336: {  	p0 =	sne.s32 s0, $0x0;
	s0 =	rddreg [dreg:$0x3]  }
0x337: {  	s0 =	sadd.s32 @!p0 $0x100000, s0  }
0x338: {  	[sflag:s0] =	ssyncadd.tile.s32 @!p0 $0x1;
	_ =	shalt  }
.Lfunc_end2:
_tile_overlayer_lowered:
.L_overlay_start_2:
0x339: {  	(tag) =	ssettag $0x2  }
0x33a: {  	s0 =	rddreg [dreg:$0x0];
	s2 =	stileid.u32  }
0x33b: {  	s1 =	rddreg [dreg:$0x1];
	p0 =	sne.s32 s2, $0x0  }
0x33c: {  	s3 =	rddreg [dreg:$0x2];
	[bflag:$0x3] =	sbarrier.arrive $0xFFFF;
	s2 =	simm.s32 @!p0 $0x1C07  }
0x33d: {  	[timem:s3], [sflag:s2] =	dma.local @!p0 [hbm:s0], s1  }
0x33e: {  	s0 =	simm.s32 @!p0 $0x7  }
0x33f: {  	_ =	swait.ge @!p0 [sflag:s0], s1  }
0x340: {  	s1 =	ssub.s32 @!p0 $0x0, s1;
	[sflag:s0] =	ssyncset.done @!p0 $0x0  }
0x341: {  	[sflag:s0] =	ssyncadd.s32 @!p0 s1  }
0x342: {  	[bflag:$0x3] =	sbarrier.arrive $0xFFFF  }
0x343: {  	_ =	shalt  }

</sc_bundles>
